<compile_context>
chip_gen: v7x
topology: tpu7x:2x2x1
jax: 0.10.2.dev20260603
libtpu: 0.0.44.dev20260713+nightly
codegen_flags: <defaults>
</compile_context>

<pallas_src>
import functools

import jax
import jax.numpy as jnp
from jax import lax
from jax.experimental import pallas as pl
from jax.experimental.pallas import tpu as pltpu
from jax.experimental.pallas import tpu_sc as plsc

_MAXLEN = 200
_D = 64
_B = 4096
_NC, _NS = 2, 16
_NW = _NC * _NS
_G = _B // _NW
_NG = _MAXLEN
_NBUF = 8


def _body(tok_hbm, x_hbm, pos_hbm, out_hbm, xrow_v, idx_v, pos_v,
          b0, b1, b2, b3, b4, b5, b6, b7,
          g0, g1, g2, g3, g4, g5, g6, g7, o0, o1, o2, o3, o4, o5, o6, o7):
    bufs = [b0, b1, b2, b3, b4, b5, b6, b7]
    gsems = [g0, g1, g2, g3, g4, g5, g6, g7]
    osems = [o0, o1, o2, o3, o4, o5, o6, o7]

    wid = lax.axis_index("s") * _NC + lax.axis_index("c")
    base = wid * _G
    pltpu.sync_copy(x_hbm.at[pl.ds(base, _G)], xrow_v)
    pltpu.sync_copy(pos_hbm, pos_v)

    rows16 = [lax.iota(jnp.int32, 16) + 16 * k for k in range(_G // 16)]

    @plsc.parallel_loop(0, _NG, step=1, unroll=4)
    def _transpose(j):
        col = jnp.full((16,), j, jnp.int32)
        for k in range(_G // 16):
            idx_v[j, pl.ds(16 * k, 16)] = plsc.load_gather(
                xrow_v, [rows16[k], col])

    def fire_gather(j, b):
        pltpu.async_copy(tok_hbm.at[idx_v.at[j]], bufs[b], gsems[b])

    def wait_gather(j, b):
        pltpu.make_async_copy(tok_hbm.at[idx_v.at[j]], bufs[b], gsems[b]).wait()

    def fire_write(j, b):
        pltpu.async_copy(
            bufs[b], out_hbm.at[pl.ds(base, _G), j, pl.ds(0, _D)], osems[b])

    def wait_write(j, b):
        pltpu.make_async_copy(
            bufs[b], out_hbm.at[pl.ds(base, _G), j, pl.ds(0, _D)],
            osems[b]).wait()

    def compute(j, b):
        pvs = [pos_v[j, pl.ds(c * 16, 16)] for c in range(_D // 16)]

        @plsc.parallel_loop(0, _G, step=1, unroll=8)
        def add_row(i):
            for c in range(_D // 16):
                plsc.addupdate(bufs[b].at[i, pl.ds(c * 16, 16)], pvs[c])

    for j in range(4):
        fire_gather(j, j)

    for j in range(4):
        wait_gather(j, j)
        compute(j, j)
        fire_write(j, j)
        fire_gather(j + 4, j + 4)

    def round_body(r, carry):
        j0 = 4 + r * _NBUF
        for p in range(_NBUF):
            j = j0 + p
            b = (4 + p) % _NBUF
            bn = p % _NBUF
            wait_gather(j, b)
            compute(j, b)
            fire_write(j, b)
            wait_write(j - 4, bn)
            fire_gather(j + 4, bn)
        return carry

    lax.fori_loop(0, (_NG - _NBUF) // _NBUF, round_body, 0)

    for j in range(196, 200):
        b = j % _NBUF
        wait_gather(j, b)
        compute(j, b)
        fire_write(j, b)
        wait_write(j - 4, (j - 4) % _NBUF)

    for j in range(196, 200):
        wait_write(j, j % _NBUF)


_emb = functools.partial(
    pl.kernel,
    out_type=jax.ShapeDtypeStruct((_B, _MAXLEN, 128), jnp.float32),
    mesh=plsc.VectorSubcoreMesh(
        core_axis_name="c", subcore_axis_name="s",
        num_cores=_NC, num_subcores=_NS),
    scratch_types=(
        [pltpu.VMEM((_G, _NG), jnp.int32),
         pltpu.VMEM((_NG, _G), jnp.int32),
         pltpu.VMEM((_MAXLEN, _D), jnp.float32)]
        + [pltpu.VMEM((_G, _D), jnp.float32) for _ in range(_NBUF)]
        + [pltpu.SemaphoreType.DMA for _ in range(2 * _NBUF)]
    ),
    compiler_params=pltpu.CompilerParams(
        use_tc_tiling_on_sc=False, needs_layout_passes=False),
)(_body)


def kernel(x, token_table, pos_table):
    return _emb(token_table, x, pos_table)[..., :_D]

# --- scband reference (transcript-rebuilt; emitter-appended) ---
"""Pipeline reference for scband-token-and-positional-embedding-45011257262258 (READ-ONLY COPY).

The authoritative reference and input builder live on the scoring server;
editing this copy changes nothing except your own understanding.
"""

import jax, jax.numpy as jnp
import numpy as np

VOCAB_SIZE = 100000
MAX_LEN = 200
EMBED_DIM = 64
BATCH = 4096

def setup_inputs(seed: int = 0) -> dict:
    key = jax.random.key(seed)
    k1, k2, k3 = jax.random.split(key, 3)
    x = jax.random.randint(k1, (BATCH, MAX_LEN), 0, VOCAB_SIZE, dtype=jnp.int32)
    token_table = jax.random.normal(k2, (VOCAB_SIZE, EMBED_DIM), dtype=jnp.float32) * 0.02
    pos_table = jax.random.normal(k3, (MAX_LEN, EMBED_DIM), dtype=jnp.float32) * 0.02
    return {"x": x, "token_table": token_table, "pos_table": pos_table}

def reference(x, token_table, pos_table):
    # token embedding lookup: gather rows of token_table
    token_embeddings = jnp.take(token_table, x, axis=0)  # [B, L, D]
    # positional embedding: positions 0..L-1
    seq_len = x.shape[-1]
    positions = jnp.arange(0, seq_len)
    position_embeddings = jnp.take(pos_table, positions, axis=0)  # [L, D]
    return token_embeddings + position_embeddings[None, :, :]

if __name__ == "__main__":
    import jax
    _d = setup_inputs()
    print(jax.jit(kernel)(*tuple(_d.values())))

</pallas_src>

<mosaic_0001>
#map = affine_map<(d0, d1) -> (0, 0)>
#map1 = affine_map<(d0, d1) -> (0, 0, 0)>
module attributes {stable_mosaic.version = 14 : i64} {
  func.func @_body(%arg0: i32, %arg1: i32, %arg2: memref<100000x64xf32, #tpu.memory_space<hbm>>, %arg3: memref<4096x200xi32, #tpu.memory_space<hbm>>, %arg4: memref<200x64xf32, #tpu.memory_space<hbm>>, %arg5: memref<4096x200x128xf32, #tpu.memory_space<hbm>>, %arg6: memref<128x200xi32, #tpu.memory_space<vmem>>, %arg7: memref<200x128xi32, #tpu.memory_space<vmem>>, %arg8: memref<200x64xf32, #tpu.memory_space<vmem>>, %arg9: memref<128x64xf32, #tpu.memory_space<vmem>>, %arg10: memref<128x64xf32, #tpu.memory_space<vmem>>, %arg11: memref<128x64xf32, #tpu.memory_space<vmem>>, %arg12: memref<128x64xf32, #tpu.memory_space<vmem>>, %arg13: memref<128x64xf32, #tpu.memory_space<vmem>>, %arg14: memref<128x64xf32, #tpu.memory_space<vmem>>, %arg15: memref<128x64xf32, #tpu.memory_space<vmem>>, %arg16: memref<128x64xf32, #tpu.memory_space<vmem>>, %arg17: memref<!tpu.dma_semaphore, #tpu.memory_space<semaphore_mem>>, %arg18: memref<!tpu.dma_semaphore, #tpu.memory_space<semaphore_mem>>, %arg19: memref<!tpu.dma_semaphore, #tpu.memory_space<semaphore_mem>>, %arg20: memref<!tpu.dma_semaphore, #tpu.memory_space<semaphore_mem>>, %arg21: memref<!tpu.dma_semaphore, #tpu.memory_space<semaphore_mem>>, %arg22: memref<!tpu.dma_semaphore, #tpu.memory_space<semaphore_mem>>, %arg23: memref<!tpu.dma_semaphore, #tpu.memory_space<semaphore_mem>>, %arg24: memref<!tpu.dma_semaphore, #tpu.memory_space<semaphore_mem>>, %arg25: memref<!tpu.dma_semaphore, #tpu.memory_space<semaphore_mem>>, %arg26: memref<!tpu.dma_semaphore, #tpu.memory_space<semaphore_mem>>, %arg27: memref<!tpu.dma_semaphore, #tpu.memory_space<semaphore_mem>>, %arg28: memref<!tpu.dma_semaphore, #tpu.memory_space<semaphore_mem>>, %arg29: memref<!tpu.dma_semaphore, #tpu.memory_space<semaphore_mem>>, %arg30: memref<!tpu.dma_semaphore, #tpu.memory_space<semaphore_mem>>, %arg31: memref<!tpu.dma_semaphore, #tpu.memory_space<semaphore_mem>>, %arg32: memref<!tpu.dma_semaphore, #tpu.memory_space<semaphore_mem>>) attributes {dimension_semantics = [#tpu.dimension_semantics<core_parallel>, #tpu.dimension_semantics<subcore_parallel>], iteration_bounds = array<i64: 2, 16>, scalar_prefetch = 0 : i64, scratch_operands = 27 : i64, tpu.core_type = #tpu.core_type<sc_vector_subcore>, window_params = [{transform_indices = #map}, {transform_indices = #map}, {transform_indices = #map}, {transform_indices = #map1}]} {
    %mul3A = arith.constant 2 : i32
    %mul3A_0 = arith.muli %arg1, %mul3A : i32
    %add3A = arith.addi %mul3A_0, %arg0 : i32
    %mul3A_1 = arith.constant 128 : i32
    %mul3A_2 = arith.muli %add3A, %mul3A_1 : i32
    "tpu.region"() ({
      %run_scoped3A = tpu.sem_alloc : memref<!tpu.dma_semaphore, #tpu.memory_space<semaphore_mem>>
      %dma_start3A_414 = arith.constant 0 : i32
      %dma_start3A_415 = tpu.memref_slice %arg3[%mul3A_2, %dma_start3A_414] : memref<4096x200xi32, #tpu.memory_space<hbm>> -> memref<128x200xi32, #tpu.memory_space<hbm>>
      %dma_start3A_416 = arith.constant 0 : i32
      %dma_start3A_417 = tpu.memref_slice %arg3[%mul3A_2, %dma_start3A_416] : memref<4096x200xi32, #tpu.memory_space<hbm>> -> memref<128x200xi32, #tpu.memory_space<hbm>>
      tpu.enqueue_dma source(%dma_start3A_417 : memref<128x200xi32, #tpu.memory_space<hbm>>) target(%arg6 : memref<128x200xi32, #tpu.memory_space<vmem>>) target_semaphore(%run_scoped3A : memref<!tpu.dma_semaphore, #tpu.memory_space<semaphore_mem>>)
      %dma_wait3A_418 = arith.constant 0 : i32
      %dma_wait3A_419 = tpu.memref_slice %arg3[%mul3A_2, %dma_wait3A_418] : memref<4096x200xi32, #tpu.memory_space<hbm>> -> memref<128x200xi32, #tpu.memory_space<hbm>>
      %dma_wait3A_420 = arith.constant 0 : i32
      %dma_wait3A_421 = tpu.memref_slice %arg3[%mul3A_2, %dma_wait3A_420] : memref<4096x200xi32, #tpu.memory_space<hbm>> -> memref<128x200xi32, #tpu.memory_space<hbm>>
      tpu.wait_dma2 semaphore(%run_scoped3A : memref<!tpu.dma_semaphore, #tpu.memory_space<semaphore_mem>>) src(%dma_wait3A_421 : memref<128x200xi32, #tpu.memory_space<hbm>>) dst(%arg6 : memref<128x200xi32, #tpu.memory_space<vmem>>)
      tpu.yield
    }) : () -> ()
    "tpu.region"() ({
      %run_scoped3A = tpu.sem_alloc : memref<!tpu.dma_semaphore, #tpu.memory_space<semaphore_mem>>
      tpu.enqueue_dma source(%arg4 : memref<200x64xf32, #tpu.memory_space<hbm>>) target(%arg8 : memref<200x64xf32, #tpu.memory_space<vmem>>) target_semaphore(%run_scoped3A : memref<!tpu.dma_semaphore, #tpu.memory_space<semaphore_mem>>)
      tpu.wait_dma2 semaphore(%run_scoped3A : memref<!tpu.dma_semaphore, #tpu.memory_space<semaphore_mem>>) src(%arg4 : memref<200x64xf32, #tpu.memory_space<hbm>>) dst(%arg8 : memref<200x64xf32, #tpu.memory_space<vmem>>)
      tpu.yield
    }) : () -> ()
    %iota3A = tpu.iota {dimensions = array<i32: 0>} : vector<16xi32>
    %add3A_3 = arith.constant 0 : i32
    %add3A_4 = vector.broadcast %add3A_3 : i32 to vector<16xi32>
    %add3A_5 = arith.addi %iota3A, %add3A_4 : vector<16xi32>
    %iota3A_6 = tpu.iota {dimensions = array<i32: 0>} : vector<16xi32>
    %add3A_7 = arith.constant 16 : i32
    %add3A_8 = vector.broadcast %add3A_7 : i32 to vector<16xi32>
    %add3A_9 = arith.addi %iota3A_6, %add3A_8 : vector<16xi32>
    %iota3A_10 = tpu.iota {dimensions = array<i32: 0>} : vector<16xi32>
    %add3A_11 = arith.constant 32 : i32
    %add3A_12 = vector.broadcast %add3A_11 : i32 to vector<16xi32>
    %add3A_13 = arith.addi %iota3A_10, %add3A_12 : vector<16xi32>
    %iota3A_14 = tpu.iota {dimensions = array<i32: 0>} : vector<16xi32>
    %add3A_15 = arith.constant 48 : i32
    %add3A_16 = vector.broadcast %add3A_15 : i32 to vector<16xi32>
    %add3A_17 = arith.addi %iota3A_14, %add3A_16 : vector<16xi32>
    %iota3A_18 = tpu.iota {dimensions = array<i32: 0>} : vector<16xi32>
    %add3A_19 = arith.constant 64 : i32
    %add3A_20 = vector.broadcast %add3A_19 : i32 to vector<16xi32>
    %add3A_21 = arith.addi %iota3A_18, %add3A_20 : vector<16xi32>
    %iota3A_22 = tpu.iota {dimensions = array<i32: 0>} : vector<16xi32>
    %add3A_23 = arith.constant 80 : i32
    %add3A_24 = vector.broadcast %add3A_23 : i32 to vector<16xi32>
    %add3A_25 = arith.addi %iota3A_22, %add3A_24 : vector<16xi32>
    %iota3A_26 = tpu.iota {dimensions = array<i32: 0>} : vector<16xi32>
    %add3A_27 = arith.constant 96 : i32
    %add3A_28 = vector.broadcast %add3A_27 : i32 to vector<16xi32>
    %add3A_29 = arith.addi %iota3A_26, %add3A_28 : vector<16xi32>
    %iota3A_30 = tpu.iota {dimensions = array<i32: 0>} : vector<16xi32>
    %add3A_31 = arith.constant 112 : i32
    %add3A_32 = vector.broadcast %add3A_31 : i32 to vector<16xi32>
    %add3A_33 = arith.addi %iota3A_30, %add3A_32 : vector<16xi32>
    %parallel_loop3A = arith.constant 0 : i32
    %parallel_loop3A_34 = arith.constant 200 : i32
    %parallel_loop3A_35 = arith.constant 1 : i32
    scf.for %parallel_loop3A_414 = %parallel_loop3A to %parallel_loop3A_34 step %parallel_loop3A_35  : i32 {
      %parallel_loop3A_415 = vector.broadcast %parallel_loop3A_414 : i32 to vector<16xi32>
      %parallel_loop3A_416 = tpu.vector_load_idx %arg6[%add3A_5, %parallel_loop3A_415] : memref<128x200xi32, #tpu.memory_space<vmem>>[vector<16xi32>, vector<16xi32>], vector<16xi32>,
      %parallel_loop3A_417 = arith.index_cast %parallel_loop3A_414 : i32 to index
      %parallel_loop3A_418 = arith.constant 0 : index
      %parallel_loop3A_419 = tpu.vector_load %arg7[%parallel_loop3A_417, %parallel_loop3A_418] {strides = array<i32>} : memref<200x128xi32, #tpu.memory_space<vmem>>, vector<16xi32>,
      tpu.vector_store %arg7[%parallel_loop3A_417, %parallel_loop3A_418], %parallel_loop3A_416 {strides = array<i32>} : memref<200x128xi32, #tpu.memory_space<vmem>>, vector<16xi32>,
      %parallel_loop3A_420 = tpu.vector_load_idx %arg6[%add3A_9, %parallel_loop3A_415] : memref<128x200xi32, #tpu.memory_space<vmem>>[vector<16xi32>, vector<16xi32>], vector<16xi32>,
      %parallel_loop3A_421 = arith.index_cast %parallel_loop3A_414 : i32 to index
      %parallel_loop3A_422 = arith.constant 16 : index
      %parallel_loop3A_423 = tpu.vector_load %arg7[%parallel_loop3A_421, %parallel_loop3A_422] {strides = array<i32>} : memref<200x128xi32, #tpu.memory_space<vmem>>, vector<16xi32>,
      tpu.vector_store %arg7[%parallel_loop3A_421, %parallel_loop3A_422], %parallel_loop3A_420 {strides = array<i32>} : memref<200x128xi32, #tpu.memory_space<vmem>>, vector<16xi32>,
      %parallel_loop3A_424 = tpu.vector_load_idx %arg6[%add3A_13, %parallel_loop3A_415] : memref<128x200xi32, #tpu.memory_space<vmem>>[vector<16xi32>, vector<16xi32>], vector<16xi32>,
      %parallel_loop3A_425 = arith.index_cast %parallel_loop3A_414 : i32 to index
      %parallel_loop3A_426 = arith.constant 32 : index
      %parallel_loop3A_427 = tpu.vector_load %arg7[%parallel_loop3A_425, %parallel_loop3A_426] {strides = array<i32>} : memref<200x128xi32, #tpu.memory_space<vmem>>, vector<16xi32>,
      tpu.vector_store %arg7[%parallel_loop3A_425, %parallel_loop3A_426], %parallel_loop3A_424 {strides = array<i32>} : memref<200x128xi32, #tpu.memory_space<vmem>>, vector<16xi32>,
      %parallel_loop3A_428 = tpu.vector_load_idx %arg6[%add3A_17, %parallel_loop3A_415] : memref<128x200xi32, #tpu.memory_space<vmem>>[vector<16xi32>, vector<16xi32>], vector<16xi32>,
      %parallel_loop3A_429 = arith.index_cast %parallel_loop3A_414 : i32 to index
      %parallel_loop3A_430 = arith.constant 48 : index
      %parallel_loop3A_431 = tpu.vector_load %arg7[%parallel_loop3A_429, %parallel_loop3A_430] {strides = array<i32>} : memref<200x128xi32, #tpu.memory_space<vmem>>, vector<16xi32>,
      tpu.vector_store %arg7[%parallel_loop3A_429, %parallel_loop3A_430], %parallel_loop3A_428 {strides = array<i32>} : memref<200x128xi32, #tpu.memory_space<vmem>>, vector<16xi32>,
      %parallel_loop3A_432 = tpu.vector_load_idx %arg6[%add3A_21, %parallel_loop3A_415] : memref<128x200xi32, #tpu.memory_space<vmem>>[vector<16xi32>, vector<16xi32>], vector<16xi32>,
      %parallel_loop3A_433 = arith.index_cast %parallel_loop3A_414 : i32 to index
      %parallel_loop3A_434 = arith.constant 64 : index
      %parallel_loop3A_435 = tpu.vector_load %arg7[%parallel_loop3A_433, %parallel_loop3A_434] {strides = array<i32>} : memref<200x128xi32, #tpu.memory_space<vmem>>, vector<16xi32>,
      tpu.vector_store %arg7[%parallel_loop3A_433, %parallel_loop3A_434], %parallel_loop3A_432 {strides = array<i32>} : memref<200x128xi32, #tpu.memory_space<vmem>>, vector<16xi32>,
      %parallel_loop3A_436 = tpu.vector_load_idx %arg6[%add3A_25, %parallel_loop3A_415] : memref<128x200xi32, #tpu.memory_space<vmem>>[vector<16xi32>, vector<16xi32>], vector<16xi32>,
      %parallel_loop3A_437 = arith.index_cast %parallel_loop3A_414 : i32 to index
      %parallel_loop3A_438 = arith.constant 80 : index
      %parallel_loop3A_439 = tpu.vector_load %arg7[%parallel_loop3A_437, %parallel_loop3A_438] {strides = array<i32>} : memref<200x128xi32, #tpu.memory_space<vmem>>, vector<16xi32>,
      tpu.vector_store %arg7[%parallel_loop3A_437, %parallel_loop3A_438], %parallel_loop3A_436 {strides = array<i32>} : memref<200x128xi32, #tpu.memory_space<vmem>>, vector<16xi32>,
      %parallel_loop3A_440 = tpu.vector_load_idx %arg6[%add3A_29, %parallel_loop3A_415] : memref<128x200xi32, #tpu.memory_space<vmem>>[vector<16xi32>, vector<16xi32>], vector<16xi32>,
      %parallel_loop3A_441 = arith.index_cast %parallel_loop3A_414 : i32 to index
      %parallel_loop3A_442 = arith.constant 96 : index
      %parallel_loop3A_443 = tpu.vector_load %arg7[%parallel_loop3A_441, %parallel_loop3A_442] {strides = array<i32>} : memref<200x128xi32, #tpu.memory_space<vmem>>, vector<16xi32>,
      tpu.vector_store %arg7[%parallel_loop3A_441, %parallel_loop3A_442], %parallel_loop3A_440 {strides = array<i32>} : memref<200x128xi32, #tpu.memory_space<vmem>>, vector<16xi32>,
      %parallel_loop3A_444 = tpu.vector_load_idx %arg6[%add3A_33, %parallel_loop3A_415] : memref<128x200xi32, #tpu.memory_space<vmem>>[vector<16xi32>, vector<16xi32>], vector<16xi32>,
      %parallel_loop3A_445 = arith.index_cast %parallel_loop3A_414 : i32 to index
      %parallel_loop3A_446 = arith.constant 112 : index
      %parallel_loop3A_447 = tpu.vector_load %arg7[%parallel_loop3A_445, %parallel_loop3A_446] {strides = array<i32>} : memref<200x128xi32, #tpu.memory_space<vmem>>, vector<16xi32>,
      tpu.vector_store %arg7[%parallel_loop3A_445, %parallel_loop3A_446], %parallel_loop3A_444 {strides = array<i32>} : memref<200x128xi32, #tpu.memory_space<vmem>>, vector<16xi32>,
    } {sc.loop_unroll_factor = 4 : i64, sc.parallel_access}
    %dma_start3A = arith.constant 0 : i32
    %dma_start3A_36 = arith.constant 0 : i32
    %dma_start3A_37 = tpu.memref_slice %arg7[%dma_start3A, %dma_start3A_36] : memref<200x128xi32, #tpu.memory_space<vmem>> -> memref<1x128xi32, #tpu.memory_space<vmem>>
    %dma_start3A_38 = tpu.memref_squeeze %dma_start3A_37 : memref<1x128xi32, #tpu.memory_space<vmem>> -> memref<128xi32, #tpu.memory_space<vmem>>
    %dma_start3A_39 = arith.constant 0 : i32
    %dma_start3A_40 = arith.constant 0 : i32
    %dma_start3A_41 = tpu.memref_slice %arg2[%dma_start3A_39, %dma_start3A_40] : memref<100000x64xf32, #tpu.memory_space<hbm>> -> memref<100000x64xf32, #tpu.memory_space<hbm>>
    tpu.enqueue_indirect_dma source(%dma_start3A_41 : memref<100000x64xf32, #tpu.memory_space<hbm>>) target(%arg9 : memref<128x64xf32, #tpu.memory_space<vmem>>) offsets(%dma_start3A_38 : memref<128xi32, #tpu.memory_space<vmem>>) semaphore(%arg17 : memref<!tpu.dma_semaphore, #tpu.memory_space<semaphore_mem>>)
    %dma_start3A_42 = arith.constant 1 : i32
    %dma_start3A_43 = arith.constant 0 : i32
    %dma_start3A_44 = tpu.memref_slice %arg7[%dma_start3A_42, %dma_start3A_43] : memref<200x128xi32, #tpu.memory_space<vmem>> -> memref<1x128xi32, #tpu.memory_space<vmem>>
    %dma_start3A_45 = tpu.memref_squeeze %dma_start3A_44 : memref<1x128xi32, #tpu.memory_space<vmem>> -> memref<128xi32, #tpu.memory_space<vmem>>
    %dma_start3A_46 = arith.constant 0 : i32
    %dma_start3A_47 = arith.constant 0 : i32
    %dma_start3A_48 = tpu.memref_slice %arg2[%dma_start3A_46, %dma_start3A_47] : memref<100000x64xf32, #tpu.memory_space<hbm>> -> memref<100000x64xf32, #tpu.memory_space<hbm>>
    tpu.enqueue_indirect_dma source(%dma_start3A_48 : memref<100000x64xf32, #tpu.memory_space<hbm>>) target(%arg10 : memref<128x64xf32, #tpu.memory_space<vmem>>) offsets(%dma_start3A_45 : memref<128xi32, #tpu.memory_space<vmem>>) semaphore(%arg18 : memref<!tpu.dma_semaphore, #tpu.memory_space<semaphore_mem>>)
    %dma_start3A_49 = arith.constant 2 : i32
    %dma_start3A_50 = arith.constant 0 : i32
    %dma_start3A_51 = tpu.memref_slice %arg7[%dma_start3A_49, %dma_start3A_50] : memref<200x128xi32, #tpu.memory_space<vmem>> -> memref<1x128xi32, #tpu.memory_space<vmem>>
    %dma_start3A_52 = tpu.memref_squeeze %dma_start3A_51 : memref<1x128xi32, #tpu.memory_space<vmem>> -> memref<128xi32, #tpu.memory_space<vmem>>
    %dma_start3A_53 = arith.constant 0 : i32
    %dma_start3A_54 = arith.constant 0 : i32
    %dma_start3A_55 = tpu.memref_slice %arg2[%dma_start3A_53, %dma_start3A_54] : memref<100000x64xf32, #tpu.memory_space<hbm>> -> memref<100000x64xf32, #tpu.memory_space<hbm>>
    tpu.enqueue_indirect_dma source(%dma_start3A_55 : memref<100000x64xf32, #tpu.memory_space<hbm>>) target(%arg11 : memref<128x64xf32, #tpu.memory_space<vmem>>) offsets(%dma_start3A_52 : memref<128xi32, #tpu.memory_space<vmem>>) semaphore(%arg19 : memref<!tpu.dma_semaphore, #tpu.memory_space<semaphore_mem>>)
    %dma_start3A_56 = arith.constant 3 : i32
    %dma_start3A_57 = arith.constant 0 : i32
    %dma_start3A_58 = tpu.memref_slice %arg7[%dma_start3A_56, %dma_start3A_57] : memref<200x128xi32, #tpu.memory_space<vmem>> -> memref<1x128xi32, #tpu.memory_space<vmem>>
    %dma_start3A_59 = tpu.memref_squeeze %dma_start3A_58 : memref<1x128xi32, #tpu.memory_space<vmem>> -> memref<128xi32, #tpu.memory_space<vmem>>
    %dma_start3A_60 = arith.constant 0 : i32
    %dma_start3A_61 = arith.constant 0 : i32
    %dma_start3A_62 = tpu.memref_slice %arg2[%dma_start3A_60, %dma_start3A_61] : memref<100000x64xf32, #tpu.memory_space<hbm>> -> memref<100000x64xf32, #tpu.memory_space<hbm>>
    tpu.enqueue_indirect_dma source(%dma_start3A_62 : memref<100000x64xf32, #tpu.memory_space<hbm>>) target(%arg12 : memref<128x64xf32, #tpu.memory_space<vmem>>) offsets(%dma_start3A_59 : memref<128xi32, #tpu.memory_space<vmem>>) semaphore(%arg20 : memref<!tpu.dma_semaphore, #tpu.memory_space<semaphore_mem>>)
    %dma_wait3A = arith.constant 0 : i32
    %dma_wait3A_63 = arith.constant 0 : i32
    %dma_wait3A_64 = tpu.memref_slice %arg7[%dma_wait3A, %dma_wait3A_63] : memref<200x128xi32, #tpu.memory_space<vmem>> -> memref<1x128xi32, #tpu.memory_space<vmem>>
    %dma_wait3A_65 = tpu.memref_squeeze %dma_wait3A_64 : memref<1x128xi32, #tpu.memory_space<vmem>> -> memref<128xi32, #tpu.memory_space<vmem>>
    %dma_wait3A_66 = arith.constant 0 : i32
    %dma_wait3A_67 = arith.constant 0 : i32
    %dma_wait3A_68 = tpu.memref_slice %arg2[%dma_wait3A_66, %dma_wait3A_67] : memref<100000x64xf32, #tpu.memory_space<hbm>> -> memref<100000x64xf32, #tpu.memory_space<hbm>>
    tpu.wait_indirect_dma semaphore(%arg17 : memref<!tpu.dma_semaphore, #tpu.memory_space<semaphore_mem>>) src(%dma_wait3A_68 : memref<100000x64xf32, #tpu.memory_space<hbm>>) dst(%arg9 : memref<128x64xf32, #tpu.memory_space<vmem>>)
    %get3A = arith.constant 0 : i32
    %get3A_69 = arith.index_cast %get3A : i32 to index
    %get3A_70 = arith.constant 0 : index
    %get3A_71 = tpu.vector_load %arg8[%get3A_69, %get3A_70] {strides = array<i32>} : memref<200x64xf32, #tpu.memory_space<vmem>>, vector<16xf32>,
    %get3A_72 = arith.constant 0 : i32
    %get3A_73 = arith.index_cast %get3A_72 : i32 to index
    %get3A_74 = arith.constant 16 : index
    %get3A_75 = tpu.vector_load %arg8[%get3A_73, %get3A_74] {strides = array<i32>} : memref<200x64xf32, #tpu.memory_space<vmem>>, vector<16xf32>,
    %get3A_76 = arith.constant 0 : i32
    %get3A_77 = arith.index_cast %get3A_76 : i32 to index
    %get3A_78 = arith.constant 32 : index
    %get3A_79 = tpu.vector_load %arg8[%get3A_77, %get3A_78] {strides = array<i32>} : memref<200x64xf32, #tpu.memory_space<vmem>>, vector<16xf32>,
    %get3A_80 = arith.constant 0 : i32
    %get3A_81 = arith.index_cast %get3A_80 : i32 to index
    %get3A_82 = arith.constant 48 : index
    %get3A_83 = tpu.vector_load %arg8[%get3A_81, %get3A_82] {strides = array<i32>} : memref<200x64xf32, #tpu.memory_space<vmem>>, vector<16xf32>,
    %parallel_loop3A_84 = arith.constant 0 : i32
    %parallel_loop3A_85 = arith.constant 128 : i32
    %parallel_loop3A_86 = arith.constant 1 : i32
    scf.for %parallel_loop3A_414 = %parallel_loop3A_84 to %parallel_loop3A_85 step %parallel_loop3A_86  : i32 {
      %parallel_loop3A_415 = arith.index_cast %parallel_loop3A_414 : i32 to index
      %parallel_loop3A_416 = arith.constant 0 : index
      %parallel_loop3A_417 = tpu.vector_load %arg9[%parallel_loop3A_415, %parallel_loop3A_416] {strides = array<i32>} : memref<128x64xf32, #tpu.memory_space<vmem>>, vector<16xf32>,
      tpu.vector_store %arg9[%parallel_loop3A_415, %parallel_loop3A_416], %get3A_71 {add = true, strides = array<i32>} : memref<128x64xf32, #tpu.memory_space<vmem>>, vector<16xf32>,
      %parallel_loop3A_418 = arith.index_cast %parallel_loop3A_414 : i32 to index
      %parallel_loop3A_419 = arith.constant 16 : index
      %parallel_loop3A_420 = tpu.vector_load %arg9[%parallel_loop3A_418, %parallel_loop3A_419] {strides = array<i32>} : memref<128x64xf32, #tpu.memory_space<vmem>>, vector<16xf32>,
      tpu.vector_store %arg9[%parallel_loop3A_418, %parallel_loop3A_419], %get3A_75 {add = true, strides = array<i32>} : memref<128x64xf32, #tpu.memory_space<vmem>>, vector<16xf32>,
      %parallel_loop3A_421 = arith.index_cast %parallel_loop3A_414 : i32 to index
      %parallel_loop3A_422 = arith.constant 32 : index
      %parallel_loop3A_423 = tpu.vector_load %arg9[%parallel_loop3A_421, %parallel_loop3A_422] {strides = array<i32>} : memref<128x64xf32, #tpu.memory_space<vmem>>, vector<16xf32>,
      tpu.vector_store %arg9[%parallel_loop3A_421, %parallel_loop3A_422], %get3A_79 {add = true, strides = array<i32>} : memref<128x64xf32, #tpu.memory_space<vmem>>, vector<16xf32>,
      %parallel_loop3A_424 = arith.index_cast %parallel_loop3A_414 : i32 to index
      %parallel_loop3A_425 = arith.constant 48 : index
      %parallel_loop3A_426 = tpu.vector_load %arg9[%parallel_loop3A_424, %parallel_loop3A_425] {strides = array<i32>} : memref<128x64xf32, #tpu.memory_space<vmem>>, vector<16xf32>,
      tpu.vector_store %arg9[%parallel_loop3A_424, %parallel_loop3A_425], %get3A_83 {add = true, strides = array<i32>} : memref<128x64xf32, #tpu.memory_space<vmem>>, vector<16xf32>,
    } {sc.loop_unroll_factor = 8 : i64, sc.parallel_access}
    %dma_start3A_87 = arith.constant 0 : i32
    %dma_start3A_88 = arith.constant 0 : i32
    %dma_start3A_89 = tpu.memref_slice %arg5[%mul3A_2, %dma_start3A_87, %dma_start3A_88] : memref<4096x200x128xf32, #tpu.memory_space<hbm>> -> memref<128x1x64xf32, #tpu.memory_space<hbm>>
    %dma_start3A_90 = tpu.memref_squeeze %dma_start3A_89 : memref<128x1x64xf32, #tpu.memory_space<hbm>> -> memref<128x64xf32, #tpu.memory_space<hbm>>
    %dma_start3A_91 = arith.constant 0 : i32
    %dma_start3A_92 = tpu.memref_slice %arg5[%mul3A_2, %dma_start3A_87, %dma_start3A_91] : memref<4096x200x128xf32, #tpu.memory_space<hbm>> -> memref<128x1x64xf32, #tpu.memory_space<hbm>>
    %dma_start3A_93 = tpu.memref_squeeze %dma_start3A_92 : memref<128x1x64xf32, #tpu.memory_space<hbm>> -> memref<128x64xf32, #tpu.memory_space<hbm>>
    tpu.enqueue_dma source(%arg9 : memref<128x64xf32, #tpu.memory_space<vmem>>) target(%dma_start3A_93 : memref<128x64xf32, #tpu.memory_space<hbm>>) target_semaphore(%arg25 : memref<!tpu.dma_semaphore, #tpu.memory_space<semaphore_mem>>)
    %dma_start3A_94 = arith.constant 4 : i32
    %dma_start3A_95 = arith.constant 0 : i32
    %dma_start3A_96 = tpu.memref_slice %arg7[%dma_start3A_94, %dma_start3A_95] : memref<200x128xi32, #tpu.memory_space<vmem>> -> memref<1x128xi32, #tpu.memory_space<vmem>>
    %dma_start3A_97 = tpu.memref_squeeze %dma_start3A_96 : memref<1x128xi32, #tpu.memory_space<vmem>> -> memref<128xi32, #tpu.memory_space<vmem>>
    %dma_start3A_98 = arith.constant 0 : i32
    %dma_start3A_99 = arith.constant 0 : i32
    %dma_start3A_100 = tpu.memref_slice %arg2[%dma_start3A_98, %dma_start3A_99] : memref<100000x64xf32, #tpu.memory_space<hbm>> -> memref<100000x64xf32, #tpu.memory_space<hbm>>
    tpu.enqueue_indirect_dma source(%dma_start3A_100 : memref<100000x64xf32, #tpu.memory_space<hbm>>) target(%arg13 : memref<128x64xf32, #tpu.memory_space<vmem>>) offsets(%dma_start3A_97 : memref<128xi32, #tpu.memory_space<vmem>>) semaphore(%arg21 : memref<!tpu.dma_semaphore, #tpu.memory_space<semaphore_mem>>)
    %dma_wait3A_101 = arith.constant 1 : i32
    %dma_wait3A_102 = arith.constant 0 : i32
    %dma_wait3A_103 = tpu.memref_slice %arg7[%dma_wait3A_101, %dma_wait3A_102] : memref<200x128xi32, #tpu.memory_space<vmem>> -> memref<1x128xi32, #tpu.memory_space<vmem>>
    %dma_wait3A_104 = tpu.memref_squeeze %dma_wait3A_103 : memref<1x128xi32, #tpu.memory_space<vmem>> -> memref<128xi32, #tpu.memory_space<vmem>>
    %dma_wait3A_105 = arith.constant 0 : i32
    %dma_wait3A_106 = arith.constant 0 : i32
    %dma_wait3A_107 = tpu.memref_slice %arg2[%dma_wait3A_105, %dma_wait3A_106] : memref<100000x64xf32, #tpu.memory_space<hbm>> -> memref<100000x64xf32, #tpu.memory_space<hbm>>
    tpu.wait_indirect_dma semaphore(%arg18 : memref<!tpu.dma_semaphore, #tpu.memory_space<semaphore_mem>>) src(%dma_wait3A_107 : memref<100000x64xf32, #tpu.memory_space<hbm>>) dst(%arg10 : memref<128x64xf32, #tpu.memory_space<vmem>>)
    %get3A_108 = arith.constant 1 : i32
    %get3A_109 = arith.index_cast %get3A_108 : i32 to index
    %get3A_110 = arith.constant 0 : index
    %get3A_111 = tpu.vector_load %arg8[%get3A_109, %get3A_110] {strides = array<i32>} : memref<200x64xf32, #tpu.memory_space<vmem>>, vector<16xf32>,
    %get3A_112 = arith.constant 1 : i32
    %get3A_113 = arith.index_cast %get3A_112 : i32 to index
    %get3A_114 = arith.constant 16 : index
    %get3A_115 = tpu.vector_load %arg8[%get3A_113, %get3A_114] {strides = array<i32>} : memref<200x64xf32, #tpu.memory_space<vmem>>, vector<16xf32>,
    %get3A_116 = arith.constant 1 : i32
    %get3A_117 = arith.index_cast %get3A_116 : i32 to index
    %get3A_118 = arith.constant 32 : index
    %get3A_119 = tpu.vector_load %arg8[%get3A_117, %get3A_118] {strides = array<i32>} : memref<200x64xf32, #tpu.memory_space<vmem>>, vector<16xf32>,
    %get3A_120 = arith.constant 1 : i32
    %get3A_121 = arith.index_cast %get3A_120 : i32 to index
    %get3A_122 = arith.constant 48 : index
    %get3A_123 = tpu.vector_load %arg8[%get3A_121, %get3A_122] {strides = array<i32>} : memref<200x64xf32, #tpu.memory_space<vmem>>, vector<16xf32>,
    %parallel_loop3A_124 = arith.constant 0 : i32
    %parallel_loop3A_125 = arith.constant 128 : i32
    %parallel_loop3A_126 = arith.constant 1 : i32
    scf.for %parallel_loop3A_414 = %parallel_loop3A_124 to %parallel_loop3A_125 step %parallel_loop3A_126  : i32 {
      %parallel_loop3A_415 = arith.index_cast %parallel_loop3A_414 : i32 to index
      %parallel_loop3A_416 = arith.constant 0 : index
      %parallel_loop3A_417 = tpu.vector_load %arg10[%parallel_loop3A_415, %parallel_loop3A_416] {strides = array<i32>} : memref<128x64xf32, #tpu.memory_space<vmem>>, vector<16xf32>,
      tpu.vector_store %arg10[%parallel_loop3A_415, %parallel_loop3A_416], %get3A_111 {add = true, strides = array<i32>} : memref<128x64xf32, #tpu.memory_space<vmem>>, vector<16xf32>,
      %parallel_loop3A_418 = arith.index_cast %parallel_loop3A_414 : i32 to index
      %parallel_loop3A_419 = arith.constant 16 : index
      %parallel_loop3A_420 = tpu.vector_load %arg10[%parallel_loop3A_418, %parallel_loop3A_419] {strides = array<i32>} : memref<128x64xf32, #tpu.memory_space<vmem>>, vector<16xf32>,
      tpu.vector_store %arg10[%parallel_loop3A_418, %parallel_loop3A_419], %get3A_115 {add = true, strides = array<i32>} : memref<128x64xf32, #tpu.memory_space<vmem>>, vector<16xf32>,
      %parallel_loop3A_421 = arith.index_cast %parallel_loop3A_414 : i32 to index
      %parallel_loop3A_422 = arith.constant 32 : index
      %parallel_loop3A_423 = tpu.vector_load %arg10[%parallel_loop3A_421, %parallel_loop3A_422] {strides = array<i32>} : memref<128x64xf32, #tpu.memory_space<vmem>>, vector<16xf32>,
      tpu.vector_store %arg10[%parallel_loop3A_421, %parallel_loop3A_422], %get3A_119 {add = true, strides = array<i32>} : memref<128x64xf32, #tpu.memory_space<vmem>>, vector<16xf32>,
      %parallel_loop3A_424 = arith.index_cast %parallel_loop3A_414 : i32 to index
      %parallel_loop3A_425 = arith.constant 48 : index
      %parallel_loop3A_426 = tpu.vector_load %arg10[%parallel_loop3A_424, %parallel_loop3A_425] {strides = array<i32>} : memref<128x64xf32, #tpu.memory_space<vmem>>, vector<16xf32>,
      tpu.vector_store %arg10[%parallel_loop3A_424, %parallel_loop3A_425], %get3A_123 {add = true, strides = array<i32>} : memref<128x64xf32, #tpu.memory_space<vmem>>, vector<16xf32>,
    } {sc.loop_unroll_factor = 8 : i64, sc.parallel_access}
    %dma_start3A_127 = arith.constant 1 : i32
    %dma_start3A_128 = arith.constant 0 : i32
    %dma_start3A_129 = tpu.memref_slice %arg5[%mul3A_2, %dma_start3A_127, %dma_start3A_128] : memref<4096x200x128xf32, #tpu.memory_space<hbm>> -> memref<128x1x64xf32, #tpu.memory_space<hbm>>
    %dma_start3A_130 = tpu.memref_squeeze %dma_start3A_129 : memref<128x1x64xf32, #tpu.memory_space<hbm>> -> memref<128x64xf32, #tpu.memory_space<hbm>>
    %dma_start3A_131 = arith.constant 0 : i32
    %dma_start3A_132 = tpu.memref_slice %arg5[%mul3A_2, %dma_start3A_127, %dma_start3A_131] : memref<4096x200x128xf32, #tpu.memory_space<hbm>> -> memref<128x1x64xf32, #tpu.memory_space<hbm>>
    %dma_start3A_133 = tpu.memref_squeeze %dma_start3A_132 : memref<128x1x64xf32, #tpu.memory_space<hbm>> -> memref<128x64xf32, #tpu.memory_space<hbm>>
    tpu.enqueue_dma source(%arg10 : memref<128x64xf32, #tpu.memory_space<vmem>>) target(%dma_start3A_133 : memref<128x64xf32, #tpu.memory_space<hbm>>) target_semaphore(%arg26 : memref<!tpu.dma_semaphore, #tpu.memory_space<semaphore_mem>>)
    %dma_start3A_134 = arith.constant 5 : i32
    %dma_start3A_135 = arith.constant 0 : i32
    %dma_start3A_136 = tpu.memref_slice %arg7[%dma_start3A_134, %dma_start3A_135] : memref<200x128xi32, #tpu.memory_space<vmem>> -> memref<1x128xi32, #tpu.memory_space<vmem>>
    %dma_start3A_137 = tpu.memref_squeeze %dma_start3A_136 : memref<1x128xi32, #tpu.memory_space<vmem>> -> memref<128xi32, #tpu.memory_space<vmem>>
    %dma_start3A_138 = arith.constant 0 : i32
    %dma_start3A_139 = arith.constant 0 : i32
    %dma_start3A_140 = tpu.memref_slice %arg2[%dma_start3A_138, %dma_start3A_139] : memref<100000x64xf32, #tpu.memory_space<hbm>> -> memref<100000x64xf32, #tpu.memory_space<hbm>>
    tpu.enqueue_indirect_dma source(%dma_start3A_140 : memref<100000x64xf32, #tpu.memory_space<hbm>>) target(%arg14 : memref<128x64xf32, #tpu.memory_space<vmem>>) offsets(%dma_start3A_137 : memref<128xi32, #tpu.memory_space<vmem>>) semaphore(%arg22 : memref<!tpu.dma_semaphore, #tpu.memory_space<semaphore_mem>>)
    %dma_wait3A_141 = arith.constant 2 : i32
    %dma_wait3A_142 = arith.constant 0 : i32
    %dma_wait3A_143 = tpu.memref_slice %arg7[%dma_wait3A_141, %dma_wait3A_142] : memref<200x128xi32, #tpu.memory_space<vmem>> -> memref<1x128xi32, #tpu.memory_space<vmem>>
    %dma_wait3A_144 = tpu.memref_squeeze %dma_wait3A_143 : memref<1x128xi32, #tpu.memory_space<vmem>> -> memref<128xi32, #tpu.memory_space<vmem>>
    %dma_wait3A_145 = arith.constant 0 : i32
    %dma_wait3A_146 = arith.constant 0 : i32
    %dma_wait3A_147 = tpu.memref_slice %arg2[%dma_wait3A_145, %dma_wait3A_146] : memref<100000x64xf32, #tpu.memory_space<hbm>> -> memref<100000x64xf32, #tpu.memory_space<hbm>>
    tpu.wait_indirect_dma semaphore(%arg19 : memref<!tpu.dma_semaphore, #tpu.memory_space<semaphore_mem>>) src(%dma_wait3A_147 : memref<100000x64xf32, #tpu.memory_space<hbm>>) dst(%arg11 : memref<128x64xf32, #tpu.memory_space<vmem>>)
    %get3A_148 = arith.constant 2 : i32
    %get3A_149 = arith.index_cast %get3A_148 : i32 to index
    %get3A_150 = arith.constant 0 : index
    %get3A_151 = tpu.vector_load %arg8[%get3A_149, %get3A_150] {strides = array<i32>} : memref<200x64xf32, #tpu.memory_space<vmem>>, vector<16xf32>,
    %get3A_152 = arith.constant 2 : i32
    %get3A_153 = arith.index_cast %get3A_152 : i32 to index
    %get3A_154 = arith.constant 16 : index
    %get3A_155 = tpu.vector_load %arg8[%get3A_153, %get3A_154] {strides = array<i32>} : memref<200x64xf32, #tpu.memory_space<vmem>>, vector<16xf32>,
    %get3A_156 = arith.constant 2 : i32
    %get3A_157 = arith.index_cast %get3A_156 : i32 to index
    %get3A_158 = arith.constant 32 : index
    %get3A_159 = tpu.vector_load %arg8[%get3A_157, %get3A_158] {strides = array<i32>} : memref<200x64xf32, #tpu.memory_space<vmem>>, vector<16xf32>,
    %get3A_160 = arith.constant 2 : i32
    %get3A_161 = arith.index_cast %get3A_160 : i32 to index
    %get3A_162 = arith.constant 48 : index
    %get3A_163 = tpu.vector_load %arg8[%get3A_161, %get3A_162] {strides = array<i32>} : memref<200x64xf32, #tpu.memory_space<vmem>>, vector<16xf32>,
    %parallel_loop3A_164 = arith.constant 0 : i32
    %parallel_loop3A_165 = arith.constant 128 : i32
    %parallel_loop3A_166 = arith.constant 1 : i32
    scf.for %parallel_loop3A_414 = %parallel_loop3A_164 to %parallel_loop3A_165 step %parallel_loop3A_166  : i32 {
      %parallel_loop3A_415 = arith.index_cast %parallel_loop3A_414 : i32 to index
      %parallel_loop3A_416 = arith.constant 0 : index
      %parallel_loop3A_417 = tpu.vector_load %arg11[%parallel_loop3A_415, %parallel_loop3A_416] {strides = array<i32>} : memref<128x64xf32, #tpu.memory_space<vmem>>, vector<16xf32>,
      tpu.vector_store %arg11[%parallel_loop3A_415, %parallel_loop3A_416], %get3A_151 {add = true, strides = array<i32>} : memref<128x64xf32, #tpu.memory_space<vmem>>, vector<16xf32>,
      %parallel_loop3A_418 = arith.index_cast %parallel_loop3A_414 : i32 to index
      %parallel_loop3A_419 = arith.constant 16 : index
      %parallel_loop3A_420 = tpu.vector_load %arg11[%parallel_loop3A_418, %parallel_loop3A_419] {strides = array<i32>} : memref<128x64xf32, #tpu.memory_space<vmem>>, vector<16xf32>,
      tpu.vector_store %arg11[%parallel_loop3A_418, %parallel_loop3A_419], %get3A_155 {add = true, strides = array<i32>} : memref<128x64xf32, #tpu.memory_space<vmem>>, vector<16xf32>,
      %parallel_loop3A_421 = arith.index_cast %parallel_loop3A_414 : i32 to index
      %parallel_loop3A_422 = arith.constant 32 : index
      %parallel_loop3A_423 = tpu.vector_load %arg11[%parallel_loop3A_421, %parallel_loop3A_422] {strides = array<i32>} : memref<128x64xf32, #tpu.memory_space<vmem>>, vector<16xf32>,
      tpu.vector_store %arg11[%parallel_loop3A_421, %parallel_loop3A_422], %get3A_159 {add = true, strides = array<i32>} : memref<128x64xf32, #tpu.memory_space<vmem>>, vector<16xf32>,
      %parallel_loop3A_424 = arith.index_cast %parallel_loop3A_414 : i32 to index
      %parallel_loop3A_425 = arith.constant 48 : index
      %parallel_loop3A_426 = tpu.vector_load %arg11[%parallel_loop3A_424, %parallel_loop3A_425] {strides = array<i32>} : memref<128x64xf32, #tpu.memory_space<vmem>>, vector<16xf32>,
      tpu.vector_store %arg11[%parallel_loop3A_424, %parallel_loop3A_425], %get3A_163 {add = true, strides = array<i32>} : memref<128x64xf32, #tpu.memory_space<vmem>>, vector<16xf32>,
    } {sc.loop_unroll_factor = 8 : i64, sc.parallel_access}
    %dma_start3A_167 = arith.constant 2 : i32
    %dma_start3A_168 = arith.constant 0 : i32
    %dma_start3A_169 = tpu.memref_slice %arg5[%mul3A_2, %dma_start3A_167, %dma_start3A_168] : memref<4096x200x128xf32, #tpu.memory_space<hbm>> -> memref<128x1x64xf32, #tpu.memory_space<hbm>>
    %dma_start3A_170 = tpu.memref_squeeze %dma_start3A_169 : memref<128x1x64xf32, #tpu.memory_space<hbm>> -> memref<128x64xf32, #tpu.memory_space<hbm>>
    %dma_start3A_171 = arith.constant 0 : i32
    %dma_start3A_172 = tpu.memref_slice %arg5[%mul3A_2, %dma_start3A_167, %dma_start3A_171] : memref<4096x200x128xf32, #tpu.memory_space<hbm>> -> memref<128x1x64xf32, #tpu.memory_space<hbm>>
    %dma_start3A_173 = tpu.memref_squeeze %dma_start3A_172 : memref<128x1x64xf32, #tpu.memory_space<hbm>> -> memref<128x64xf32, #tpu.memory_space<hbm>>
    tpu.enqueue_dma source(%arg11 : memref<128x64xf32, #tpu.memory_space<vmem>>) target(%dma_start3A_173 : memref<128x64xf32, #tpu.memory_space<hbm>>) target_semaphore(%arg27 : memref<!tpu.dma_semaphore, #tpu.memory_space<semaphore_mem>>)
    %dma_start3A_174 = arith.constant 6 : i32
    %dma_start3A_175 = arith.constant 0 : i32
    %dma_start3A_176 = tpu.memref_slice %arg7[%dma_start3A_174, %dma_start3A_175] : memref<200x128xi32, #tpu.memory_space<vmem>> -> memref<1x128xi32, #tpu.memory_space<vmem>>
    %dma_start3A_177 = tpu.memref_squeeze %dma_start3A_176 : memref<1x128xi32, #tpu.memory_space<vmem>> -> memref<128xi32, #tpu.memory_space<vmem>>
    %dma_start3A_178 = arith.constant 0 : i32
    %dma_start3A_179 = arith.constant 0 : i32
    %dma_start3A_180 = tpu.memref_slice %arg2[%dma_start3A_178, %dma_start3A_179] : memref<100000x64xf32, #tpu.memory_space<hbm>> -> memref<100000x64xf32, #tpu.memory_space<hbm>>
    tpu.enqueue_indirect_dma source(%dma_start3A_180 : memref<100000x64xf32, #tpu.memory_space<hbm>>) target(%arg15 : memref<128x64xf32, #tpu.memory_space<vmem>>) offsets(%dma_start3A_177 : memref<128xi32, #tpu.memory_space<vmem>>) semaphore(%arg23 : memref<!tpu.dma_semaphore, #tpu.memory_space<semaphore_mem>>)
    %dma_wait3A_181 = arith.constant 3 : i32
    %dma_wait3A_182 = arith.constant 0 : i32
    %dma_wait3A_183 = tpu.memref_slice %arg7[%dma_wait3A_181, %dma_wait3A_182] : memref<200x128xi32, #tpu.memory_space<vmem>> -> memref<1x128xi32, #tpu.memory_space<vmem>>
    %dma_wait3A_184 = tpu.memref_squeeze %dma_wait3A_183 : memref<1x128xi32, #tpu.memory_space<vmem>> -> memref<128xi32, #tpu.memory_space<vmem>>
    %dma_wait3A_185 = arith.constant 0 : i32
    %dma_wait3A_186 = arith.constant 0 : i32
    %dma_wait3A_187 = tpu.memref_slice %arg2[%dma_wait3A_185, %dma_wait3A_186] : memref<100000x64xf32, #tpu.memory_space<hbm>> -> memref<100000x64xf32, #tpu.memory_space<hbm>>
    tpu.wait_indirect_dma semaphore(%arg20 : memref<!tpu.dma_semaphore, #tpu.memory_space<semaphore_mem>>) src(%dma_wait3A_187 : memref<100000x64xf32, #tpu.memory_space<hbm>>) dst(%arg12 : memref<128x64xf32, #tpu.memory_space<vmem>>)
    %get3A_188 = arith.constant 3 : i32
    %get3A_189 = arith.index_cast %get3A_188 : i32 to index
    %get3A_190 = arith.constant 0 : index
    %get3A_191 = tpu.vector_load %arg8[%get3A_189, %get3A_190] {strides = array<i32>} : memref<200x64xf32, #tpu.memory_space<vmem>>, vector<16xf32>,
    %get3A_192 = arith.constant 3 : i32
    %get3A_193 = arith.index_cast %get3A_192 : i32 to index
    %get3A_194 = arith.constant 16 : index
    %get3A_195 = tpu.vector_load %arg8[%get3A_193, %get3A_194] {strides = array<i32>} : memref<200x64xf32, #tpu.memory_space<vmem>>, vector<16xf32>,
    %get3A_196 = arith.constant 3 : i32
    %get3A_197 = arith.index_cast %get3A_196 : i32 to index
    %get3A_198 = arith.constant 32 : index
    %get3A_199 = tpu.vector_load %arg8[%get3A_197, %get3A_198] {strides = array<i32>} : memref<200x64xf32, #tpu.memory_space<vmem>>, vector<16xf32>,
    %get3A_200 = arith.constant 3 : i32
    %get3A_201 = arith.index_cast %get3A_200 : i32 to index
    %get3A_202 = arith.constant 48 : index
    %get3A_203 = tpu.vector_load %arg8[%get3A_201, %get3A_202] {strides = array<i32>} : memref<200x64xf32, #tpu.memory_space<vmem>>, vector<16xf32>,
    %parallel_loop3A_204 = arith.constant 0 : i32
    %parallel_loop3A_205 = arith.constant 128 : i32
    %parallel_loop3A_206 = arith.constant 1 : i32
    scf.for %parallel_loop3A_414 = %parallel_loop3A_204 to %parallel_loop3A_205 step %parallel_loop3A_206  : i32 {
      %parallel_loop3A_415 = arith.index_cast %parallel_loop3A_414 : i32 to index
      %parallel_loop3A_416 = arith.constant 0 : index
      %parallel_loop3A_417 = tpu.vector_load %arg12[%parallel_loop3A_415, %parallel_loop3A_416] {strides = array<i32>} : memref<128x64xf32, #tpu.memory_space<vmem>>, vector<16xf32>,
      tpu.vector_store %arg12[%parallel_loop3A_415, %parallel_loop3A_416], %get3A_191 {add = true, strides = array<i32>} : memref<128x64xf32, #tpu.memory_space<vmem>>, vector<16xf32>,
      %parallel_loop3A_418 = arith.index_cast %parallel_loop3A_414 : i32 to index
      %parallel_loop3A_419 = arith.constant 16 : index
      %parallel_loop3A_420 = tpu.vector_load %arg12[%parallel_loop3A_418, %parallel_loop3A_419] {strides = array<i32>} : memref<128x64xf32, #tpu.memory_space<vmem>>, vector<16xf32>,
      tpu.vector_store %arg12[%parallel_loop3A_418, %parallel_loop3A_419], %get3A_195 {add = true, strides = array<i32>} : memref<128x64xf32, #tpu.memory_space<vmem>>, vector<16xf32>,
      %parallel_loop3A_421 = arith.index_cast %parallel_loop3A_414 : i32 to index
      %parallel_loop3A_422 = arith.constant 32 : index
      %parallel_loop3A_423 = tpu.vector_load %arg12[%parallel_loop3A_421, %parallel_loop3A_422] {strides = array<i32>} : memref<128x64xf32, #tpu.memory_space<vmem>>, vector<16xf32>,
      tpu.vector_store %arg12[%parallel_loop3A_421, %parallel_loop3A_422], %get3A_199 {add = true, strides = array<i32>} : memref<128x64xf32, #tpu.memory_space<vmem>>, vector<16xf32>,
      %parallel_loop3A_424 = arith.index_cast %parallel_loop3A_414 : i32 to index
      %parallel_loop3A_425 = arith.constant 48 : index
      %parallel_loop3A_426 = tpu.vector_load %arg12[%parallel_loop3A_424, %parallel_loop3A_425] {strides = array<i32>} : memref<128x64xf32, #tpu.memory_space<vmem>>, vector<16xf32>,
      tpu.vector_store %arg12[%parallel_loop3A_424, %parallel_loop3A_425], %get3A_203 {add = true, strides = array<i32>} : memref<128x64xf32, #tpu.memory_space<vmem>>, vector<16xf32>,
    } {sc.loop_unroll_factor = 8 : i64, sc.parallel_access}
    %dma_start3A_207 = arith.constant 3 : i32
    %dma_start3A_208 = arith.constant 0 : i32
    %dma_start3A_209 = tpu.memref_slice %arg5[%mul3A_2, %dma_start3A_207, %dma_start3A_208] : memref<4096x200x128xf32, #tpu.memory_space<hbm>> -> memref<128x1x64xf32, #tpu.memory_space<hbm>>
    %dma_start3A_210 = tpu.memref_squeeze %dma_start3A_209 : memref<128x1x64xf32, #tpu.memory_space<hbm>> -> memref<128x64xf32, #tpu.memory_space<hbm>>
    %dma_start3A_211 = arith.constant 0 : i32
    %dma_start3A_212 = tpu.memref_slice %arg5[%mul3A_2, %dma_start3A_207, %dma_start3A_211] : memref<4096x200x128xf32, #tpu.memory_space<hbm>> -> memref<128x1x64xf32, #tpu.memory_space<hbm>>
    %dma_start3A_213 = tpu.memref_squeeze %dma_start3A_212 : memref<128x1x64xf32, #tpu.memory_space<hbm>> -> memref<128x64xf32, #tpu.memory_space<hbm>>
    tpu.enqueue_dma source(%arg12 : memref<128x64xf32, #tpu.memory_space<vmem>>) target(%dma_start3A_213 : memref<128x64xf32, #tpu.memory_space<hbm>>) target_semaphore(%arg28 : memref<!tpu.dma_semaphore, #tpu.memory_space<semaphore_mem>>)
    %dma_start3A_214 = arith.constant 7 : i32
    %dma_start3A_215 = arith.constant 0 : i32
    %dma_start3A_216 = tpu.memref_slice %arg7[%dma_start3A_214, %dma_start3A_215] : memref<200x128xi32, #tpu.memory_space<vmem>> -> memref<1x128xi32, #tpu.memory_space<vmem>>
    %dma_start3A_217 = tpu.memref_squeeze %dma_start3A_216 : memref<1x128xi32, #tpu.memory_space<vmem>> -> memref<128xi32, #tpu.memory_space<vmem>>
    %dma_start3A_218 = arith.constant 0 : i32
    %dma_start3A_219 = arith.constant 0 : i32
    %dma_start3A_220 = tpu.memref_slice %arg2[%dma_start3A_218, %dma_start3A_219] : memref<100000x64xf32, #tpu.memory_space<hbm>> -> memref<100000x64xf32, #tpu.memory_space<hbm>>
    tpu.enqueue_indirect_dma source(%dma_start3A_220 : memref<100000x64xf32, #tpu.memory_space<hbm>>) target(%arg16 : memref<128x64xf32, #tpu.memory_space<vmem>>) offsets(%dma_start3A_217 : memref<128xi32, #tpu.memory_space<vmem>>) semaphore(%arg24 : memref<!tpu.dma_semaphore, #tpu.memory_space<semaphore_mem>>)
    %scan3A = arith.constant 0 : i32
    %scan3A_221 = arith.constant 0 : i32
    %scan3A_222 = arith.constant 24 : i32
    %scan3A_223 = arith.addi %scan3A_221, %scan3A_222 : i32
    %scan3A_224 = arith.constant 1 : i32
    scf.for %scan3A_414 = %scan3A_221 to %scan3A_223 step %scan3A_224  : i32 {
      %mul3A_415 = arith.constant 8 : i32
      %mul3A_416 = arith.muli %scan3A_414, %mul3A_415 : i32
      %add3A_417 = arith.constant 4 : i32
      %add3A_418 = arith.addi %add3A_417, %mul3A_416 : i32
      %add3A_419 = arith.constant 0 : i32
      %add3A_420 = arith.addi %add3A_418, %add3A_419 : i32
      %dma_wait3A_421 = arith.constant 0 : i32
      %dma_wait3A_422 = tpu.memref_slice %arg7[%add3A_420, %dma_wait3A_421] : memref<200x128xi32, #tpu.memory_space<vmem>> -> memref<1x128xi32, #tpu.memory_space<vmem>>
      %dma_wait3A_423 = tpu.memref_squeeze %dma_wait3A_422 : memref<1x128xi32, #tpu.memory_space<vmem>> -> memref<128xi32, #tpu.memory_space<vmem>>
      %dma_wait3A_424 = arith.constant 0 : i32
      %dma_wait3A_425 = arith.constant 0 : i32
      %dma_wait3A_426 = tpu.memref_slice %arg2[%dma_wait3A_424, %dma_wait3A_425] : memref<100000x64xf32, #tpu.memory_space<hbm>> -> memref<100000x64xf32, #tpu.memory_space<hbm>>
      tpu.wait_indirect_dma semaphore(%arg21 : memref<!tpu.dma_semaphore, #tpu.memory_space<semaphore_mem>>) src(%dma_wait3A_426 : memref<100000x64xf32, #tpu.memory_space<hbm>>) dst(%arg13 : memref<128x64xf32, #tpu.memory_space<vmem>>)
      %get3A_427 = arith.index_cast %add3A_420 : i32 to index
      %get3A_428 = arith.constant 0 : index
      %get3A_429 = tpu.vector_load %arg8[%get3A_427, %get3A_428] {strides = array<i32>} : memref<200x64xf32, #tpu.memory_space<vmem>>, vector<16xf32>,
      %get3A_430 = arith.index_cast %add3A_420 : i32 to index
      %get3A_431 = arith.constant 16 : index
      %get3A_432 = tpu.vector_load %arg8[%get3A_430, %get3A_431] {strides = array<i32>} : memref<200x64xf32, #tpu.memory_space<vmem>>, vector<16xf32>,
      %get3A_433 = arith.index_cast %add3A_420 : i32 to index
      %get3A_434 = arith.constant 32 : index
      %get3A_435 = tpu.vector_load %arg8[%get3A_433, %get3A_434] {strides = array<i32>} : memref<200x64xf32, #tpu.memory_space<vmem>>, vector<16xf32>,
      %get3A_436 = arith.index_cast %add3A_420 : i32 to index
      %get3A_437 = arith.constant 48 : index
      %get3A_438 = tpu.vector_load %arg8[%get3A_436, %get3A_437] {strides = array<i32>} : memref<200x64xf32, #tpu.memory_space<vmem>>, vector<16xf32>,
      %parallel_loop3A_439 = arith.constant 0 : i32
      %parallel_loop3A_440 = arith.constant 128 : i32
      %parallel_loop3A_441 = arith.constant 1 : i32
      scf.for %parallel_loop3A_778 = %parallel_loop3A_439 to %parallel_loop3A_440 step %parallel_loop3A_441  : i32 {
        %parallel_loop3A_779 = arith.index_cast %parallel_loop3A_778 : i32 to index
        %parallel_loop3A_780 = arith.constant 0 : index
        %parallel_loop3A_781 = tpu.vector_load %arg13[%parallel_loop3A_779, %parallel_loop3A_780] {strides = array<i32>} : memref<128x64xf32, #tpu.memory_space<vmem>>, vector<16xf32>,
        tpu.vector_store %arg13[%parallel_loop3A_779, %parallel_loop3A_780], %get3A_429 {add = true, strides = array<i32>} : memref<128x64xf32, #tpu.memory_space<vmem>>, vector<16xf32>,
        %parallel_loop3A_782 = arith.index_cast %parallel_loop3A_778 : i32 to index
        %parallel_loop3A_783 = arith.constant 16 : index
        %parallel_loop3A_784 = tpu.vector_load %arg13[%parallel_loop3A_782, %parallel_loop3A_783] {strides = array<i32>} : memref<128x64xf32, #tpu.memory_space<vmem>>, vector<16xf32>,
        tpu.vector_store %arg13[%parallel_loop3A_782, %parallel_loop3A_783], %get3A_432 {add = true, strides = array<i32>} : memref<128x64xf32, #tpu.memory_space<vmem>>, vector<16xf32>,
        %parallel_loop3A_785 = arith.index_cast %parallel_loop3A_778 : i32 to index
        %parallel_loop3A_786 = arith.constant 32 : index
        %parallel_loop3A_787 = tpu.vector_load %arg13[%parallel_loop3A_785, %parallel_loop3A_786] {strides = array<i32>} : memref<128x64xf32, #tpu.memory_space<vmem>>, vector<16xf32>,
        tpu.vector_store %arg13[%parallel_loop3A_785, %parallel_loop3A_786], %get3A_435 {add = true, strides = array<i32>} : memref<128x64xf32, #tpu.memory_space<vmem>>, vector<16xf32>,
        %parallel_loop3A_788 = arith.index_cast %parallel_loop3A_778 : i32 to index
        %parallel_loop3A_789 = arith.constant 48 : index
        %parallel_loop3A_790 = tpu.vector_load %arg13[%parallel_loop3A_788, %parallel_loop3A_789] {strides = array<i32>} : memref<128x64xf32, #tpu.memory_space<vmem>>, vector<16xf32>,
        tpu.vector_store %arg13[%parallel_loop3A_788, %parallel_loop3A_789], %get3A_438 {add = true, strides = array<i32>} : memref<128x64xf32, #tpu.memory_space<vmem>>, vector<16xf32>,
      } {sc.loop_unroll_factor = 8 : i64, sc.parallel_access}
      %dma_start3A_442 = arith.constant 0 : i32
      %dma_start3A_443 = tpu.memref_slice %arg5[%mul3A_2, %add3A_420, %dma_start3A_442] : memref<4096x200x128xf32, #tpu.memory_space<hbm>> -> memref<128x1x64xf32, #tpu.memory_space<hbm>>
      %dma_start3A_444 = tpu.memref_squeeze %dma_start3A_443 : memref<128x1x64xf32, #tpu.memory_space<hbm>> -> memref<128x64xf32, #tpu.memory_space<hbm>>
      %dma_start3A_445 = arith.constant 0 : i32
      %dma_start3A_446 = tpu.memref_slice %arg5[%mul3A_2, %add3A_420, %dma_start3A_445] : memref<4096x200x128xf32, #tpu.memory_space<hbm>> -> memref<128x1x64xf32, #tpu.memory_space<hbm>>
      %dma_start3A_447 = tpu.memref_squeeze %dma_start3A_446 : memref<128x1x64xf32, #tpu.memory_space<hbm>> -> memref<128x64xf32, #tpu.memory_space<hbm>>
      tpu.enqueue_dma source(%arg13 : memref<128x64xf32, #tpu.memory_space<vmem>>) target(%dma_start3A_447 : memref<128x64xf32, #tpu.memory_space<hbm>>) target_semaphore(%arg29 : memref<!tpu.dma_semaphore, #tpu.memory_space<semaphore_mem>>)
      %sub3A = arith.constant 4 : i32
      %sub3A_448 = arith.subi %add3A_420, %sub3A : i32
      %dma_wait3A_449 = arith.constant 0 : i32
      %dma_wait3A_450 = tpu.memref_slice %arg5[%mul3A_2, %sub3A_448, %dma_wait3A_449] : memref<4096x200x128xf32, #tpu.memory_space<hbm>> -> memref<128x1x64xf32, #tpu.memory_space<hbm>>
      %dma_wait3A_451 = tpu.memref_squeeze %dma_wait3A_450 : memref<128x1x64xf32, #tpu.memory_space<hbm>> -> memref<128x64xf32, #tpu.memory_space<hbm>>
      %dma_wait3A_452 = arith.constant 0 : i32
      %dma_wait3A_453 = tpu.memref_slice %arg5[%mul3A_2, %sub3A_448, %dma_wait3A_452] : memref<4096x200x128xf32, #tpu.memory_space<hbm>> -> memref<128x1x64xf32, #tpu.memory_space<hbm>>
      %dma_wait3A_454 = tpu.memref_squeeze %dma_wait3A_453 : memref<128x1x64xf32, #tpu.memory_space<hbm>> -> memref<128x64xf32, #tpu.memory_space<hbm>>
      tpu.wait_dma2 semaphore(%arg25 : memref<!tpu.dma_semaphore, #tpu.memory_space<semaphore_mem>>) src(%arg9 : memref<128x64xf32, #tpu.memory_space<vmem>>) dst(%dma_wait3A_454 : memref<128x64xf32, #tpu.memory_space<hbm>>)
      %add3A_455 = arith.constant 4 : i32
      %add3A_456 = arith.addi %add3A_420, %add3A_455 : i32
      %dma_start3A_457 = arith.constant 0 : i32
      %dma_start3A_458 = tpu.memref_slice %arg7[%add3A_456, %dma_start3A_457] : memref<200x128xi32, #tpu.memory_space<vmem>> -> memref<1x128xi32, #tpu.memory_space<vmem>>
      %dma_start3A_459 = tpu.memref_squeeze %dma_start3A_458 : memref<1x128xi32, #tpu.memory_space<vmem>> -> memref<128xi32, #tpu.memory_space<vmem>>
      %dma_start3A_460 = arith.constant 0 : i32
      %dma_start3A_461 = arith.constant 0 : i32
      %dma_start3A_462 = tpu.memref_slice %arg2[%dma_start3A_460, %dma_start3A_461] : memref<100000x64xf32, #tpu.memory_space<hbm>> -> memref<100000x64xf32, #tpu.memory_space<hbm>>
      tpu.enqueue_indirect_dma source(%dma_start3A_462 : memref<100000x64xf32, #tpu.memory_space<hbm>>) target(%arg9 : memref<128x64xf32, #tpu.memory_space<vmem>>) offsets(%dma_start3A_459 : memref<128xi32, #tpu.memory_space<vmem>>) semaphore(%arg17 : memref<!tpu.dma_semaphore, #tpu.memory_space<semaphore_mem>>)
      %add3A_463 = arith.constant 1 : i32
      %add3A_464 = arith.addi %add3A_418, %add3A_463 : i32
      %dma_wait3A_465 = arith.constant 0 : i32
      %dma_wait3A_466 = tpu.memref_slice %arg7[%add3A_464, %dma_wait3A_465] : memref<200x128xi32, #tpu.memory_space<vmem>> -> memref<1x128xi32, #tpu.memory_space<vmem>>
      %dma_wait3A_467 = tpu.memref_squeeze %dma_wait3A_466 : memref<1x128xi32, #tpu.memory_space<vmem>> -> memref<128xi32, #tpu.memory_space<vmem>>
      %dma_wait3A_468 = arith.constant 0 : i32
      %dma_wait3A_469 = arith.constant 0 : i32
      %dma_wait3A_470 = tpu.memref_slice %arg2[%dma_wait3A_468, %dma_wait3A_469] : memref<100000x64xf32, #tpu.memory_space<hbm>> -> memref<100000x64xf32, #tpu.memory_space<hbm>>
      tpu.wait_indirect_dma semaphore(%arg22 : memref<!tpu.dma_semaphore, #tpu.memory_space<semaphore_mem>>) src(%dma_wait3A_470 : memref<100000x64xf32, #tpu.memory_space<hbm>>) dst(%arg14 : memref<128x64xf32, #tpu.memory_space<vmem>>)
      %get3A_471 = arith.index_cast %add3A_464 : i32 to index
      %get3A_472 = arith.constant 0 : index
      %get3A_473 = tpu.vector_load %arg8[%get3A_471, %get3A_472] {strides = array<i32>} : memref<200x64xf32, #tpu.memory_space<vmem>>, vector<16xf32>,
      %get3A_474 = arith.index_cast %add3A_464 : i32 to index
      %get3A_475 = arith.constant 16 : index
      %get3A_476 = tpu.vector_load %arg8[%get3A_474, %get3A_475] {strides = array<i32>} : memref<200x64xf32, #tpu.memory_space<vmem>>, vector<16xf32>,
      %get3A_477 = arith.index_cast %add3A_464 : i32 to index
      %get3A_478 = arith.constant 32 : index
      %get3A_479 = tpu.vector_load %arg8[%get3A_477, %get3A_478] {strides = array<i32>} : memref<200x64xf32, #tpu.memory_space<vmem>>, vector<16xf32>,
      %get3A_480 = arith.index_cast %add3A_464 : i32 to index
      %get3A_481 = arith.constant 48 : index
      %get3A_482 = tpu.vector_load %arg8[%get3A_480, %get3A_481] {strides = array<i32>} : memref<200x64xf32, #tpu.memory_space<vmem>>, vector<16xf32>,
      %parallel_loop3A_483 = arith.constant 0 : i32
      %parallel_loop3A_484 = arith.constant 128 : i32
      %parallel_loop3A_485 = arith.constant 1 : i32
      scf.for %parallel_loop3A_778 = %parallel_loop3A_483 to %parallel_loop3A_484 step %parallel_loop3A_485  : i32 {
        %parallel_loop3A_779 = arith.index_cast %parallel_loop3A_778 : i32 to index
        %parallel_loop3A_780 = arith.constant 0 : index
        %parallel_loop3A_781 = tpu.vector_load %arg14[%parallel_loop3A_779, %parallel_loop3A_780] {strides = array<i32>} : memref<128x64xf32, #tpu.memory_space<vmem>>, vector<16xf32>,
        tpu.vector_store %arg14[%parallel_loop3A_779, %parallel_loop3A_780], %get3A_473 {add = true, strides = array<i32>} : memref<128x64xf32, #tpu.memory_space<vmem>>, vector<16xf32>,
        %parallel_loop3A_782 = arith.index_cast %parallel_loop3A_778 : i32 to index
        %parallel_loop3A_783 = arith.constant 16 : index
        %parallel_loop3A_784 = tpu.vector_load %arg14[%parallel_loop3A_782, %parallel_loop3A_783] {strides = array<i32>} : memref<128x64xf32, #tpu.memory_space<vmem>>, vector<16xf32>,
        tpu.vector_store %arg14[%parallel_loop3A_782, %parallel_loop3A_783], %get3A_476 {add = true, strides = array<i32>} : memref<128x64xf32, #tpu.memory_space<vmem>>, vector<16xf32>,
        %parallel_loop3A_785 = arith.index_cast %parallel_loop3A_778 : i32 to index
        %parallel_loop3A_786 = arith.constant 32 : index
        %parallel_loop3A_787 = tpu.vector_load %arg14[%parallel_loop3A_785, %parallel_loop3A_786] {strides = array<i32>} : memref<128x64xf32, #tpu.memory_space<vmem>>, vector<16xf32>,
        tpu.vector_store %arg14[%parallel_loop3A_785, %parallel_loop3A_786], %get3A_479 {add = true, strides = array<i32>} : memref<128x64xf32, #tpu.memory_space<vmem>>, vector<16xf32>,
        %parallel_loop3A_788 = arith.index_cast %parallel_loop3A_778 : i32 to index
        %parallel_loop3A_789 = arith.constant 48 : index
        %parallel_loop3A_790 = tpu.vector_load %arg14[%parallel_loop3A_788, %parallel_loop3A_789] {strides = array<i32>} : memref<128x64xf32, #tpu.memory_space<vmem>>, vector<16xf32>,
        tpu.vector_store %arg14[%parallel_loop3A_788, %parallel_loop3A_789], %get3A_482 {add = true, strides = array<i32>} : memref<128x64xf32, #tpu.memory_space<vmem>>, vector<16xf32>,
      } {sc.loop_unroll_factor = 8 : i64, sc.parallel_access}
      %dma_start3A_486 = arith.constant 0 : i32
      %dma_start3A_487 = tpu.memref_slice %arg5[%mul3A_2, %add3A_464, %dma_start3A_486] : memref<4096x200x128xf32, #tpu.memory_space<hbm>> -> memref<128x1x64xf32, #tpu.memory_space<hbm>>
      %dma_start3A_488 = tpu.memref_squeeze %dma_start3A_487 : memref<128x1x64xf32, #tpu.memory_space<hbm>> -> memref<128x64xf32, #tpu.memory_space<hbm>>
      %dma_start3A_489 = arith.constant 0 : i32
      %dma_start3A_490 = tpu.memref_slice %arg5[%mul3A_2, %add3A_464, %dma_start3A_489] : memref<4096x200x128xf32, #tpu.memory_space<hbm>> -> memref<128x1x64xf32, #tpu.memory_space<hbm>>
      %dma_start3A_491 = tpu.memref_squeeze %dma_start3A_490 : memref<128x1x64xf32, #tpu.memory_space<hbm>> -> memref<128x64xf32, #tpu.memory_space<hbm>>
      tpu.enqueue_dma source(%arg14 : memref<128x64xf32, #tpu.memory_space<vmem>>) target(%dma_start3A_491 : memref<128x64xf32, #tpu.memory_space<hbm>>) target_semaphore(%arg30 : memref<!tpu.dma_semaphore, #tpu.memory_space<semaphore_mem>>)
      %sub3A_492 = arith.constant 4 : i32
      %sub3A_493 = arith.subi %add3A_464, %sub3A_492 : i32
      %dma_wait3A_494 = arith.constant 0 : i32
      %dma_wait3A_495 = tpu.memref_slice %arg5[%mul3A_2, %sub3A_493, %dma_wait3A_494] : memref<4096x200x128xf32, #tpu.memory_space<hbm>> -> memref<128x1x64xf32, #tpu.memory_space<hbm>>
      %dma_wait3A_496 = tpu.memref_squeeze %dma_wait3A_495 : memref<128x1x64xf32, #tpu.memory_space<hbm>> -> memref<128x64xf32, #tpu.memory_space<hbm>>
      %dma_wait3A_497 = arith.constant 0 : i32
      %dma_wait3A_498 = tpu.memref_slice %arg5[%mul3A_2, %sub3A_493, %dma_wait3A_497] : memref<4096x200x128xf32, #tpu.memory_space<hbm>> -> memref<128x1x64xf32, #tpu.memory_space<hbm>>
      %dma_wait3A_499 = tpu.memref_squeeze %dma_wait3A_498 : memref<128x1x64xf32, #tpu.memory_space<hbm>> -> memref<128x64xf32, #tpu.memory_space<hbm>>
      tpu.wait_dma2 semaphore(%arg26 : memref<!tpu.dma_semaphore, #tpu.memory_space<semaphore_mem>>) src(%arg10 : memref<128x64xf32, #tpu.memory_space<vmem>>) dst(%dma_wait3A_499 : memref<128x64xf32, #tpu.memory_space<hbm>>)
      %add3A_500 = arith.constant 4 : i32
      %add3A_501 = arith.addi %add3A_464, %add3A_500 : i32
      %dma_start3A_502 = arith.constant 0 : i32
      %dma_start3A_503 = tpu.memref_slice %arg7[%add3A_501, %dma_start3A_502] : memref<200x128xi32, #tpu.memory_space<vmem>> -> memref<1x128xi32, #tpu.memory_space<vmem>>
      %dma_start3A_504 = tpu.memref_squeeze %dma_start3A_503 : memref<1x128xi32, #tpu.memory_space<vmem>> -> memref<128xi32, #tpu.memory_space<vmem>>
      %dma_start3A_505 = arith.constant 0 : i32
      %dma_start3A_506 = arith.constant 0 : i32
      %dma_start3A_507 = tpu.memref_slice %arg2[%dma_start3A_505, %dma_start3A_506] : memref<100000x64xf32, #tpu.memory_space<hbm>> -> memref<100000x64xf32, #tpu.memory_space<hbm>>
      tpu.enqueue_indirect_dma source(%dma_start3A_507 : memref<100000x64xf32, #tpu.memory_space<hbm>>) target(%arg10 : memref<128x64xf32, #tpu.memory_space<vmem>>) offsets(%dma_start3A_504 : memref<128xi32, #tpu.memory_space<vmem>>) semaphore(%arg18 : memref<!tpu.dma_semaphore, #tpu.memory_space<semaphore_mem>>)
      %add3A_508 = arith.constant 2 : i32
      %add3A_509 = arith.addi %add3A_418, %add3A_508 : i32
      %dma_wait3A_510 = arith.constant 0 : i32
      %dma_wait3A_511 = tpu.memref_slice %arg7[%add3A_509, %dma_wait3A_510] : memref<200x128xi32, #tpu.memory_space<vmem>> -> memref<1x128xi32, #tpu.memory_space<vmem>>
      %dma_wait3A_512 = tpu.memref_squeeze %dma_wait3A_511 : memref<1x128xi32, #tpu.memory_space<vmem>> -> memref<128xi32, #tpu.memory_space<vmem>>
      %dma_wait3A_513 = arith.constant 0 : i32
      %dma_wait3A_514 = arith.constant 0 : i32
      %dma_wait3A_515 = tpu.memref_slice %arg2[%dma_wait3A_513, %dma_wait3A_514] : memref<100000x64xf32, #tpu.memory_space<hbm>> -> memref<100000x64xf32, #tpu.memory_space<hbm>>
      tpu.wait_indirect_dma semaphore(%arg23 : memref<!tpu.dma_semaphore, #tpu.memory_space<semaphore_mem>>) src(%dma_wait3A_515 : memref<100000x64xf32, #tpu.memory_space<hbm>>) dst(%arg15 : memref<128x64xf32, #tpu.memory_space<vmem>>)
      %get3A_516 = arith.index_cast %add3A_509 : i32 to index
      %get3A_517 = arith.constant 0 : index
      %get3A_518 = tpu.vector_load %arg8[%get3A_516, %get3A_517] {strides = array<i32>} : memref<200x64xf32, #tpu.memory_space<vmem>>, vector<16xf32>,
      %get3A_519 = arith.index_cast %add3A_509 : i32 to index
      %get3A_520 = arith.constant 16 : index
      %get3A_521 = tpu.vector_load %arg8[%get3A_519, %get3A_520] {strides = array<i32>} : memref<200x64xf32, #tpu.memory_space<vmem>>, vector<16xf32>,
      %get3A_522 = arith.index_cast %add3A_509 : i32 to index
      %get3A_523 = arith.constant 32 : index
      %get3A_524 = tpu.vector_load %arg8[%get3A_522, %get3A_523] {strides = array<i32>} : memref<200x64xf32, #tpu.memory_space<vmem>>, vector<16xf32>,
      %get3A_525 = arith.index_cast %add3A_509 : i32 to index
      %get3A_526 = arith.constant 48 : index
      %get3A_527 = tpu.vector_load %arg8[%get3A_525, %get3A_526] {strides = array<i32>} : memref<200x64xf32, #tpu.memory_space<vmem>>, vector<16xf32>,
      %parallel_loop3A_528 = arith.constant 0 : i32
      %parallel_loop3A_529 = arith.constant 128 : i32
      %parallel_loop3A_530 = arith.constant 1 : i32
      scf.for %parallel_loop3A_778 = %parallel_loop3A_528 to %parallel_loop3A_529 step %parallel_loop3A_530  : i32 {
        %parallel_loop3A_779 = arith.index_cast %parallel_loop3A_778 : i32 to index
        %parallel_loop3A_780 = arith.constant 0 : index
        %parallel_loop3A_781 = tpu.vector_load %arg15[%parallel_loop3A_779, %parallel_loop3A_780] {strides = array<i32>} : memref<128x64xf32, #tpu.memory_space<vmem>>, vector<16xf32>,
        tpu.vector_store %arg15[%parallel_loop3A_779, %parallel_loop3A_780], %get3A_518 {add = true, strides = array<i32>} : memref<128x64xf32, #tpu.memory_space<vmem>>, vector<16xf32>,
        %parallel_loop3A_782 = arith.index_cast %parallel_loop3A_778 : i32 to index
        %parallel_loop3A_783 = arith.constant 16 : index
        %parallel_loop3A_784 = tpu.vector_load %arg15[%parallel_loop3A_782, %parallel_loop3A_783] {strides = array<i32>} : memref<128x64xf32, #tpu.memory_space<vmem>>, vector<16xf32>,
        tpu.vector_store %arg15[%parallel_loop3A_782, %parallel_loop3A_783], %get3A_521 {add = true, strides = array<i32>} : memref<128x64xf32, #tpu.memory_space<vmem>>, vector<16xf32>,
        %parallel_loop3A_785 = arith.index_cast %parallel_loop3A_778 : i32 to index
        %parallel_loop3A_786 = arith.constant 32 : index
        %parallel_loop3A_787 = tpu.vector_load %arg15[%parallel_loop3A_785, %parallel_loop3A_786] {strides = array<i32>} : memref<128x64xf32, #tpu.memory_space<vmem>>, vector<16xf32>,
        tpu.vector_store %arg15[%parallel_loop3A_785, %parallel_loop3A_786], %get3A_524 {add = true, strides = array<i32>} : memref<128x64xf32, #tpu.memory_space<vmem>>, vector<16xf32>,
        %parallel_loop3A_788 = arith.index_cast %parallel_loop3A_778 : i32 to index
        %parallel_loop3A_789 = arith.constant 48 : index
        %parallel_loop3A_790 = tpu.vector_load %arg15[%parallel_loop3A_788, %parallel_loop3A_789] {strides = array<i32>} : memref<128x64xf32, #tpu.memory_space<vmem>>, vector<16xf32>,
        tpu.vector_store %arg15[%parallel_loop3A_788, %parallel_loop3A_789], %get3A_527 {add = true, strides = array<i32>} : memref<128x64xf32, #tpu.memory_space<vmem>>, vector<16xf32>,
      } {sc.loop_unroll_factor = 8 : i64, sc.parallel_access}
      %dma_start3A_531 = arith.constant 0 : i32
      %dma_start3A_532 = tpu.memref_slice %arg5[%mul3A_2, %add3A_509, %dma_start3A_531] : memref<4096x200x128xf32, #tpu.memory_space<hbm>> -> memref<128x1x64xf32, #tpu.memory_space<hbm>>
      %dma_start3A_533 = tpu.memref_squeeze %dma_start3A_532 : memref<128x1x64xf32, #tpu.memory_space<hbm>> -> memref<128x64xf32, #tpu.memory_space<hbm>>
      %dma_start3A_534 = arith.constant 0 : i32
      %dma_start3A_535 = tpu.memref_slice %arg5[%mul3A_2, %add3A_509, %dma_start3A_534] : memref<4096x200x128xf32, #tpu.memory_space<hbm>> -> memref<128x1x64xf32, #tpu.memory_space<hbm>>
      %dma_start3A_536 = tpu.memref_squeeze %dma_start3A_535 : memref<128x1x64xf32, #tpu.memory_space<hbm>> -> memref<128x64xf32, #tpu.memory_space<hbm>>
      tpu.enqueue_dma source(%arg15 : memref<128x64xf32, #tpu.memory_space<vmem>>) target(%dma_start3A_536 : memref<128x64xf32, #tpu.memory_space<hbm>>) target_semaphore(%arg31 : memref<!tpu.dma_semaphore, #tpu.memory_space<semaphore_mem>>)
      %sub3A_537 = arith.constant 4 : i32
      %sub3A_538 = arith.subi %add3A_509, %sub3A_537 : i32
      %dma_wait3A_539 = arith.constant 0 : i32
      %dma_wait3A_540 = tpu.memref_slice %arg5[%mul3A_2, %sub3A_538, %dma_wait3A_539] : memref<4096x200x128xf32, #tpu.memory_space<hbm>> -> memref<128x1x64xf32, #tpu.memory_space<hbm>>
      %dma_wait3A_541 = tpu.memref_squeeze %dma_wait3A_540 : memref<128x1x64xf32, #tpu.memory_space<hbm>> -> memref<128x64xf32, #tpu.memory_space<hbm>>
      %dma_wait3A_542 = arith.constant 0 : i32
      %dma_wait3A_543 = tpu.memref_slice %arg5[%mul3A_2, %sub3A_538, %dma_wait3A_542] : memref<4096x200x128xf32, #tpu.memory_space<hbm>> -> memref<128x1x64xf32, #tpu.memory_space<hbm>>
      %dma_wait3A_544 = tpu.memref_squeeze %dma_wait3A_543 : memref<128x1x64xf32, #tpu.memory_space<hbm>> -> memref<128x64xf32, #tpu.memory_space<hbm>>
      tpu.wait_dma2 semaphore(%arg27 : memref<!tpu.dma_semaphore, #tpu.memory_space<semaphore_mem>>) src(%arg11 : memref<128x64xf32, #tpu.memory_space<vmem>>) dst(%dma_wait3A_544 : memref<128x64xf32, #tpu.memory_space<hbm>>)
      %add3A_545 = arith.constant 4 : i32
      %add3A_546 = arith.addi %add3A_509, %add3A_545 : i32
      %dma_start3A_547 = arith.constant 0 : i32
      %dma_start3A_548 = tpu.memref_slice %arg7[%add3A_546, %dma_start3A_547] : memref<200x128xi32, #tpu.memory_space<vmem>> -> memref<1x128xi32, #tpu.memory_space<vmem>>
      %dma_start3A_549 = tpu.memref_squeeze %dma_start3A_548 : memref<1x128xi32, #tpu.memory_space<vmem>> -> memref<128xi32, #tpu.memory_space<vmem>>
      %dma_start3A_550 = arith.constant 0 : i32
      %dma_start3A_551 = arith.constant 0 : i32
      %dma_start3A_552 = tpu.memref_slice %arg2[%dma_start3A_550, %dma_start3A_551] : memref<100000x64xf32, #tpu.memory_space<hbm>> -> memref<100000x64xf32, #tpu.memory_space<hbm>>
      tpu.enqueue_indirect_dma source(%dma_start3A_552 : memref<100000x64xf32, #tpu.memory_space<hbm>>) target(%arg11 : memref<128x64xf32, #tpu.memory_space<vmem>>) offsets(%dma_start3A_549 : memref<128xi32, #tpu.memory_space<vmem>>) semaphore(%arg19 : memref<!tpu.dma_semaphore, #tpu.memory_space<semaphore_mem>>)
      %add3A_553 = arith.constant 3 : i32
      %add3A_554 = arith.addi %add3A_418, %add3A_553 : i32
      %dma_wait3A_555 = arith.constant 0 : i32
      %dma_wait3A_556 = tpu.memref_slice %arg7[%add3A_554, %dma_wait3A_555] : memref<200x128xi32, #tpu.memory_space<vmem>> -> memref<1x128xi32, #tpu.memory_space<vmem>>
      %dma_wait3A_557 = tpu.memref_squeeze %dma_wait3A_556 : memref<1x128xi32, #tpu.memory_space<vmem>> -> memref<128xi32, #tpu.memory_space<vmem>>
      %dma_wait3A_558 = arith.constant 0 : i32
      %dma_wait3A_559 = arith.constant 0 : i32
      %dma_wait3A_560 = tpu.memref_slice %arg2[%dma_wait3A_558, %dma_wait3A_559] : memref<100000x64xf32, #tpu.memory_space<hbm>> -> memref<100000x64xf32, #tpu.memory_space<hbm>>
      tpu.wait_indirect_dma semaphore(%arg24 : memref<!tpu.dma_semaphore, #tpu.memory_space<semaphore_mem>>) src(%dma_wait3A_560 : memref<100000x64xf32, #tpu.memory_space<hbm>>) dst(%arg16 : memref<128x64xf32, #tpu.memory_space<vmem>>)
      %get3A_561 = arith.index_cast %add3A_554 : i32 to index
      %get3A_562 = arith.constant 0 : index
      %get3A_563 = tpu.vector_load %arg8[%get3A_561, %get3A_562] {strides = array<i32>} : memref<200x64xf32, #tpu.memory_space<vmem>>, vector<16xf32>,
      %get3A_564 = arith.index_cast %add3A_554 : i32 to index
      %get3A_565 = arith.constant 16 : index
      %get3A_566 = tpu.vector_load %arg8[%get3A_564, %get3A_565] {strides = array<i32>} : memref<200x64xf32, #tpu.memory_space<vmem>>, vector<16xf32>,
      %get3A_567 = arith.index_cast %add3A_554 : i32 to index
      %get3A_568 = arith.constant 32 : index
      %get3A_569 = tpu.vector_load %arg8[%get3A_567, %get3A_568] {strides = array<i32>} : memref<200x64xf32, #tpu.memory_space<vmem>>, vector<16xf32>,
      %get3A_570 = arith.index_cast %add3A_554 : i32 to index
      %get3A_571 = arith.constant 48 : index
      %get3A_572 = tpu.vector_load %arg8[%get3A_570, %get3A_571] {strides = array<i32>} : memref<200x64xf32, #tpu.memory_space<vmem>>, vector<16xf32>,
      %parallel_loop3A_573 = arith.constant 0 : i32
      %parallel_loop3A_574 = arith.constant 128 : i32
      %parallel_loop3A_575 = arith.constant 1 : i32
      scf.for %parallel_loop3A_778 = %parallel_loop3A_573 to %parallel_loop3A_574 step %parallel_loop3A_575  : i32 {
        %parallel_loop3A_779 = arith.index_cast %parallel_loop3A_778 : i32 to index
        %parallel_loop3A_780 = arith.constant 0 : index
        %parallel_loop3A_781 = tpu.vector_load %arg16[%parallel_loop3A_779, %parallel_loop3A_780] {strides = array<i32>} : memref<128x64xf32, #tpu.memory_space<vmem>>, vector<16xf32>,
        tpu.vector_store %arg16[%parallel_loop3A_779, %parallel_loop3A_780], %get3A_563 {add = true, strides = array<i32>} : memref<128x64xf32, #tpu.memory_space<vmem>>, vector<16xf32>,
        %parallel_loop3A_782 = arith.index_cast %parallel_loop3A_778 : i32 to index
        %parallel_loop3A_783 = arith.constant 16 : index
        %parallel_loop3A_784 = tpu.vector_load %arg16[%parallel_loop3A_782, %parallel_loop3A_783] {strides = array<i32>} : memref<128x64xf32, #tpu.memory_space<vmem>>, vector<16xf32>,
        tpu.vector_store %arg16[%parallel_loop3A_782, %parallel_loop3A_783], %get3A_566 {add = true, strides = array<i32>} : memref<128x64xf32, #tpu.memory_space<vmem>>, vector<16xf32>,
        %parallel_loop3A_785 = arith.index_cast %parallel_loop3A_778 : i32 to index
        %parallel_loop3A_786 = arith.constant 32 : index
        %parallel_loop3A_787 = tpu.vector_load %arg16[%parallel_loop3A_785, %parallel_loop3A_786] {strides = array<i32>} : memref<128x64xf32, #tpu.memory_space<vmem>>, vector<16xf32>,
        tpu.vector_store %arg16[%parallel_loop3A_785, %parallel_loop3A_786], %get3A_569 {add = true, strides = array<i32>} : memref<128x64xf32, #tpu.memory_space<vmem>>, vector<16xf32>,
        %parallel_loop3A_788 = arith.index_cast %parallel_loop3A_778 : i32 to index
        %parallel_loop3A_789 = arith.constant 48 : index
        %parallel_loop3A_790 = tpu.vector_load %arg16[%parallel_loop3A_788, %parallel_loop3A_789] {strides = array<i32>} : memref<128x64xf32, #tpu.memory_space<vmem>>, vector<16xf32>,
        tpu.vector_store %arg16[%parallel_loop3A_788, %parallel_loop3A_789], %get3A_572 {add = true, strides = array<i32>} : memref<128x64xf32, #tpu.memory_space<vmem>>, vector<16xf32>,
      } {sc.loop_unroll_factor = 8 : i64, sc.parallel_access}
      %dma_start3A_576 = arith.constant 0 : i32
      %dma_start3A_577 = tpu.memref_slice %arg5[%mul3A_2, %add3A_554, %dma_start3A_576] : memref<4096x200x128xf32, #tpu.memory_space<hbm>> -> memref<128x1x64xf32, #tpu.memory_space<hbm>>
      %dma_start3A_578 = tpu.memref_squeeze %dma_start3A_577 : memref<128x1x64xf32, #tpu.memory_space<hbm>> -> memref<128x64xf32, #tpu.memory_space<hbm>>
      %dma_start3A_579 = arith.constant 0 : i32
      %dma_start3A_580 = tpu.memref_slice %arg5[%mul3A_2, %add3A_554, %dma_start3A_579] : memref<4096x200x128xf32, #tpu.memory_space<hbm>> -> memref<128x1x64xf32, #tpu.memory_space<hbm>>
      %dma_start3A_581 = tpu.memref_squeeze %dma_start3A_580 : memref<128x1x64xf32, #tpu.memory_space<hbm>> -> memref<128x64xf32, #tpu.memory_space<hbm>>
      tpu.enqueue_dma source(%arg16 : memref<128x64xf32, #tpu.memory_space<vmem>>) target(%dma_start3A_581 : memref<128x64xf32, #tpu.memory_space<hbm>>) target_semaphore(%arg32 : memref<!tpu.dma_semaphore, #tpu.memory_space<semaphore_mem>>)
      %sub3A_582 = arith.constant 4 : i32
      %sub3A_583 = arith.subi %add3A_554, %sub3A_582 : i32
      %dma_wait3A_584 = arith.constant 0 : i32
      %dma_wait3A_585 = tpu.memref_slice %arg5[%mul3A_2, %sub3A_583, %dma_wait3A_584] : memref<4096x200x128xf32, #tpu.memory_space<hbm>> -> memref<128x1x64xf32, #tpu.memory_space<hbm>>
      %dma_wait3A_586 = tpu.memref_squeeze %dma_wait3A_585 : memref<128x1x64xf32, #tpu.memory_space<hbm>> -> memref<128x64xf32, #tpu.memory_space<hbm>>
      %dma_wait3A_587 = arith.constant 0 : i32
      %dma_wait3A_588 = tpu.memref_slice %arg5[%mul3A_2, %sub3A_583, %dma_wait3A_587] : memref<4096x200x128xf32, #tpu.memory_space<hbm>> -> memref<128x1x64xf32, #tpu.memory_space<hbm>>
      %dma_wait3A_589 = tpu.memref_squeeze %dma_wait3A_588 : memref<128x1x64xf32, #tpu.memory_space<hbm>> -> memref<128x64xf32, #tpu.memory_space<hbm>>
      tpu.wait_dma2 semaphore(%arg28 : memref<!tpu.dma_semaphore, #tpu.memory_space<semaphore_mem>>) src(%arg12 : memref<128x64xf32, #tpu.memory_space<vmem>>) dst(%dma_wait3A_589 : memref<128x64xf32, #tpu.memory_space<hbm>>)
      %add3A_590 = arith.constant 4 : i32
      %add3A_591 = arith.addi %add3A_554, %add3A_590 : i32
      %dma_start3A_592 = arith.constant 0 : i32
      %dma_start3A_593 = tpu.memref_slice %arg7[%add3A_591, %dma_start3A_592] : memref<200x128xi32, #tpu.memory_space<vmem>> -> memref<1x128xi32, #tpu.memory_space<vmem>>
      %dma_start3A_594 = tpu.memref_squeeze %dma_start3A_593 : memref<1x128xi32, #tpu.memory_space<vmem>> -> memref<128xi32, #tpu.memory_space<vmem>>
      %dma_start3A_595 = arith.constant 0 : i32
      %dma_start3A_596 = arith.constant 0 : i32
      %dma_start3A_597 = tpu.memref_slice %arg2[%dma_start3A_595, %dma_start3A_596] : memref<100000x64xf32, #tpu.memory_space<hbm>> -> memref<100000x64xf32, #tpu.memory_space<hbm>>
      tpu.enqueue_indirect_dma source(%dma_start3A_597 : memref<100000x64xf32, #tpu.memory_space<hbm>>) target(%arg12 : memref<128x64xf32, #tpu.memory_space<vmem>>) offsets(%dma_start3A_594 : memref<128xi32, #tpu.memory_space<vmem>>) semaphore(%arg20 : memref<!tpu.dma_semaphore, #tpu.memory_space<semaphore_mem>>)
      %add3A_598 = arith.constant 4 : i32
      %add3A_599 = arith.addi %add3A_418, %add3A_598 : i32
      %dma_wait3A_600 = arith.constant 0 : i32
      %dma_wait3A_601 = tpu.memref_slice %arg7[%add3A_599, %dma_wait3A_600] : memref<200x128xi32, #tpu.memory_space<vmem>> -> memref<1x128xi32, #tpu.memory_space<vmem>>
      %dma_wait3A_602 = tpu.memref_squeeze %dma_wait3A_601 : memref<1x128xi32, #tpu.memory_space<vmem>> -> memref<128xi32, #tpu.memory_space<vmem>>
      %dma_wait3A_603 = arith.constant 0 : i32
      %dma_wait3A_604 = arith.constant 0 : i32
      %dma_wait3A_605 = tpu.memref_slice %arg2[%dma_wait3A_603, %dma_wait3A_604] : memref<100000x64xf32, #tpu.memory_space<hbm>> -> memref<100000x64xf32, #tpu.memory_space<hbm>>
      tpu.wait_indirect_dma semaphore(%arg17 : memref<!tpu.dma_semaphore, #tpu.memory_space<semaphore_mem>>) src(%dma_wait3A_605 : memref<100000x64xf32, #tpu.memory_space<hbm>>) dst(%arg9 : memref<128x64xf32, #tpu.memory_space<vmem>>)
      %get3A_606 = arith.index_cast %add3A_599 : i32 to index
      %get3A_607 = arith.constant 0 : index
      %get3A_608 = tpu.vector_load %arg8[%get3A_606, %get3A_607] {strides = array<i32>} : memref<200x64xf32, #tpu.memory_space<vmem>>, vector<16xf32>,
      %get3A_609 = arith.index_cast %add3A_599 : i32 to index
      %get3A_610 = arith.constant 16 : index
      %get3A_611 = tpu.vector_load %arg8[%get3A_609, %get3A_610] {strides = array<i32>} : memref<200x64xf32, #tpu.memory_space<vmem>>, vector<16xf32>,
      %get3A_612 = arith.index_cast %add3A_599 : i32 to index
      %get3A_613 = arith.constant 32 : index
      %get3A_614 = tpu.vector_load %arg8[%get3A_612, %get3A_613] {strides = array<i32>} : memref<200x64xf32, #tpu.memory_space<vmem>>, vector<16xf32>,
      %get3A_615 = arith.index_cast %add3A_599 : i32 to index
      %get3A_616 = arith.constant 48 : index
      %get3A_617 = tpu.vector_load %arg8[%get3A_615, %get3A_616] {strides = array<i32>} : memref<200x64xf32, #tpu.memory_space<vmem>>, vector<16xf32>,
      %parallel_loop3A_618 = arith.constant 0 : i32
      %parallel_loop3A_619 = arith.constant 128 : i32
      %parallel_loop3A_620 = arith.constant 1 : i32
      scf.for %parallel_loop3A_778 = %parallel_loop3A_618 to %parallel_loop3A_619 step %parallel_loop3A_620  : i32 {
        %parallel_loop3A_779 = arith.index_cast %parallel_loop3A_778 : i32 to index
        %parallel_loop3A_780 = arith.constant 0 : index
        %parallel_loop3A_781 = tpu.vector_load %arg9[%parallel_loop3A_779, %parallel_loop3A_780] {strides = array<i32>} : memref<128x64xf32, #tpu.memory_space<vmem>>, vector<16xf32>,
        tpu.vector_store %arg9[%parallel_loop3A_779, %parallel_loop3A_780], %get3A_608 {add = true, strides = array<i32>} : memref<128x64xf32, #tpu.memory_space<vmem>>, vector<16xf32>,
        %parallel_loop3A_782 = arith.index_cast %parallel_loop3A_778 : i32 to index
        %parallel_loop3A_783 = arith.constant 16 : index
        %parallel_loop3A_784 = tpu.vector_load %arg9[%parallel_loop3A_782, %parallel_loop3A_783] {strides = array<i32>} : memref<128x64xf32, #tpu.memory_space<vmem>>, vector<16xf32>,
        tpu.vector_store %arg9[%parallel_loop3A_782, %parallel_loop3A_783], %get3A_611 {add = true, strides = array<i32>} : memref<128x64xf32, #tpu.memory_space<vmem>>, vector<16xf32>,
        %parallel_loop3A_785 = arith.index_cast %parallel_loop3A_778 : i32 to index
        %parallel_loop3A_786 = arith.constant 32 : index
        %parallel_loop3A_787 = tpu.vector_load %arg9[%parallel_loop3A_785, %parallel_loop3A_786] {strides = array<i32>} : memref<128x64xf32, #tpu.memory_space<vmem>>, vector<16xf32>,
        tpu.vector_store %arg9[%parallel_loop3A_785, %parallel_loop3A_786], %get3A_614 {add = true, strides = array<i32>} : memref<128x64xf32, #tpu.memory_space<vmem>>, vector<16xf32>,
        %parallel_loop3A_788 = arith.index_cast %parallel_loop3A_778 : i32 to index
        %parallel_loop3A_789 = arith.constant 48 : index
        %parallel_loop3A_790 = tpu.vector_load %arg9[%parallel_loop3A_788, %parallel_loop3A_789] {strides = array<i32>} : memref<128x64xf32, #tpu.memory_space<vmem>>, vector<16xf32>,
        tpu.vector_store %arg9[%parallel_loop3A_788, %parallel_loop3A_789], %get3A_617 {add = true, strides = array<i32>} : memref<128x64xf32, #tpu.memory_space<vmem>>, vector<16xf32>,
      } {sc.loop_unroll_factor = 8 : i64, sc.parallel_access}
      %dma_start3A_621 = arith.constant 0 : i32
      %dma_start3A_622 = tpu.memref_slice %arg5[%mul3A_2, %add3A_599, %dma_start3A_621] : memref<4096x200x128xf32, #tpu.memory_space<hbm>> -> memref<128x1x64xf32, #tpu.memory_space<hbm>>
      %dma_start3A_623 = tpu.memref_squeeze %dma_start3A_622 : memref<128x1x64xf32, #tpu.memory_space<hbm>> -> memref<128x64xf32, #tpu.memory_space<hbm>>
      %dma_start3A_624 = arith.constant 0 : i32
      %dma_start3A_625 = tpu.memref_slice %arg5[%mul3A_2, %add3A_599, %dma_start3A_624] : memref<4096x200x128xf32, #tpu.memory_space<hbm>> -> memref<128x1x64xf32, #tpu.memory_space<hbm>>
      %dma_start3A_626 = tpu.memref_squeeze %dma_start3A_625 : memref<128x1x64xf32, #tpu.memory_space<hbm>> -> memref<128x64xf32, #tpu.memory_space<hbm>>
      tpu.enqueue_dma source(%arg9 : memref<128x64xf32, #tpu.memory_space<vmem>>) target(%dma_start3A_626 : memref<128x64xf32, #tpu.memory_space<hbm>>) target_semaphore(%arg25 : memref<!tpu.dma_semaphore, #tpu.memory_space<semaphore_mem>>)
      %sub3A_627 = arith.constant 4 : i32
      %sub3A_628 = arith.subi %add3A_599, %sub3A_627 : i32
      %dma_wait3A_629 = arith.constant 0 : i32
      %dma_wait3A_630 = tpu.memref_slice %arg5[%mul3A_2, %sub3A_628, %dma_wait3A_629] : memref<4096x200x128xf32, #tpu.memory_space<hbm>> -> memref<128x1x64xf32, #tpu.memory_space<hbm>>
      %dma_wait3A_631 = tpu.memref_squeeze %dma_wait3A_630 : memref<128x1x64xf32, #tpu.memory_space<hbm>> -> memref<128x64xf32, #tpu.memory_space<hbm>>
      %dma_wait3A_632 = arith.constant 0 : i32
      %dma_wait3A_633 = tpu.memref_slice %arg5[%mul3A_2, %sub3A_628, %dma_wait3A_632] : memref<4096x200x128xf32, #tpu.memory_space<hbm>> -> memref<128x1x64xf32, #tpu.memory_space<hbm>>
      %dma_wait3A_634 = tpu.memref_squeeze %dma_wait3A_633 : memref<128x1x64xf32, #tpu.memory_space<hbm>> -> memref<128x64xf32, #tpu.memory_space<hbm>>
      tpu.wait_dma2 semaphore(%arg29 : memref<!tpu.dma_semaphore, #tpu.memory_space<semaphore_mem>>) src(%arg13 : memref<128x64xf32, #tpu.memory_space<vmem>>) dst(%dma_wait3A_634 : memref<128x64xf32, #tpu.memory_space<hbm>>)
      %add3A_635 = arith.constant 4 : i32
      %add3A_636 = arith.addi %add3A_599, %add3A_635 : i32
      %dma_start3A_637 = arith.constant 0 : i32
      %dma_start3A_638 = tpu.memref_slice %arg7[%add3A_636, %dma_start3A_637] : memref<200x128xi32, #tpu.memory_space<vmem>> -> memref<1x128xi32, #tpu.memory_space<vmem>>
      %dma_start3A_639 = tpu.memref_squeeze %dma_start3A_638 : memref<1x128xi32, #tpu.memory_space<vmem>> -> memref<128xi32, #tpu.memory_space<vmem>>
      %dma_start3A_640 = arith.constant 0 : i32
      %dma_start3A_641 = arith.constant 0 : i32
      %dma_start3A_642 = tpu.memref_slice %arg2[%dma_start3A_640, %dma_start3A_641] : memref<100000x64xf32, #tpu.memory_space<hbm>> -> memref<100000x64xf32, #tpu.memory_space<hbm>>
      tpu.enqueue_indirect_dma source(%dma_start3A_642 : memref<100000x64xf32, #tpu.memory_space<hbm>>) target(%arg13 : memref<128x64xf32, #tpu.memory_space<vmem>>) offsets(%dma_start3A_639 : memref<128xi32, #tpu.memory_space<vmem>>) semaphore(%arg21 : memref<!tpu.dma_semaphore, #tpu.memory_space<semaphore_mem>>)
      %add3A_643 = arith.constant 5 : i32
      %add3A_644 = arith.addi %add3A_418, %add3A_643 : i32
      %dma_wait3A_645 = arith.constant 0 : i32
      %dma_wait3A_646 = tpu.memref_slice %arg7[%add3A_644, %dma_wait3A_645] : memref<200x128xi32, #tpu.memory_space<vmem>> -> memref<1x128xi32, #tpu.memory_space<vmem>>
      %dma_wait3A_647 = tpu.memref_squeeze %dma_wait3A_646 : memref<1x128xi32, #tpu.memory_space<vmem>> -> memref<128xi32, #tpu.memory_space<vmem>>
      %dma_wait3A_648 = arith.constant 0 : i32
      %dma_wait3A_649 = arith.constant 0 : i32
      %dma_wait3A_650 = tpu.memref_slice %arg2[%dma_wait3A_648, %dma_wait3A_649] : memref<100000x64xf32, #tpu.memory_space<hbm>> -> memref<100000x64xf32, #tpu.memory_space<hbm>>
      tpu.wait_indirect_dma semaphore(%arg18 : memref<!tpu.dma_semaphore, #tpu.memory_space<semaphore_mem>>) src(%dma_wait3A_650 : memref<100000x64xf32, #tpu.memory_space<hbm>>) dst(%arg10 : memref<128x64xf32, #tpu.memory_space<vmem>>)
      %get3A_651 = arith.index_cast %add3A_644 : i32 to index
      %get3A_652 = arith.constant 0 : index
      %get3A_653 = tpu.vector_load %arg8[%get3A_651, %get3A_652] {strides = array<i32>} : memref<200x64xf32, #tpu.memory_space<vmem>>, vector<16xf32>,
      %get3A_654 = arith.index_cast %add3A_644 : i32 to index
      %get3A_655 = arith.constant 16 : index
      %get3A_656 = tpu.vector_load %arg8[%get3A_654, %get3A_655] {strides = array<i32>} : memref<200x64xf32, #tpu.memory_space<vmem>>, vector<16xf32>,
      %get3A_657 = arith.index_cast %add3A_644 : i32 to index
      %get3A_658 = arith.constant 32 : index
      %get3A_659 = tpu.vector_load %arg8[%get3A_657, %get3A_658] {strides = array<i32>} : memref<200x64xf32, #tpu.memory_space<vmem>>, vector<16xf32>,
      %get3A_660 = arith.index_cast %add3A_644 : i32 to index
      %get3A_661 = arith.constant 48 : index
      %get3A_662 = tpu.vector_load %arg8[%get3A_660, %get3A_661] {strides = array<i32>} : memref<200x64xf32, #tpu.memory_space<vmem>>, vector<16xf32>,
      %parallel_loop3A_663 = arith.constant 0 : i32
      %parallel_loop3A_664 = arith.constant 128 : i32
      %parallel_loop3A_665 = arith.constant 1 : i32
      scf.for %parallel_loop3A_778 = %parallel_loop3A_663 to %parallel_loop3A_664 step %parallel_loop3A_665  : i32 {
        %parallel_loop3A_779 = arith.index_cast %parallel_loop3A_778 : i32 to index
        %parallel_loop3A_780 = arith.constant 0 : index
        %parallel_loop3A_781 = tpu.vector_load %arg10[%parallel_loop3A_779, %parallel_loop3A_780] {strides = array<i32>} : memref<128x64xf32, #tpu.memory_space<vmem>>, vector<16xf32>,
        tpu.vector_store %arg10[%parallel_loop3A_779, %parallel_loop3A_780], %get3A_653 {add = true, strides = array<i32>} : memref<128x64xf32, #tpu.memory_space<vmem>>, vector<16xf32>,
        %parallel_loop3A_782 = arith.index_cast %parallel_loop3A_778 : i32 to index
        %parallel_loop3A_783 = arith.constant 16 : index
        %parallel_loop3A_784 = tpu.vector_load %arg10[%parallel_loop3A_782, %parallel_loop3A_783] {strides = array<i32>} : memref<128x64xf32, #tpu.memory_space<vmem>>, vector<16xf32>,
        tpu.vector_store %arg10[%parallel_loop3A_782, %parallel_loop3A_783], %get3A_656 {add = true, strides = array<i32>} : memref<128x64xf32, #tpu.memory_space<vmem>>, vector<16xf32>,
        %parallel_loop3A_785 = arith.index_cast %parallel_loop3A_778 : i32 to index
        %parallel_loop3A_786 = arith.constant 32 : index
        %parallel_loop3A_787 = tpu.vector_load %arg10[%parallel_loop3A_785, %parallel_loop3A_786] {strides = array<i32>} : memref<128x64xf32, #tpu.memory_space<vmem>>, vector<16xf32>,
        tpu.vector_store %arg10[%parallel_loop3A_785, %parallel_loop3A_786], %get3A_659 {add = true, strides = array<i32>} : memref<128x64xf32, #tpu.memory_space<vmem>>, vector<16xf32>,
        %parallel_loop3A_788 = arith.index_cast %parallel_loop3A_778 : i32 to index
        %parallel_loop3A_789 = arith.constant 48 : index
        %parallel_loop3A_790 = tpu.vector_load %arg10[%parallel_loop3A_788, %parallel_loop3A_789] {strides = array<i32>} : memref<128x64xf32, #tpu.memory_space<vmem>>, vector<16xf32>,
        tpu.vector_store %arg10[%parallel_loop3A_788, %parallel_loop3A_789], %get3A_662 {add = true, strides = array<i32>} : memref<128x64xf32, #tpu.memory_space<vmem>>, vector<16xf32>,
      } {sc.loop_unroll_factor = 8 : i64, sc.parallel_access}
      %dma_start3A_666 = arith.constant 0 : i32
      %dma_start3A_667 = tpu.memref_slice %arg5[%mul3A_2, %add3A_644, %dma_start3A_666] : memref<4096x200x128xf32, #tpu.memory_space<hbm>> -> memref<128x1x64xf32, #tpu.memory_space<hbm>>
      %dma_start3A_668 = tpu.memref_squeeze %dma_start3A_667 : memref<128x1x64xf32, #tpu.memory_space<hbm>> -> memref<128x64xf32, #tpu.memory_space<hbm>>
      %dma_start3A_669 = arith.constant 0 : i32
      %dma_start3A_670 = tpu.memref_slice %arg5[%mul3A_2, %add3A_644, %dma_start3A_669] : memref<4096x200x128xf32, #tpu.memory_space<hbm>> -> memref<128x1x64xf32, #tpu.memory_space<hbm>>
      %dma_start3A_671 = tpu.memref_squeeze %dma_start3A_670 : memref<128x1x64xf32, #tpu.memory_space<hbm>> -> memref<128x64xf32, #tpu.memory_space<hbm>>
      tpu.enqueue_dma source(%arg10 : memref<128x64xf32, #tpu.memory_space<vmem>>) target(%dma_start3A_671 : memref<128x64xf32, #tpu.memory_space<hbm>>) target_semaphore(%arg26 : memref<!tpu.dma_semaphore, #tpu.memory_space<semaphore_mem>>)
      %sub3A_672 = arith.constant 4 : i32
      %sub3A_673 = arith.subi %add3A_644, %sub3A_672 : i32
      %dma_wait3A_674 = arith.constant 0 : i32
      %dma_wait3A_675 = tpu.memref_slice %arg5[%mul3A_2, %sub3A_673, %dma_wait3A_674] : memref<4096x200x128xf32, #tpu.memory_space<hbm>> -> memref<128x1x64xf32, #tpu.memory_space<hbm>>
      %dma_wait3A_676 = tpu.memref_squeeze %dma_wait3A_675 : memref<128x1x64xf32, #tpu.memory_space<hbm>> -> memref<128x64xf32, #tpu.memory_space<hbm>>
      %dma_wait3A_677 = arith.constant 0 : i32
      %dma_wait3A_678 = tpu.memref_slice %arg5[%mul3A_2, %sub3A_673, %dma_wait3A_677] : memref<4096x200x128xf32, #tpu.memory_space<hbm>> -> memref<128x1x64xf32, #tpu.memory_space<hbm>>
      %dma_wait3A_679 = tpu.memref_squeeze %dma_wait3A_678 : memref<128x1x64xf32, #tpu.memory_space<hbm>> -> memref<128x64xf32, #tpu.memory_space<hbm>>
      tpu.wait_dma2 semaphore(%arg30 : memref<!tpu.dma_semaphore, #tpu.memory_space<semaphore_mem>>) src(%arg14 : memref<128x64xf32, #tpu.memory_space<vmem>>) dst(%dma_wait3A_679 : memref<128x64xf32, #tpu.memory_space<hbm>>)
      %add3A_680 = arith.constant 4 : i32
      %add3A_681 = arith.addi %add3A_644, %add3A_680 : i32
      %dma_start3A_682 = arith.constant 0 : i32
      %dma_start3A_683 = tpu.memref_slice %arg7[%add3A_681, %dma_start3A_682] : memref<200x128xi32, #tpu.memory_space<vmem>> -> memref<1x128xi32, #tpu.memory_space<vmem>>
      %dma_start3A_684 = tpu.memref_squeeze %dma_start3A_683 : memref<1x128xi32, #tpu.memory_space<vmem>> -> memref<128xi32, #tpu.memory_space<vmem>>
      %dma_start3A_685 = arith.constant 0 : i32
      %dma_start3A_686 = arith.constant 0 : i32
      %dma_start3A_687 = tpu.memref_slice %arg2[%dma_start3A_685, %dma_start3A_686] : memref<100000x64xf32, #tpu.memory_space<hbm>> -> memref<100000x64xf32, #tpu.memory_space<hbm>>
      tpu.enqueue_indirect_dma source(%dma_start3A_687 : memref<100000x64xf32, #tpu.memory_space<hbm>>) target(%arg14 : memref<128x64xf32, #tpu.memory_space<vmem>>) offsets(%dma_start3A_684 : memref<128xi32, #tpu.memory_space<vmem>>) semaphore(%arg22 : memref<!tpu.dma_semaphore, #tpu.memory_space<semaphore_mem>>)
      %add3A_688 = arith.constant 6 : i32
      %add3A_689 = arith.addi %add3A_418, %add3A_688 : i32
      %dma_wait3A_690 = arith.constant 0 : i32
      %dma_wait3A_691 = tpu.memref_slice %arg7[%add3A_689, %dma_wait3A_690] : memref<200x128xi32, #tpu.memory_space<vmem>> -> memref<1x128xi32, #tpu.memory_space<vmem>>
      %dma_wait3A_692 = tpu.memref_squeeze %dma_wait3A_691 : memref<1x128xi32, #tpu.memory_space<vmem>> -> memref<128xi32, #tpu.memory_space<vmem>>
      %dma_wait3A_693 = arith.constant 0 : i32
      %dma_wait3A_694 = arith.constant 0 : i32
      %dma_wait3A_695 = tpu.memref_slice %arg2[%dma_wait3A_693, %dma_wait3A_694] : memref<100000x64xf32, #tpu.memory_space<hbm>> -> memref<100000x64xf32, #tpu.memory_space<hbm>>
      tpu.wait_indirect_dma semaphore(%arg19 : memref<!tpu.dma_semaphore, #tpu.memory_space<semaphore_mem>>) src(%dma_wait3A_695 : memref<100000x64xf32, #tpu.memory_space<hbm>>) dst(%arg11 : memref<128x64xf32, #tpu.memory_space<vmem>>)
      %get3A_696 = arith.index_cast %add3A_689 : i32 to index
      %get3A_697 = arith.constant 0 : index
      %get3A_698 = tpu.vector_load %arg8[%get3A_696, %get3A_697] {strides = array<i32>} : memref<200x64xf32, #tpu.memory_space<vmem>>, vector<16xf32>,
      %get3A_699 = arith.index_cast %add3A_689 : i32 to index
      %get3A_700 = arith.constant 16 : index
      %get3A_701 = tpu.vector_load %arg8[%get3A_699, %get3A_700] {strides = array<i32>} : memref<200x64xf32, #tpu.memory_space<vmem>>, vector<16xf32>,
      %get3A_702 = arith.index_cast %add3A_689 : i32 to index
      %get3A_703 = arith.constant 32 : index
      %get3A_704 = tpu.vector_load %arg8[%get3A_702, %get3A_703] {strides = array<i32>} : memref<200x64xf32, #tpu.memory_space<vmem>>, vector<16xf32>,
      %get3A_705 = arith.index_cast %add3A_689 : i32 to index
      %get3A_706 = arith.constant 48 : index
      %get3A_707 = tpu.vector_load %arg8[%get3A_705, %get3A_706] {strides = array<i32>} : memref<200x64xf32, #tpu.memory_space<vmem>>, vector<16xf32>,
      %parallel_loop3A_708 = arith.constant 0 : i32
      %parallel_loop3A_709 = arith.constant 128 : i32
      %parallel_loop3A_710 = arith.constant 1 : i32
      scf.for %parallel_loop3A_778 = %parallel_loop3A_708 to %parallel_loop3A_709 step %parallel_loop3A_710  : i32 {
        %parallel_loop3A_779 = arith.index_cast %parallel_loop3A_778 : i32 to index
        %parallel_loop3A_780 = arith.constant 0 : index
        %parallel_loop3A_781 = tpu.vector_load %arg11[%parallel_loop3A_779, %parallel_loop3A_780] {strides = array<i32>} : memref<128x64xf32, #tpu.memory_space<vmem>>, vector<16xf32>,
        tpu.vector_store %arg11[%parallel_loop3A_779, %parallel_loop3A_780], %get3A_698 {add = true, strides = array<i32>} : memref<128x64xf32, #tpu.memory_space<vmem>>, vector<16xf32>,
        %parallel_loop3A_782 = arith.index_cast %parallel_loop3A_778 : i32 to index
        %parallel_loop3A_783 = arith.constant 16 : index
        %parallel_loop3A_784 = tpu.vector_load %arg11[%parallel_loop3A_782, %parallel_loop3A_783] {strides = array<i32>} : memref<128x64xf32, #tpu.memory_space<vmem>>, vector<16xf32>,
        tpu.vector_store %arg11[%parallel_loop3A_782, %parallel_loop3A_783], %get3A_701 {add = true, strides = array<i32>} : memref<128x64xf32, #tpu.memory_space<vmem>>, vector<16xf32>,
        %parallel_loop3A_785 = arith.index_cast %parallel_loop3A_778 : i32 to index
        %parallel_loop3A_786 = arith.constant 32 : index
        %parallel_loop3A_787 = tpu.vector_load %arg11[%parallel_loop3A_785, %parallel_loop3A_786] {strides = array<i32>} : memref<128x64xf32, #tpu.memory_space<vmem>>, vector<16xf32>,
        tpu.vector_store %arg11[%parallel_loop3A_785, %parallel_loop3A_786], %get3A_704 {add = true, strides = array<i32>} : memref<128x64xf32, #tpu.memory_space<vmem>>, vector<16xf32>,
        %parallel_loop3A_788 = arith.index_cast %parallel_loop3A_778 : i32 to index
        %parallel_loop3A_789 = arith.constant 48 : index
        %parallel_loop3A_790 = tpu.vector_load %arg11[%parallel_loop3A_788, %parallel_loop3A_789] {strides = array<i32>} : memref<128x64xf32, #tpu.memory_space<vmem>>, vector<16xf32>,
        tpu.vector_store %arg11[%parallel_loop3A_788, %parallel_loop3A_789], %get3A_707 {add = true, strides = array<i32>} : memref<128x64xf32, #tpu.memory_space<vmem>>, vector<16xf32>,
      } {sc.loop_unroll_factor = 8 : i64, sc.parallel_access}
      %dma_start3A_711 = arith.constant 0 : i32
      %dma_start3A_712 = tpu.memref_slice %arg5[%mul3A_2, %add3A_689, %dma_start3A_711] : memref<4096x200x128xf32, #tpu.memory_space<hbm>> -> memref<128x1x64xf32, #tpu.memory_space<hbm>>
      %dma_start3A_713 = tpu.memref_squeeze %dma_start3A_712 : memref<128x1x64xf32, #tpu.memory_space<hbm>> -> memref<128x64xf32, #tpu.memory_space<hbm>>
      %dma_start3A_714 = arith.constant 0 : i32
      %dma_start3A_715 = tpu.memref_slice %arg5[%mul3A_2, %add3A_689, %dma_start3A_714] : memref<4096x200x128xf32, #tpu.memory_space<hbm>> -> memref<128x1x64xf32, #tpu.memory_space<hbm>>
      %dma_start3A_716 = tpu.memref_squeeze %dma_start3A_715 : memref<128x1x64xf32, #tpu.memory_space<hbm>> -> memref<128x64xf32, #tpu.memory_space<hbm>>
      tpu.enqueue_dma source(%arg11 : memref<128x64xf32, #tpu.memory_space<vmem>>) target(%dma_start3A_716 : memref<128x64xf32, #tpu.memory_space<hbm>>) target_semaphore(%arg27 : memref<!tpu.dma_semaphore, #tpu.memory_space<semaphore_mem>>)
      %sub3A_717 = arith.constant 4 : i32
      %sub3A_718 = arith.subi %add3A_689, %sub3A_717 : i32
      %dma_wait3A_719 = arith.constant 0 : i32
      %dma_wait3A_720 = tpu.memref_slice %arg5[%mul3A_2, %sub3A_718, %dma_wait3A_719] : memref<4096x200x128xf32, #tpu.memory_space<hbm>> -> memref<128x1x64xf32, #tpu.memory_space<hbm>>
      %dma_wait3A_721 = tpu.memref_squeeze %dma_wait3A_720 : memref<128x1x64xf32, #tpu.memory_space<hbm>> -> memref<128x64xf32, #tpu.memory_space<hbm>>
      %dma_wait3A_722 = arith.constant 0 : i32
      %dma_wait3A_723 = tpu.memref_slice %arg5[%mul3A_2, %sub3A_718, %dma_wait3A_722] : memref<4096x200x128xf32, #tpu.memory_space<hbm>> -> memref<128x1x64xf32, #tpu.memory_space<hbm>>
      %dma_wait3A_724 = tpu.memref_squeeze %dma_wait3A_723 : memref<128x1x64xf32, #tpu.memory_space<hbm>> -> memref<128x64xf32, #tpu.memory_space<hbm>>
      tpu.wait_dma2 semaphore(%arg31 : memref<!tpu.dma_semaphore, #tpu.memory_space<semaphore_mem>>) src(%arg15 : memref<128x64xf32, #tpu.memory_space<vmem>>) dst(%dma_wait3A_724 : memref<128x64xf32, #tpu.memory_space<hbm>>)
      %add3A_725 = arith.constant 4 : i32
      %add3A_726 = arith.addi %add3A_689, %add3A_725 : i32
      %dma_start3A_727 = arith.constant 0 : i32
      %dma_start3A_728 = tpu.memref_slice %arg7[%add3A_726, %dma_start3A_727] : memref<200x128xi32, #tpu.memory_space<vmem>> -> memref<1x128xi32, #tpu.memory_space<vmem>>
      %dma_start3A_729 = tpu.memref_squeeze %dma_start3A_728 : memref<1x128xi32, #tpu.memory_space<vmem>> -> memref<128xi32, #tpu.memory_space<vmem>>
      %dma_start3A_730 = arith.constant 0 : i32
      %dma_start3A_731 = arith.constant 0 : i32
      %dma_start3A_732 = tpu.memref_slice %arg2[%dma_start3A_730, %dma_start3A_731] : memref<100000x64xf32, #tpu.memory_space<hbm>> -> memref<100000x64xf32, #tpu.memory_space<hbm>>
      tpu.enqueue_indirect_dma source(%dma_start3A_732 : memref<100000x64xf32, #tpu.memory_space<hbm>>) target(%arg15 : memref<128x64xf32, #tpu.memory_space<vmem>>) offsets(%dma_start3A_729 : memref<128xi32, #tpu.memory_space<vmem>>) semaphore(%arg23 : memref<!tpu.dma_semaphore, #tpu.memory_space<semaphore_mem>>)
      %add3A_733 = arith.constant 7 : i32
      %add3A_734 = arith.addi %add3A_418, %add3A_733 : i32
      %dma_wait3A_735 = arith.constant 0 : i32
      %dma_wait3A_736 = tpu.memref_slice %arg7[%add3A_734, %dma_wait3A_735] : memref<200x128xi32, #tpu.memory_space<vmem>> -> memref<1x128xi32, #tpu.memory_space<vmem>>
      %dma_wait3A_737 = tpu.memref_squeeze %dma_wait3A_736 : memref<1x128xi32, #tpu.memory_space<vmem>> -> memref<128xi32, #tpu.memory_space<vmem>>
      %dma_wait3A_738 = arith.constant 0 : i32
      %dma_wait3A_739 = arith.constant 0 : i32
      %dma_wait3A_740 = tpu.memref_slice %arg2[%dma_wait3A_738, %dma_wait3A_739] : memref<100000x64xf32, #tpu.memory_space<hbm>> -> memref<100000x64xf32, #tpu.memory_space<hbm>>
      tpu.wait_indirect_dma semaphore(%arg20 : memref<!tpu.dma_semaphore, #tpu.memory_space<semaphore_mem>>) src(%dma_wait3A_740 : memref<100000x64xf32, #tpu.memory_space<hbm>>) dst(%arg12 : memref<128x64xf32, #tpu.memory_space<vmem>>)
      %get3A_741 = arith.index_cast %add3A_734 : i32 to index
      %get3A_742 = arith.constant 0 : index
      %get3A_743 = tpu.vector_load %arg8[%get3A_741, %get3A_742] {strides = array<i32>} : memref<200x64xf32, #tpu.memory_space<vmem>>, vector<16xf32>,
      %get3A_744 = arith.index_cast %add3A_734 : i32 to index
      %get3A_745 = arith.constant 16 : index
      %get3A_746 = tpu.vector_load %arg8[%get3A_744, %get3A_745] {strides = array<i32>} : memref<200x64xf32, #tpu.memory_space<vmem>>, vector<16xf32>,
      %get3A_747 = arith.index_cast %add3A_734 : i32 to index
      %get3A_748 = arith.constant 32 : index
      %get3A_749 = tpu.vector_load %arg8[%get3A_747, %get3A_748] {strides = array<i32>} : memref<200x64xf32, #tpu.memory_space<vmem>>, vector<16xf32>,
      %get3A_750 = arith.index_cast %add3A_734 : i32 to index
      %get3A_751 = arith.constant 48 : index
      %get3A_752 = tpu.vector_load %arg8[%get3A_750, %get3A_751] {strides = array<i32>} : memref<200x64xf32, #tpu.memory_space<vmem>>, vector<16xf32>,
      %parallel_loop3A_753 = arith.constant 0 : i32
      %parallel_loop3A_754 = arith.constant 128 : i32
      %parallel_loop3A_755 = arith.constant 1 : i32
      scf.for %parallel_loop3A_778 = %parallel_loop3A_753 to %parallel_loop3A_754 step %parallel_loop3A_755  : i32 {
        %parallel_loop3A_779 = arith.index_cast %parallel_loop3A_778 : i32 to index
        %parallel_loop3A_780 = arith.constant 0 : index
        %parallel_loop3A_781 = tpu.vector_load %arg12[%parallel_loop3A_779, %parallel_loop3A_780] {strides = array<i32>} : memref<128x64xf32, #tpu.memory_space<vmem>>, vector<16xf32>,
        tpu.vector_store %arg12[%parallel_loop3A_779, %parallel_loop3A_780], %get3A_743 {add = true, strides = array<i32>} : memref<128x64xf32, #tpu.memory_space<vmem>>, vector<16xf32>,
        %parallel_loop3A_782 = arith.index_cast %parallel_loop3A_778 : i32 to index
        %parallel_loop3A_783 = arith.constant 16 : index
        %parallel_loop3A_784 = tpu.vector_load %arg12[%parallel_loop3A_782, %parallel_loop3A_783] {strides = array<i32>} : memref<128x64xf32, #tpu.memory_space<vmem>>, vector<16xf32>,
        tpu.vector_store %arg12[%parallel_loop3A_782, %parallel_loop3A_783], %get3A_746 {add = true, strides = array<i32>} : memref<128x64xf32, #tpu.memory_space<vmem>>, vector<16xf32>,
        %parallel_loop3A_785 = arith.index_cast %parallel_loop3A_778 : i32 to index
        %parallel_loop3A_786 = arith.constant 32 : index
        %parallel_loop3A_787 = tpu.vector_load %arg12[%parallel_loop3A_785, %parallel_loop3A_786] {strides = array<i32>} : memref<128x64xf32, #tpu.memory_space<vmem>>, vector<16xf32>,
        tpu.vector_store %arg12[%parallel_loop3A_785, %parallel_loop3A_786], %get3A_749 {add = true, strides = array<i32>} : memref<128x64xf32, #tpu.memory_space<vmem>>, vector<16xf32>,
        %parallel_loop3A_788 = arith.index_cast %parallel_loop3A_778 : i32 to index
        %parallel_loop3A_789 = arith.constant 48 : index
        %parallel_loop3A_790 = tpu.vector_load %arg12[%parallel_loop3A_788, %parallel_loop3A_789] {strides = array<i32>} : memref<128x64xf32, #tpu.memory_space<vmem>>, vector<16xf32>,
        tpu.vector_store %arg12[%parallel_loop3A_788, %parallel_loop3A_789], %get3A_752 {add = true, strides = array<i32>} : memref<128x64xf32, #tpu.memory_space<vmem>>, vector<16xf32>,
      } {sc.loop_unroll_factor = 8 : i64, sc.parallel_access}
      %dma_start3A_756 = arith.constant 0 : i32
      %dma_start3A_757 = tpu.memref_slice %arg5[%mul3A_2, %add3A_734, %dma_start3A_756] : memref<4096x200x128xf32, #tpu.memory_space<hbm>> -> memref<128x1x64xf32, #tpu.memory_space<hbm>>
      %dma_start3A_758 = tpu.memref_squeeze %dma_start3A_757 : memref<128x1x64xf32, #tpu.memory_space<hbm>> -> memref<128x64xf32, #tpu.memory_space<hbm>>
      %dma_start3A_759 = arith.constant 0 : i32
      %dma_start3A_760 = tpu.memref_slice %arg5[%mul3A_2, %add3A_734, %dma_start3A_759] : memref<4096x200x128xf32, #tpu.memory_space<hbm>> -> memref<128x1x64xf32, #tpu.memory_space<hbm>>
      %dma_start3A_761 = tpu.memref_squeeze %dma_start3A_760 : memref<128x1x64xf32, #tpu.memory_space<hbm>> -> memref<128x64xf32, #tpu.memory_space<hbm>>
      tpu.enqueue_dma source(%arg12 : memref<128x64xf32, #tpu.memory_space<vmem>>) target(%dma_start3A_761 : memref<128x64xf32, #tpu.memory_space<hbm>>) target_semaphore(%arg28 : memref<!tpu.dma_semaphore, #tpu.memory_space<semaphore_mem>>)
      %sub3A_762 = arith.constant 4 : i32
      %sub3A_763 = arith.subi %add3A_734, %sub3A_762 : i32
      %dma_wait3A_764 = arith.constant 0 : i32
      %dma_wait3A_765 = tpu.memref_slice %arg5[%mul3A_2, %sub3A_763, %dma_wait3A_764] : memref<4096x200x128xf32, #tpu.memory_space<hbm>> -> memref<128x1x64xf32, #tpu.memory_space<hbm>>
      %dma_wait3A_766 = tpu.memref_squeeze %dma_wait3A_765 : memref<128x1x64xf32, #tpu.memory_space<hbm>> -> memref<128x64xf32, #tpu.memory_space<hbm>>
      %dma_wait3A_767 = arith.constant 0 : i32
      %dma_wait3A_768 = tpu.memref_slice %arg5[%mul3A_2, %sub3A_763, %dma_wait3A_767] : memref<4096x200x128xf32, #tpu.memory_space<hbm>> -> memref<128x1x64xf32, #tpu.memory_space<hbm>>
      %dma_wait3A_769 = tpu.memref_squeeze %dma_wait3A_768 : memref<128x1x64xf32, #tpu.memory_space<hbm>> -> memref<128x64xf32, #tpu.memory_space<hbm>>
      tpu.wait_dma2 semaphore(%arg32 : memref<!tpu.dma_semaphore, #tpu.memory_space<semaphore_mem>>) src(%arg16 : memref<128x64xf32, #tpu.memory_space<vmem>>) dst(%dma_wait3A_769 : memref<128x64xf32, #tpu.memory_space<hbm>>)
      %add3A_770 = arith.constant 4 : i32
      %add3A_771 = arith.addi %add3A_734, %add3A_770 : i32
      %dma_start3A_772 = arith.constant 0 : i32
      %dma_start3A_773 = tpu.memref_slice %arg7[%add3A_771, %dma_start3A_772] : memref<200x128xi32, #tpu.memory_space<vmem>> -> memref<1x128xi32, #tpu.memory_space<vmem>>
      %dma_start3A_774 = tpu.memref_squeeze %dma_start3A_773 : memref<1x128xi32, #tpu.memory_space<vmem>> -> memref<128xi32, #tpu.memory_space<vmem>>
      %dma_start3A_775 = arith.constant 0 : i32
      %dma_start3A_776 = arith.constant 0 : i32
      %dma_start3A_777 = tpu.memref_slice %arg2[%dma_start3A_775, %dma_start3A_776] : memref<100000x64xf32, #tpu.memory_space<hbm>> -> memref<100000x64xf32, #tpu.memory_space<hbm>>
      tpu.enqueue_indirect_dma source(%dma_start3A_777 : memref<100000x64xf32, #tpu.memory_space<hbm>>) target(%arg16 : memref<128x64xf32, #tpu.memory_space<vmem>>) offsets(%dma_start3A_774 : memref<128xi32, #tpu.memory_space<vmem>>) semaphore(%arg24 : memref<!tpu.dma_semaphore, #tpu.memory_space<semaphore_mem>>)
    }
    %scan3A_225 = arith.constant 24 : i32
    %dma_wait3A_226 = arith.constant 196 : i32
    %dma_wait3A_227 = arith.constant 0 : i32
    %dma_wait3A_228 = tpu.memref_slice %arg7[%dma_wait3A_226, %dma_wait3A_227] : memref<200x128xi32, #tpu.memory_space<vmem>> -> memref<1x128xi32, #tpu.memory_space<vmem>>
    %dma_wait3A_229 = tpu.memref_squeeze %dma_wait3A_228 : memref<1x128xi32, #tpu.memory_space<vmem>> -> memref<128xi32, #tpu.memory_space<vmem>>
    %dma_wait3A_230 = arith.constant 0 : i32
    %dma_wait3A_231 = arith.constant 0 : i32
    %dma_wait3A_232 = tpu.memref_slice %arg2[%dma_wait3A_230, %dma_wait3A_231] : memref<100000x64xf32, #tpu.memory_space<hbm>> -> memref<100000x64xf32, #tpu.memory_space<hbm>>
    tpu.wait_indirect_dma semaphore(%arg21 : memref<!tpu.dma_semaphore, #tpu.memory_space<semaphore_mem>>) src(%dma_wait3A_232 : memref<100000x64xf32, #tpu.memory_space<hbm>>) dst(%arg13 : memref<128x64xf32, #tpu.memory_space<vmem>>)
    %get3A_233 = arith.constant 196 : i32
    %get3A_234 = arith.index_cast %get3A_233 : i32 to index
    %get3A_235 = arith.constant 0 : index
    %get3A_236 = tpu.vector_load %arg8[%get3A_234, %get3A_235] {strides = array<i32>} : memref<200x64xf32, #tpu.memory_space<vmem>>, vector<16xf32>,
    %get3A_237 = arith.constant 196 : i32
    %get3A_238 = arith.index_cast %get3A_237 : i32 to index
    %get3A_239 = arith.constant 16 : index
    %get3A_240 = tpu.vector_load %arg8[%get3A_238, %get3A_239] {strides = array<i32>} : memref<200x64xf32, #tpu.memory_space<vmem>>, vector<16xf32>,
    %get3A_241 = arith.constant 196 : i32
    %get3A_242 = arith.index_cast %get3A_241 : i32 to index
    %get3A_243 = arith.constant 32 : index
    %get3A_244 = tpu.vector_load %arg8[%get3A_242, %get3A_243] {strides = array<i32>} : memref<200x64xf32, #tpu.memory_space<vmem>>, vector<16xf32>,
    %get3A_245 = arith.constant 196 : i32
    %get3A_246 = arith.index_cast %get3A_245 : i32 to index
    %get3A_247 = arith.constant 48 : index
    %get3A_248 = tpu.vector_load %arg8[%get3A_246, %get3A_247] {strides = array<i32>} : memref<200x64xf32, #tpu.memory_space<vmem>>, vector<16xf32>,
    %parallel_loop3A_249 = arith.constant 0 : i32
    %parallel_loop3A_250 = arith.constant 128 : i32
    %parallel_loop3A_251 = arith.constant 1 : i32
    scf.for %parallel_loop3A_414 = %parallel_loop3A_249 to %parallel_loop3A_250 step %parallel_loop3A_251  : i32 {
      %parallel_loop3A_415 = arith.index_cast %parallel_loop3A_414 : i32 to index
      %parallel_loop3A_416 = arith.constant 0 : index
      %parallel_loop3A_417 = tpu.vector_load %arg13[%parallel_loop3A_415, %parallel_loop3A_416] {strides = array<i32>} : memref<128x64xf32, #tpu.memory_space<vmem>>, vector<16xf32>,
      tpu.vector_store %arg13[%parallel_loop3A_415, %parallel_loop3A_416], %get3A_236 {add = true, strides = array<i32>} : memref<128x64xf32, #tpu.memory_space<vmem>>, vector<16xf32>,
      %parallel_loop3A_418 = arith.index_cast %parallel_loop3A_414 : i32 to index
      %parallel_loop3A_419 = arith.constant 16 : index
      %parallel_loop3A_420 = tpu.vector_load %arg13[%parallel_loop3A_418, %parallel_loop3A_419] {strides = array<i32>} : memref<128x64xf32, #tpu.memory_space<vmem>>, vector<16xf32>,
      tpu.vector_store %arg13[%parallel_loop3A_418, %parallel_loop3A_419], %get3A_240 {add = true, strides = array<i32>} : memref<128x64xf32, #tpu.memory_space<vmem>>, vector<16xf32>,
      %parallel_loop3A_421 = arith.index_cast %parallel_loop3A_414 : i32 to index
      %parallel_loop3A_422 = arith.constant 32 : index
      %parallel_loop3A_423 = tpu.vector_load %arg13[%parallel_loop3A_421, %parallel_loop3A_422] {strides = array<i32>} : memref<128x64xf32, #tpu.memory_space<vmem>>, vector<16xf32>,
      tpu.vector_store %arg13[%parallel_loop3A_421, %parallel_loop3A_422], %get3A_244 {add = true, strides = array<i32>} : memref<128x64xf32, #tpu.memory_space<vmem>>, vector<16xf32>,
      %parallel_loop3A_424 = arith.index_cast %parallel_loop3A_414 : i32 to index
      %parallel_loop3A_425 = arith.constant 48 : index
      %parallel_loop3A_426 = tpu.vector_load %arg13[%parallel_loop3A_424, %parallel_loop3A_425] {strides = array<i32>} : memref<128x64xf32, #tpu.memory_space<vmem>>, vector<16xf32>,
      tpu.vector_store %arg13[%parallel_loop3A_424, %parallel_loop3A_425], %get3A_248 {add = true, strides = array<i32>} : memref<128x64xf32, #tpu.memory_space<vmem>>, vector<16xf32>,
    } {sc.loop_unroll_factor = 8 : i64, sc.parallel_access}
    %dma_start3A_252 = arith.constant 196 : i32
    %dma_start3A_253 = arith.constant 0 : i32
    %dma_start3A_254 = tpu.memref_slice %arg5[%mul3A_2, %dma_start3A_252, %dma_start3A_253] : memref<4096x200x128xf32, #tpu.memory_space<hbm>> -> memref<128x1x64xf32, #tpu.memory_space<hbm>>
    %dma_start3A_255 = tpu.memref_squeeze %dma_start3A_254 : memref<128x1x64xf32, #tpu.memory_space<hbm>> -> memref<128x64xf32, #tpu.memory_space<hbm>>
    %dma_start3A_256 = arith.constant 0 : i32
    %dma_start3A_257 = tpu.memref_slice %arg5[%mul3A_2, %dma_start3A_252, %dma_start3A_256] : memref<4096x200x128xf32, #tpu.memory_space<hbm>> -> memref<128x1x64xf32, #tpu.memory_space<hbm>>
    %dma_start3A_258 = tpu.memref_squeeze %dma_start3A_257 : memref<128x1x64xf32, #tpu.memory_space<hbm>> -> memref<128x64xf32, #tpu.memory_space<hbm>>
    tpu.enqueue_dma source(%arg13 : memref<128x64xf32, #tpu.memory_space<vmem>>) target(%dma_start3A_258 : memref<128x64xf32, #tpu.memory_space<hbm>>) target_semaphore(%arg29 : memref<!tpu.dma_semaphore, #tpu.memory_space<semaphore_mem>>)
    %dma_wait3A_259 = arith.constant 192 : i32
    %dma_wait3A_260 = arith.constant 0 : i32
    %dma_wait3A_261 = tpu.memref_slice %arg5[%mul3A_2, %dma_wait3A_259, %dma_wait3A_260] : memref<4096x200x128xf32, #tpu.memory_space<hbm>> -> memref<128x1x64xf32, #tpu.memory_space<hbm>>
    %dma_wait3A_262 = tpu.memref_squeeze %dma_wait3A_261 : memref<128x1x64xf32, #tpu.memory_space<hbm>> -> memref<128x64xf32, #tpu.memory_space<hbm>>
    %dma_wait3A_263 = arith.constant 0 : i32
    %dma_wait3A_264 = tpu.memref_slice %arg5[%mul3A_2, %dma_wait3A_259, %dma_wait3A_263] : memref<4096x200x128xf32, #tpu.memory_space<hbm>> -> memref<128x1x64xf32, #tpu.memory_space<hbm>>
    %dma_wait3A_265 = tpu.memref_squeeze %dma_wait3A_264 : memref<128x1x64xf32, #tpu.memory_space<hbm>> -> memref<128x64xf32, #tpu.memory_space<hbm>>
    tpu.wait_dma2 semaphore(%arg25 : memref<!tpu.dma_semaphore, #tpu.memory_space<semaphore_mem>>) src(%arg9 : memref<128x64xf32, #tpu.memory_space<vmem>>) dst(%dma_wait3A_265 : memref<128x64xf32, #tpu.memory_space<hbm>>)
    %dma_wait3A_266 = arith.constant 197 : i32
    %dma_wait3A_267 = arith.constant 0 : i32
    %dma_wait3A_268 = tpu.memref_slice %arg7[%dma_wait3A_266, %dma_wait3A_267] : memref<200x128xi32, #tpu.memory_space<vmem>> -> memref<1x128xi32, #tpu.memory_space<vmem>>
    %dma_wait3A_269 = tpu.memref_squeeze %dma_wait3A_268 : memref<1x128xi32, #tpu.memory_space<vmem>> -> memref<128xi32, #tpu.memory_space<vmem>>
    %dma_wait3A_270 = arith.constant 0 : i32
    %dma_wait3A_271 = arith.constant 0 : i32
    %dma_wait3A_272 = tpu.memref_slice %arg2[%dma_wait3A_270, %dma_wait3A_271] : memref<100000x64xf32, #tpu.memory_space<hbm>> -> memref<100000x64xf32, #tpu.memory_space<hbm>>
    tpu.wait_indirect_dma semaphore(%arg22 : memref<!tpu.dma_semaphore, #tpu.memory_space<semaphore_mem>>) src(%dma_wait3A_272 : memref<100000x64xf32, #tpu.memory_space<hbm>>) dst(%arg14 : memref<128x64xf32, #tpu.memory_space<vmem>>)
    %get3A_273 = arith.constant 197 : i32
    %get3A_274 = arith.index_cast %get3A_273 : i32 to index
    %get3A_275 = arith.constant 0 : index
    %get3A_276 = tpu.vector_load %arg8[%get3A_274, %get3A_275] {strides = array<i32>} : memref<200x64xf32, #tpu.memory_space<vmem>>, vector<16xf32>,
    %get3A_277 = arith.constant 197 : i32
    %get3A_278 = arith.index_cast %get3A_277 : i32 to index
    %get3A_279 = arith.constant 16 : index
    %get3A_280 = tpu.vector_load %arg8[%get3A_278, %get3A_279] {strides = array<i32>} : memref<200x64xf32, #tpu.memory_space<vmem>>, vector<16xf32>,
    %get3A_281 = arith.constant 197 : i32
    %get3A_282 = arith.index_cast %get3A_281 : i32 to index
    %get3A_283 = arith.constant 32 : index
    %get3A_284 = tpu.vector_load %arg8[%get3A_282, %get3A_283] {strides = array<i32>} : memref<200x64xf32, #tpu.memory_space<vmem>>, vector<16xf32>,
    %get3A_285 = arith.constant 197 : i32
    %get3A_286 = arith.index_cast %get3A_285 : i32 to index
    %get3A_287 = arith.constant 48 : index
    %get3A_288 = tpu.vector_load %arg8[%get3A_286, %get3A_287] {strides = array<i32>} : memref<200x64xf32, #tpu.memory_space<vmem>>, vector<16xf32>,
    %parallel_loop3A_289 = arith.constant 0 : i32
    %parallel_loop3A_290 = arith.constant 128 : i32
    %parallel_loop3A_291 = arith.constant 1 : i32
    scf.for %parallel_loop3A_414 = %parallel_loop3A_289 to %parallel_loop3A_290 step %parallel_loop3A_291  : i32 {
      %parallel_loop3A_415 = arith.index_cast %parallel_loop3A_414 : i32 to index
      %parallel_loop3A_416 = arith.constant 0 : index
      %parallel_loop3A_417 = tpu.vector_load %arg14[%parallel_loop3A_415, %parallel_loop3A_416] {strides = array<i32>} : memref<128x64xf32, #tpu.memory_space<vmem>>, vector<16xf32>,
      tpu.vector_store %arg14[%parallel_loop3A_415, %parallel_loop3A_416], %get3A_276 {add = true, strides = array<i32>} : memref<128x64xf32, #tpu.memory_space<vmem>>, vector<16xf32>,
      %parallel_loop3A_418 = arith.index_cast %parallel_loop3A_414 : i32 to index
      %parallel_loop3A_419 = arith.constant 16 : index
      %parallel_loop3A_420 = tpu.vector_load %arg14[%parallel_loop3A_418, %parallel_loop3A_419] {strides = array<i32>} : memref<128x64xf32, #tpu.memory_space<vmem>>, vector<16xf32>,
      tpu.vector_store %arg14[%parallel_loop3A_418, %parallel_loop3A_419], %get3A_280 {add = true, strides = array<i32>} : memref<128x64xf32, #tpu.memory_space<vmem>>, vector<16xf32>,
      %parallel_loop3A_421 = arith.index_cast %parallel_loop3A_414 : i32 to index
      %parallel_loop3A_422 = arith.constant 32 : index
      %parallel_loop3A_423 = tpu.vector_load %arg14[%parallel_loop3A_421, %parallel_loop3A_422] {strides = array<i32>} : memref<128x64xf32, #tpu.memory_space<vmem>>, vector<16xf32>,
      tpu.vector_store %arg14[%parallel_loop3A_421, %parallel_loop3A_422], %get3A_284 {add = true, strides = array<i32>} : memref<128x64xf32, #tpu.memory_space<vmem>>, vector<16xf32>,
      %parallel_loop3A_424 = arith.index_cast %parallel_loop3A_414 : i32 to index
      %parallel_loop3A_425 = arith.constant 48 : index
      %parallel_loop3A_426 = tpu.vector_load %arg14[%parallel_loop3A_424, %parallel_loop3A_425] {strides = array<i32>} : memref<128x64xf32, #tpu.memory_space<vmem>>, vector<16xf32>,
      tpu.vector_store %arg14[%parallel_loop3A_424, %parallel_loop3A_425], %get3A_288 {add = true, strides = array<i32>} : memref<128x64xf32, #tpu.memory_space<vmem>>, vector<16xf32>,
    } {sc.loop_unroll_factor = 8 : i64, sc.parallel_access}
    %dma_start3A_292 = arith.constant 197 : i32
    %dma_start3A_293 = arith.constant 0 : i32
    %dma_start3A_294 = tpu.memref_slice %arg5[%mul3A_2, %dma_start3A_292, %dma_start3A_293] : memref<4096x200x128xf32, #tpu.memory_space<hbm>> -> memref<128x1x64xf32, #tpu.memory_space<hbm>>
    %dma_start3A_295 = tpu.memref_squeeze %dma_start3A_294 : memref<128x1x64xf32, #tpu.memory_space<hbm>> -> memref<128x64xf32, #tpu.memory_space<hbm>>
    %dma_start3A_296 = arith.constant 0 : i32
    %dma_start3A_297 = tpu.memref_slice %arg5[%mul3A_2, %dma_start3A_292, %dma_start3A_296] : memref<4096x200x128xf32, #tpu.memory_space<hbm>> -> memref<128x1x64xf32, #tpu.memory_space<hbm>>
    %dma_start3A_298 = tpu.memref_squeeze %dma_start3A_297 : memref<128x1x64xf32, #tpu.memory_space<hbm>> -> memref<128x64xf32, #tpu.memory_space<hbm>>
    tpu.enqueue_dma source(%arg14 : memref<128x64xf32, #tpu.memory_space<vmem>>) target(%dma_start3A_298 : memref<128x64xf32, #tpu.memory_space<hbm>>) target_semaphore(%arg30 : memref<!tpu.dma_semaphore, #tpu.memory_space<semaphore_mem>>)
    %dma_wait3A_299 = arith.constant 193 : i32
    %dma_wait3A_300 = arith.constant 0 : i32
    %dma_wait3A_301 = tpu.memref_slice %arg5[%mul3A_2, %dma_wait3A_299, %dma_wait3A_300] : memref<4096x200x128xf32, #tpu.memory_space<hbm>> -> memref<128x1x64xf32, #tpu.memory_space<hbm>>
    %dma_wait3A_302 = tpu.memref_squeeze %dma_wait3A_301 : memref<128x1x64xf32, #tpu.memory_space<hbm>> -> memref<128x64xf32, #tpu.memory_space<hbm>>
    %dma_wait3A_303 = arith.constant 0 : i32
    %dma_wait3A_304 = tpu.memref_slice %arg5[%mul3A_2, %dma_wait3A_299, %dma_wait3A_303] : memref<4096x200x128xf32, #tpu.memory_space<hbm>> -> memref<128x1x64xf32, #tpu.memory_space<hbm>>
    %dma_wait3A_305 = tpu.memref_squeeze %dma_wait3A_304 : memref<128x1x64xf32, #tpu.memory_space<hbm>> -> memref<128x64xf32, #tpu.memory_space<hbm>>
    tpu.wait_dma2 semaphore(%arg26 : memref<!tpu.dma_semaphore, #tpu.memory_space<semaphore_mem>>) src(%arg10 : memref<128x64xf32, #tpu.memory_space<vmem>>) dst(%dma_wait3A_305 : memref<128x64xf32, #tpu.memory_space<hbm>>)
    %dma_wait3A_306 = arith.constant 198 : i32
    %dma_wait3A_307 = arith.constant 0 : i32
    %dma_wait3A_308 = tpu.memref_slice %arg7[%dma_wait3A_306, %dma_wait3A_307] : memref<200x128xi32, #tpu.memory_space<vmem>> -> memref<1x128xi32, #tpu.memory_space<vmem>>
    %dma_wait3A_309 = tpu.memref_squeeze %dma_wait3A_308 : memref<1x128xi32, #tpu.memory_space<vmem>> -> memref<128xi32, #tpu.memory_space<vmem>>
    %dma_wait3A_310 = arith.constant 0 : i32
    %dma_wait3A_311 = arith.constant 0 : i32
    %dma_wait3A_312 = tpu.memref_slice %arg2[%dma_wait3A_310, %dma_wait3A_311] : memref<100000x64xf32, #tpu.memory_space<hbm>> -> memref<100000x64xf32, #tpu.memory_space<hbm>>
    tpu.wait_indirect_dma semaphore(%arg23 : memref<!tpu.dma_semaphore, #tpu.memory_space<semaphore_mem>>) src(%dma_wait3A_312 : memref<100000x64xf32, #tpu.memory_space<hbm>>) dst(%arg15 : memref<128x64xf32, #tpu.memory_space<vmem>>)
    %get3A_313 = arith.constant 198 : i32
    %get3A_314 = arith.index_cast %get3A_313 : i32 to index
    %get3A_315 = arith.constant 0 : index
    %get3A_316 = tpu.vector_load %arg8[%get3A_314, %get3A_315] {strides = array<i32>} : memref<200x64xf32, #tpu.memory_space<vmem>>, vector<16xf32>,
    %get3A_317 = arith.constant 198 : i32
    %get3A_318 = arith.index_cast %get3A_317 : i32 to index
    %get3A_319 = arith.constant 16 : index
    %get3A_320 = tpu.vector_load %arg8[%get3A_318, %get3A_319] {strides = array<i32>} : memref<200x64xf32, #tpu.memory_space<vmem>>, vector<16xf32>,
    %get3A_321 = arith.constant 198 : i32
    %get3A_322 = arith.index_cast %get3A_321 : i32 to index
    %get3A_323 = arith.constant 32 : index
    %get3A_324 = tpu.vector_load %arg8[%get3A_322, %get3A_323] {strides = array<i32>} : memref<200x64xf32, #tpu.memory_space<vmem>>, vector<16xf32>,
    %get3A_325 = arith.constant 198 : i32
    %get3A_326 = arith.index_cast %get3A_325 : i32 to index
    %get3A_327 = arith.constant 48 : index
    %get3A_328 = tpu.vector_load %arg8[%get3A_326, %get3A_327] {strides = array<i32>} : memref<200x64xf32, #tpu.memory_space<vmem>>, vector<16xf32>,
    %parallel_loop3A_329 = arith.constant 0 : i32
    %parallel_loop3A_330 = arith.constant 128 : i32
    %parallel_loop3A_331 = arith.constant 1 : i32
    scf.for %parallel_loop3A_414 = %parallel_loop3A_329 to %parallel_loop3A_330 step %parallel_loop3A_331  : i32 {
      %parallel_loop3A_415 = arith.index_cast %parallel_loop3A_414 : i32 to index
      %parallel_loop3A_416 = arith.constant 0 : index
      %parallel_loop3A_417 = tpu.vector_load %arg15[%parallel_loop3A_415, %parallel_loop3A_416] {strides = array<i32>} : memref<128x64xf32, #tpu.memory_space<vmem>>, vector<16xf32>,
      tpu.vector_store %arg15[%parallel_loop3A_415, %parallel_loop3A_416], %get3A_316 {add = true, strides = array<i32>} : memref<128x64xf32, #tpu.memory_space<vmem>>, vector<16xf32>,
      %parallel_loop3A_418 = arith.index_cast %parallel_loop3A_414 : i32 to index
      %parallel_loop3A_419 = arith.constant 16 : index
      %parallel_loop3A_420 = tpu.vector_load %arg15[%parallel_loop3A_418, %parallel_loop3A_419] {strides = array<i32>} : memref<128x64xf32, #tpu.memory_space<vmem>>, vector<16xf32>,
      tpu.vector_store %arg15[%parallel_loop3A_418, %parallel_loop3A_419], %get3A_320 {add = true, strides = array<i32>} : memref<128x64xf32, #tpu.memory_space<vmem>>, vector<16xf32>,
      %parallel_loop3A_421 = arith.index_cast %parallel_loop3A_414 : i32 to index
      %parallel_loop3A_422 = arith.constant 32 : index
      %parallel_loop3A_423 = tpu.vector_load %arg15[%parallel_loop3A_421, %parallel_loop3A_422] {strides = array<i32>} : memref<128x64xf32, #tpu.memory_space<vmem>>, vector<16xf32>,
      tpu.vector_store %arg15[%parallel_loop3A_421, %parallel_loop3A_422], %get3A_324 {add = true, strides = array<i32>} : memref<128x64xf32, #tpu.memory_space<vmem>>, vector<16xf32>,
      %parallel_loop3A_424 = arith.index_cast %parallel_loop3A_414 : i32 to index
      %parallel_loop3A_425 = arith.constant 48 : index
      %parallel_loop3A_426 = tpu.vector_load %arg15[%parallel_loop3A_424, %parallel_loop3A_425] {strides = array<i32>} : memref<128x64xf32, #tpu.memory_space<vmem>>, vector<16xf32>,
      tpu.vector_store %arg15[%parallel_loop3A_424, %parallel_loop3A_425], %get3A_328 {add = true, strides = array<i32>} : memref<128x64xf32, #tpu.memory_space<vmem>>, vector<16xf32>,
    } {sc.loop_unroll_factor = 8 : i64, sc.parallel_access}
    %dma_start3A_332 = arith.constant 198 : i32
    %dma_start3A_333 = arith.constant 0 : i32
    %dma_start3A_334 = tpu.memref_slice %arg5[%mul3A_2, %dma_start3A_332, %dma_start3A_333] : memref<4096x200x128xf32, #tpu.memory_space<hbm>> -> memref<128x1x64xf32, #tpu.memory_space<hbm>>
    %dma_start3A_335 = tpu.memref_squeeze %dma_start3A_334 : memref<128x1x64xf32, #tpu.memory_space<hbm>> -> memref<128x64xf32, #tpu.memory_space<hbm>>
    %dma_start3A_336 = arith.constant 0 : i32
    %dma_start3A_337 = tpu.memref_slice %arg5[%mul3A_2, %dma_start3A_332, %dma_start3A_336] : memref<4096x200x128xf32, #tpu.memory_space<hbm>> -> memref<128x1x64xf32, #tpu.memory_space<hbm>>
    %dma_start3A_338 = tpu.memref_squeeze %dma_start3A_337 : memref<128x1x64xf32, #tpu.memory_space<hbm>> -> memref<128x64xf32, #tpu.memory_space<hbm>>
    tpu.enqueue_dma source(%arg15 : memref<128x64xf32, #tpu.memory_space<vmem>>) target(%dma_start3A_338 : memref<128x64xf32, #tpu.memory_space<hbm>>) target_semaphore(%arg31 : memref<!tpu.dma_semaphore, #tpu.memory_space<semaphore_mem>>)
    %dma_wait3A_339 = arith.constant 194 : i32
    %dma_wait3A_340 = arith.constant 0 : i32
    %dma_wait3A_341 = tpu.memref_slice %arg5[%mul3A_2, %dma_wait3A_339, %dma_wait3A_340] : memref<4096x200x128xf32, #tpu.memory_space<hbm>> -> memref<128x1x64xf32, #tpu.memory_space<hbm>>
    %dma_wait3A_342 = tpu.memref_squeeze %dma_wait3A_341 : memref<128x1x64xf32, #tpu.memory_space<hbm>> -> memref<128x64xf32, #tpu.memory_space<hbm>>
    %dma_wait3A_343 = arith.constant 0 : i32
    %dma_wait3A_344 = tpu.memref_slice %arg5[%mul3A_2, %dma_wait3A_339, %dma_wait3A_343] : memref<4096x200x128xf32, #tpu.memory_space<hbm>> -> memref<128x1x64xf32, #tpu.memory_space<hbm>>
    %dma_wait3A_345 = tpu.memref_squeeze %dma_wait3A_344 : memref<128x1x64xf32, #tpu.memory_space<hbm>> -> memref<128x64xf32, #tpu.memory_space<hbm>>
    tpu.wait_dma2 semaphore(%arg27 : memref<!tpu.dma_semaphore, #tpu.memory_space<semaphore_mem>>) src(%arg11 : memref<128x64xf32, #tpu.memory_space<vmem>>) dst(%dma_wait3A_345 : memref<128x64xf32, #tpu.memory_space<hbm>>)
    %dma_wait3A_346 = arith.constant 199 : i32
    %dma_wait3A_347 = arith.constant 0 : i32
    %dma_wait3A_348 = tpu.memref_slice %arg7[%dma_wait3A_346, %dma_wait3A_347] : memref<200x128xi32, #tpu.memory_space<vmem>> -> memref<1x128xi32, #tpu.memory_space<vmem>>
    %dma_wait3A_349 = tpu.memref_squeeze %dma_wait3A_348 : memref<1x128xi32, #tpu.memory_space<vmem>> -> memref<128xi32, #tpu.memory_space<vmem>>
    %dma_wait3A_350 = arith.constant 0 : i32
    %dma_wait3A_351 = arith.constant 0 : i32
    %dma_wait3A_352 = tpu.memref_slice %arg2[%dma_wait3A_350, %dma_wait3A_351] : memref<100000x64xf32, #tpu.memory_space<hbm>> -> memref<100000x64xf32, #tpu.memory_space<hbm>>
    tpu.wait_indirect_dma semaphore(%arg24 : memref<!tpu.dma_semaphore, #tpu.memory_space<semaphore_mem>>) src(%dma_wait3A_352 : memref<100000x64xf32, #tpu.memory_space<hbm>>) dst(%arg16 : memref<128x64xf32, #tpu.memory_space<vmem>>)
    %get3A_353 = arith.constant 199 : i32
    %get3A_354 = arith.index_cast %get3A_353 : i32 to index
    %get3A_355 = arith.constant 0 : index
    %get3A_356 = tpu.vector_load %arg8[%get3A_354, %get3A_355] {strides = array<i32>} : memref<200x64xf32, #tpu.memory_space<vmem>>, vector<16xf32>,
    %get3A_357 = arith.constant 199 : i32
    %get3A_358 = arith.index_cast %get3A_357 : i32 to index
    %get3A_359 = arith.constant 16 : index
    %get3A_360 = tpu.vector_load %arg8[%get3A_358, %get3A_359] {strides = array<i32>} : memref<200x64xf32, #tpu.memory_space<vmem>>, vector<16xf32>,
    %get3A_361 = arith.constant 199 : i32
    %get3A_362 = arith.index_cast %get3A_361 : i32 to index
    %get3A_363 = arith.constant 32 : index
    %get3A_364 = tpu.vector_load %arg8[%get3A_362, %get3A_363] {strides = array<i32>} : memref<200x64xf32, #tpu.memory_space<vmem>>, vector<16xf32>,
    %get3A_365 = arith.constant 199 : i32
    %get3A_366 = arith.index_cast %get3A_365 : i32 to index
    %get3A_367 = arith.constant 48 : index
    %get3A_368 = tpu.vector_load %arg8[%get3A_366, %get3A_367] {strides = array<i32>} : memref<200x64xf32, #tpu.memory_space<vmem>>, vector<16xf32>,
    %parallel_loop3A_369 = arith.constant 0 : i32
    %parallel_loop3A_370 = arith.constant 128 : i32
    %parallel_loop3A_371 = arith.constant 1 : i32
    scf.for %parallel_loop3A_414 = %parallel_loop3A_369 to %parallel_loop3A_370 step %parallel_loop3A_371  : i32 {
      %parallel_loop3A_415 = arith.index_cast %parallel_loop3A_414 : i32 to index
      %parallel_loop3A_416 = arith.constant 0 : index
      %parallel_loop3A_417 = tpu.vector_load %arg16[%parallel_loop3A_415, %parallel_loop3A_416] {strides = array<i32>} : memref<128x64xf32, #tpu.memory_space<vmem>>, vector<16xf32>,
      tpu.vector_store %arg16[%parallel_loop3A_415, %parallel_loop3A_416], %get3A_356 {add = true, strides = array<i32>} : memref<128x64xf32, #tpu.memory_space<vmem>>, vector<16xf32>,
      %parallel_loop3A_418 = arith.index_cast %parallel_loop3A_414 : i32 to index
      %parallel_loop3A_419 = arith.constant 16 : index
      %parallel_loop3A_420 = tpu.vector_load %arg16[%parallel_loop3A_418, %parallel_loop3A_419] {strides = array<i32>} : memref<128x64xf32, #tpu.memory_space<vmem>>, vector<16xf32>,
      tpu.vector_store %arg16[%parallel_loop3A_418, %parallel_loop3A_419], %get3A_360 {add = true, strides = array<i32>} : memref<128x64xf32, #tpu.memory_space<vmem>>, vector<16xf32>,
      %parallel_loop3A_421 = arith.index_cast %parallel_loop3A_414 : i32 to index
      %parallel_loop3A_422 = arith.constant 32 : index
      %parallel_loop3A_423 = tpu.vector_load %arg16[%parallel_loop3A_421, %parallel_loop3A_422] {strides = array<i32>} : memref<128x64xf32, #tpu.memory_space<vmem>>, vector<16xf32>,
      tpu.vector_store %arg16[%parallel_loop3A_421, %parallel_loop3A_422], %get3A_364 {add = true, strides = array<i32>} : memref<128x64xf32, #tpu.memory_space<vmem>>, vector<16xf32>,
      %parallel_loop3A_424 = arith.index_cast %parallel_loop3A_414 : i32 to index
      %parallel_loop3A_425 = arith.constant 48 : index
      %parallel_loop3A_426 = tpu.vector_load %arg16[%parallel_loop3A_424, %parallel_loop3A_425] {strides = array<i32>} : memref<128x64xf32, #tpu.memory_space<vmem>>, vector<16xf32>,
      tpu.vector_store %arg16[%parallel_loop3A_424, %parallel_loop3A_425], %get3A_368 {add = true, strides = array<i32>} : memref<128x64xf32, #tpu.memory_space<vmem>>, vector<16xf32>,
    } {sc.loop_unroll_factor = 8 : i64, sc.parallel_access}
    %dma_start3A_372 = arith.constant 199 : i32
    %dma_start3A_373 = arith.constant 0 : i32
    %dma_start3A_374 = tpu.memref_slice %arg5[%mul3A_2, %dma_start3A_372, %dma_start3A_373] : memref<4096x200x128xf32, #tpu.memory_space<hbm>> -> memref<128x1x64xf32, #tpu.memory_space<hbm>>
    %dma_start3A_375 = tpu.memref_squeeze %dma_start3A_374 : memref<128x1x64xf32, #tpu.memory_space<hbm>> -> memref<128x64xf32, #tpu.memory_space<hbm>>
    %dma_start3A_376 = arith.constant 0 : i32
    %dma_start3A_377 = tpu.memref_slice %arg5[%mul3A_2, %dma_start3A_372, %dma_start3A_376] : memref<4096x200x128xf32, #tpu.memory_space<hbm>> -> memref<128x1x64xf32, #tpu.memory_space<hbm>>
    %dma_start3A_378 = tpu.memref_squeeze %dma_start3A_377 : memref<128x1x64xf32, #tpu.memory_space<hbm>> -> memref<128x64xf32, #tpu.memory_space<hbm>>
    tpu.enqueue_dma source(%arg16 : memref<128x64xf32, #tpu.memory_space<vmem>>) target(%dma_start3A_378 : memref<128x64xf32, #tpu.memory_space<hbm>>) target_semaphore(%arg32 : memref<!tpu.dma_semaphore, #tpu.memory_space<semaphore_mem>>)
    %dma_wait3A_379 = arith.constant 195 : i32
    %dma_wait3A_380 = arith.constant 0 : i32
    %dma_wait3A_381 = tpu.memref_slice %arg5[%mul3A_2, %dma_wait3A_379, %dma_wait3A_380] : memref<4096x200x128xf32, #tpu.memory_space<hbm>> -> memref<128x1x64xf32, #tpu.memory_space<hbm>>
    %dma_wait3A_382 = tpu.memref_squeeze %dma_wait3A_381 : memref<128x1x64xf32, #tpu.memory_space<hbm>> -> memref<128x64xf32, #tpu.memory_space<hbm>>
    %dma_wait3A_383 = arith.constant 0 : i32
    %dma_wait3A_384 = tpu.memref_slice %arg5[%mul3A_2, %dma_wait3A_379, %dma_wait3A_383] : memref<4096x200x128xf32, #tpu.memory_space<hbm>> -> memref<128x1x64xf32, #tpu.memory_space<hbm>>
    %dma_wait3A_385 = tpu.memref_squeeze %dma_wait3A_384 : memref<128x1x64xf32, #tpu.memory_space<hbm>> -> memref<128x64xf32, #tpu.memory_space<hbm>>
    tpu.wait_dma2 semaphore(%arg28 : memref<!tpu.dma_semaphore, #tpu.memory_space<semaphore_mem>>) src(%arg12 : memref<128x64xf32, #tpu.memory_space<vmem>>) dst(%dma_wait3A_385 : memref<128x64xf32, #tpu.memory_space<hbm>>)
    %dma_wait3A_386 = arith.constant 196 : i32
    %dma_wait3A_387 = arith.constant 0 : i32
    %dma_wait3A_388 = tpu.memref_slice %arg5[%mul3A_2, %dma_wait3A_386, %dma_wait3A_387] : memref<4096x200x128xf32, #tpu.memory_space<hbm>> -> memref<128x1x64xf32, #tpu.memory_space<hbm>>
    %dma_wait3A_389 = tpu.memref_squeeze %dma_wait3A_388 : memref<128x1x64xf32, #tpu.memory_space<hbm>> -> memref<128x64xf32, #tpu.memory_space<hbm>>
    %dma_wait3A_390 = arith.constant 0 : i32
    %dma_wait3A_391 = tpu.memref_slice %arg5[%mul3A_2, %dma_wait3A_386, %dma_wait3A_390] : memref<4096x200x128xf32, #tpu.memory_space<hbm>> -> memref<128x1x64xf32, #tpu.memory_space<hbm>>
    %dma_wait3A_392 = tpu.memref_squeeze %dma_wait3A_391 : memref<128x1x64xf32, #tpu.memory_space<hbm>> -> memref<128x64xf32, #tpu.memory_space<hbm>>
    tpu.wait_dma2 semaphore(%arg29 : memref<!tpu.dma_semaphore, #tpu.memory_space<semaphore_mem>>) src(%arg13 : memref<128x64xf32, #tpu.memory_space<vmem>>) dst(%dma_wait3A_392 : memref<128x64xf32, #tpu.memory_space<hbm>>)
    %dma_wait3A_393 = arith.constant 197 : i32
    %dma_wait3A_394 = arith.constant 0 : i32
    %dma_wait3A_395 = tpu.memref_slice %arg5[%mul3A_2, %dma_wait3A_393, %dma_wait3A_394] : memref<4096x200x128xf32, #tpu.memory_space<hbm>> -> memref<128x1x64xf32, #tpu.memory_space<hbm>>
    %dma_wait3A_396 = tpu.memref_squeeze %dma_wait3A_395 : memref<128x1x64xf32, #tpu.memory_space<hbm>> -> memref<128x64xf32, #tpu.memory_space<hbm>>
    %dma_wait3A_397 = arith.constant 0 : i32
    %dma_wait3A_398 = tpu.memref_slice %arg5[%mul3A_2, %dma_wait3A_393, %dma_wait3A_397] : memref<4096x200x128xf32, #tpu.memory_space<hbm>> -> memref<128x1x64xf32, #tpu.memory_space<hbm>>
    %dma_wait3A_399 = tpu.memref_squeeze %dma_wait3A_398 : memref<128x1x64xf32, #tpu.memory_space<hbm>> -> memref<128x64xf32, #tpu.memory_space<hbm>>
    tpu.wait_dma2 semaphore(%arg30 : memref<!tpu.dma_semaphore, #tpu.memory_space<semaphore_mem>>) src(%arg14 : memref<128x64xf32, #tpu.memory_space<vmem>>) dst(%dma_wait3A_399 : memref<128x64xf32, #tpu.memory_space<hbm>>)
    %dma_wait3A_400 = arith.constant 198 : i32
    %dma_wait3A_401 = arith.constant 0 : i32
    %dma_wait3A_402 = tpu.memref_slice %arg5[%mul3A_2, %dma_wait3A_400, %dma_wait3A_401] : memref<4096x200x128xf32, #tpu.memory_space<hbm>> -> memref<128x1x64xf32, #tpu.memory_space<hbm>>
    %dma_wait3A_403 = tpu.memref_squeeze %dma_wait3A_402 : memref<128x1x64xf32, #tpu.memory_space<hbm>> -> memref<128x64xf32, #tpu.memory_space<hbm>>
    %dma_wait3A_404 = arith.constant 0 : i32
    %dma_wait3A_405 = tpu.memref_slice %arg5[%mul3A_2, %dma_wait3A_400, %dma_wait3A_404] : memref<4096x200x128xf32, #tpu.memory_space<hbm>> -> memref<128x1x64xf32, #tpu.memory_space<hbm>>
    %dma_wait3A_406 = tpu.memref_squeeze %dma_wait3A_405 : memref<128x1x64xf32, #tpu.memory_space<hbm>> -> memref<128x64xf32, #tpu.memory_space<hbm>>
    tpu.wait_dma2 semaphore(%arg31 : memref<!tpu.dma_semaphore, #tpu.memory_space<semaphore_mem>>) src(%arg15 : memref<128x64xf32, #tpu.memory_space<vmem>>) dst(%dma_wait3A_406 : memref<128x64xf32, #tpu.memory_space<hbm>>)
    %dma_wait3A_407 = arith.constant 199 : i32
    %dma_wait3A_408 = arith.constant 0 : i32
    %dma_wait3A_409 = tpu.memref_slice %arg5[%mul3A_2, %dma_wait3A_407, %dma_wait3A_408] : memref<4096x200x128xf32, #tpu.memory_space<hbm>> -> memref<128x1x64xf32, #tpu.memory_space<hbm>>
    %dma_wait3A_410 = tpu.memref_squeeze %dma_wait3A_409 : memref<128x1x64xf32, #tpu.memory_space<hbm>> -> memref<128x64xf32, #tpu.memory_space<hbm>>
    %dma_wait3A_411 = arith.constant 0 : i32
    %dma_wait3A_412 = tpu.memref_slice %arg5[%mul3A_2, %dma_wait3A_407, %dma_wait3A_411] : memref<4096x200x128xf32, #tpu.memory_space<hbm>> -> memref<128x1x64xf32, #tpu.memory_space<hbm>>
    %dma_wait3A_413 = tpu.memref_squeeze %dma_wait3A_412 : memref<128x1x64xf32, #tpu.memory_space<hbm>> -> memref<128x64xf32, #tpu.memory_space<hbm>>
    tpu.wait_dma2 semaphore(%arg32 : memref<!tpu.dma_semaphore, #tpu.memory_space<semaphore_mem>>) src(%arg16 : memref<128x64xf32, #tpu.memory_space<vmem>>) dst(%dma_wait3A_413 : memref<128x64xf32, #tpu.memory_space<hbm>>)
    return
  }
}

</mosaic_0001>

<sc_bundles>
// kernel: kernel.3.cloned.1.call-start
scs
__scs_entry_jumppad:
0x0: {  	(pc) =	sbr.rel $0x88, $3  }
0x1: {  	(tag) =	ssettag $0x0;
	lr =	simm.s32 $0x1  }
0x2: {  	[smem:$0x3F9E] =	sst lr;
	_ =	strace $0xD0000000  }
0x3: {  	_ = 	snop  }
0x4: {  	_ = 	snop  }
0x5: {  	_ = 	snop  }
0x6: {  	_ = 	snop  }
0x7: {  	_ = 	snop  }
__scs_overlays_trampoline_lowered:
0x8: {  	[smem:$0x3FAD] =	sst s0  }
0x9: {  	[smem:$0x3FAE] =	sst s1  }
0xa: {  	[smem:$0x3FAF] =	sst s2  }
0xb: {  	[smem:$0x3FB0] =	sst s3  }
0xc: {  	[smem:$0x3FB1] =	sst s4  }
0xd: {  	[smem:$0x3FB2] =	sst s5  }
0xe: {  	[smem:$0x3FB3] =	sst s6  }
0xf: {  	[smem:$0x3FB4] =	sst s7  }
0x10: {  	[smem:$0x3FB5] =	sst s8  }
0x11: {  	[smem:$0x3FB6] =	sst s9;
	s0 =	simm.s32 @!p0 $0x0  }
0x12: {  	s1 =	sld [smem:$0x3F9C];
	s0 =	simm.s32 @p0 $0x1  }
0x13: {  	[smem:$0x3FB7] =	sst s0;
	s0 =	simm.s32 @!p1 $0x0  }
0x14: {  	s2 =	sld [smem:$0x3F9B];
	s0 =	simm.s32 @p1 $0x1  }
0x15: {  	[smem:$0x3FB8] =	sst s0;
	s0 =	simm.s32 @!p2 $0x0  }
0x16: {  	s3 =	sld [smem:$0x3FDB];
	s0 =	simm.s32 @p2 $0x1  }
0x17: {  	s4 =	simm.s32 $0x1BF5;
	[smem:$0x3FBA] =	sst s0  }
0x18: {  	s0 =	sld [smem:$0x3F9D];
	_ =	swait.ge [sflag:s4], $0x0  }
0x19: {  	s7 =	sld [smem:$0x3F9E]  }
0x1a: {  	s8 =	sadd.s32 $0xFFFFE003, lr  }
0x1b: {  	s9 =	sadd.s32 $0xFFFFFEF7, lr;
	s5 =	simm.s32 $0xFFFFFFFF;
	p2 =	slt.u32 s8, $0xFFFFF086  }
0x1c: {  	p1 =	slt.u32 s9, $0xF7A;
	s5 =	simm.s32 @!p2 $0x0  }
0x1d: {  	s5 =	simm.s32 @p1 $0x1;
	p0 =	seq.s32 s7, s2  }
0x1e: {  	s7 =	smul.u32 @!p0 $0xF7A, s2;
	p2 =	seq.s32 @!p0 s5, $0x0  }
0x1f: {  	s9 =	smul.u32 $0xF7A, s1;
	s8 =	simm.s32 @!p0 $0x1BF5;
	p2 =	por !p2, p0  }
0x20: {  	[sflag:s8] =	ssyncset.s32 @!p0 $0xFFFFF086;
	s6 =	sadd.s32 @!p0 s3, s7;
	s7 =	simm.s32 @!p0 $0x108  }
0x21: {  	s3 =	sadd.s32 s3, s9;
	s6 =	sadd.s32 @!p0 $0x88, s6;
	s7 =	simm.s32 @p2 $0x1082  }
0x22: {  	[simem:s7], [sflag:s8] =	dma.local @!p0 [hbm:s6], $0xF7A  }
0x23: {  	s9 =	sor.u32 $0xD0000000, s2;
	s6 =	simm.s32 $0x108;
	_ =	swait.ge @!p0 [sflag:s8], $0x0  }
0x24: {  	s3 =	sadd.s32 $0x88, s3;
	s6 =	simm.s32 @!p1 $0x1082;
	[sflag:s4] =	ssyncset.s32 $0xFFFFF086  }
0x25: {  	[simem:s6], [sflag:s4] =	dma.local [hbm:s3], $0xF7A  }
0x26: {  	[smem:$0x3F9E] =	sst s1;
	(tag) =	ssettag s2;
	_ =	strace s9  }
0x27: {  	s1 =	sld [smem:$0x3FAE]  }
0x28: {  	s2 =	sld [smem:$0x3FAF]  }
0x29: {  	s4 =	sld [smem:$0x3FB1]  }
0x2a: {  	p0 =	seq.s32 s5, $0x0;
	s5 =	sld [smem:$0x3FB2]  }
0x2b: {  	s6 =	sld [smem:$0x3FB3]  }
0x2c: {  	s7 =	sld [smem:$0x3FB4]  }
0x2d: {  	s3 =	simm.s32 $0x108;
	s8 =	sld [smem:$0x3FB5]  }
0x2e: {  	s3 =	simm.s32 @!p0 $0x1082;
	s9 =	sld [smem:$0x3FB6]  }
0x2f: {  	lr =	sadd.s32 s0, s3;
	s0 =	sld [smem:$0x3FAD]  }
0x30: {  	s3 =	sld [smem:$0x3FB0]  }
0x31: {  	[smem:$0x3FB9] =	sst s10  }
0x32: {  	s10 =	sld [smem:$0x3FB7];
	_ =	sdelay $0x3  }
0x33: {  	p0 =	seq.s32 s10, $0x1;
	s10 =	sld [smem:$0x3FB9];
	_ =	sdelay $0x3  }
0x34: {  	[smem:$0x3FB9] =	sst s10  }
0x35: {  	s10 =	sld [smem:$0x3FB8];
	_ =	sdelay $0x3  }
0x36: {  	p1 =	seq.s32 s10, $0x1;
	s10 =	sld [smem:$0x3FB9];
	_ =	sdelay $0x3  }
0x37: {  	[smem:$0x3FB9] =	sst s10  }
0x38: {  	s10 =	sld [smem:$0x3FBA]  }
0x39: {  	_ = 	snop;
	(pc) =	sbr.ind lr, $3  }
0x3a: {  	_ = 	snop  }
0x3b: {  	_ = 	snop  }
0x3c: {  	p2 =	seq.s32 s10, $0x1;
	s10 =	sld [smem:$0x3FB9]  }
0x3d: {  	_ =	shalt  }
0x3e: {  	_ =	shalt  }
0x3f: {  	_ =	shalt  }
0x40: {  	_ =	shalt  }
0x41: {  	_ =	shalt  }
0x42: {  	_ =	shalt  }
0x43: {  	_ =	shalt  }
0x44: {  	_ =	shalt  }
0x45: {  	_ =	shalt  }
0x46: {  	_ =	shalt  }
0x47: {  	_ =	shalt  }
0x48: {  	_ =	shalt  }
0x49: {  	_ =	shalt  }
0x4a: {  	_ =	shalt  }
0x4b: {  	_ =	shalt  }
0x4c: {  	_ =	shalt  }
0x4d: {  	_ =	shalt  }
0x4e: {  	_ =	shalt  }
0x4f: {  	_ =	shalt  }
0x50: {  	_ =	shalt  }
0x51: {  	_ =	shalt  }
0x52: {  	_ =	shalt  }
0x53: {  	_ =	shalt  }
0x54: {  	_ =	shalt  }
0x55: {  	_ =	shalt  }
0x56: {  	_ =	shalt  }
0x57: {  	_ =	shalt  }
0x58: {  	_ =	shalt  }
0x59: {  	_ =	shalt  }
0x5a: {  	_ =	shalt  }
0x5b: {  	_ =	shalt  }
0x5c: {  	_ =	shalt  }
0x5d: {  	_ =	shalt  }
0x5e: {  	_ =	shalt  }
0x5f: {  	_ =	shalt  }
0x60: {  	_ =	shalt  }
0x61: {  	_ =	shalt  }
0x62: {  	_ =	shalt  }
0x63: {  	_ =	shalt  }
0x64: {  	_ =	shalt  }
0x65: {  	_ =	shalt  }
0x66: {  	_ =	shalt  }
0x67: {  	_ =	shalt  }
0x68: {  	_ =	shalt  }
0x69: {  	_ =	shalt  }
0x6a: {  	_ =	shalt  }
0x6b: {  	_ =	shalt  }
0x6c: {  	_ =	shalt  }
0x6d: {  	_ =	shalt  }
0x6e: {  	_ =	shalt  }
0x6f: {  	_ =	shalt  }
0x70: {  	_ =	shalt  }
0x71: {  	_ =	shalt  }
0x72: {  	_ =	shalt  }
0x73: {  	_ =	shalt  }
0x74: {  	_ =	shalt  }
0x75: {  	_ =	shalt  }
0x76: {  	_ =	shalt  }
0x77: {  	_ =	shalt  }
0x78: {  	_ =	shalt  }
0x79: {  	_ =	shalt  }
0x7a: {  	_ =	shalt  }
0x7b: {  	_ =	shalt  }
0x7c: {  	_ =	shalt  }
0x7d: {  	_ =	shalt  }
0x7e: {  	_ =	shalt  }
0x7f: {  	_ =	shalt  }
0x80: {  	_ =	shalt  }
0x81: {  	_ =	shalt  }
0x82: {  	_ =	shalt  }
0x83: {  	_ =	shalt  }
0x84: {  	_ =	shalt  }
0x85: {  	_ =	shalt  }
0x86: {  	_ =	shalt  }
0x87: {  	_ =	shalt  }
.Lfunc_end0:
.L_simem_size_0:
called_computation.1_lowered:
.L_overlay_start_0:
0x88: {  	s2 =	sld [smem:$0x3FD9]  }
0x89: {  	s3 =	sld [smem:$0x3FFE];
	_ =	sdelay $0x1  }
0x8a: {  	s1 =	srdreg.scid  }
0x8b: {  	s0 =	sand.u32 $0x1, s1  }
0x8c: {  	s16 =	sshll.u32 s0, $0xA;
	s2 =	sadd.s32 s3, s2  }
0x8d: {  	s2 =	sadd.s32 s2, s16  }
0x8e: {  	[smem:$0x3FC5] =	sst s2  }
0x8f: {  	_ = 	snop  }
0x90: {  	(tm) =	ssettm $0x1  }
0x91: {  	s17 =	sld [smem:$0x3FFB];
	_ =	sdelay $0x3  }
0x92: {  	_ =	strace s17  }
0x93: {  	s2 =	sld [smem:$0x3FFC];
	_ =	sdelay $0x3  }
0x94: {  	_ =	strace s2  }
0x95: {  	s2 =	sld [smem:$0x3FFD];
	_ =	sdelay $0x3  }
0x96: {  	_ =	strace s2  }
0x97: {  	_ =	strace $0x8FFFFFFF  }
0x98: {  	s18 =	sld [smem:$0x3FDB];
	_ =	sdelay $0x1  }
0x99: {  	s19 =	simm.s32 $_scs_section_size  }
0x9a: {  	s4 =	simm.s32 $_size__tile_overlayer_lowered;
	s5 =	simm.s32 $_tile_overlayer_lowered  }
0x9b: {  	s22 =	simm.s32 $0x1BFF;
	s21 =	sshll.u32 s5, $0x1;
	s2 =	sadd.s32 s19, s18  }
0x9c: {  	s6 =	simm.s32 $0x0;
	s20 =	sshll.u32 s4, $0x1;
	s4 =	sadd.s32 s21, s2  }
0x9d: {  	[timem:s6], [sflag:s22] =	dma.local [hbm:s4], s20  }
0x9e: {  	_ =	swait.ge [sflag:s22], s20  }
0x9f: {  	s3 =	ssub.s32 $0x0, s20;
	[sflag:s22] =	ssyncset.done $0x0  }
0xa0: {  	[sflag:s22] =	ssyncadd.s32 s3;
	_ =	sdelay $0x1  }
0xa1: {  	s23 =	simm.s32 $0x1B8B  }
0xa2: {  	_ =	swait.ge [sflag:s23], $0x1  }
0xa3: {  	[sflag:s23] =	ssyncset.done $0x0  }
0xa4: {  	s25 =	simm.s32 $0x1B8E;
	s24 =	sld [smem:$0x3FFE];
	[sflag:s23] =	ssyncadd.s32 $0xFFFFFFFF  }
0xa5: {  	s26 =	simm.s32 $execute0_lowered;
	[smem:$0x3FD2] =	sst s25  }
0xa6: {  	s4 =	sshll.u32 s26, $0x1;
	_ =	strace $0x80000046;
	[dreg:$0x1] =	wrdreg $0xFFFFFFFF  }
0xa7: {  	s28 =	simm.s32 $_size_execute0_lowered;
	s2 =	sadd.s32 s2, s4;
	[dreg:$0x0] =	wrdreg $0x0  }
0xa8: {  	s4 =	sshll.u32 s28, $0x1;
	[dreg:$0x2] =	wrdreg s2  }
0xa9: {  	[dreg:$0x3] =	wrdreg s4  }
0xaa: {  	[dreg:$0x4] =	wrdreg $0xC0  }
0xab: {  	_ =	task [dreg:s6], $0x5FFFF  }
0xac: {  	[dreg:$0x1] =	wrdreg $0xFFFFFFFF  }
0xad: {  	[dreg:$0x0] =	wrdreg $0x60  }
0xae: {  	[dreg:$0x2] =	wrdreg s24  }
0xaf: {  	[dreg:$0x3] =	wrdreg $0x9  }
0xb0: {  	_ =	task.clear_ibuf [dreg:s6], $0x4FFFF;
	_ =	strace $0x90000046  }
0xb1: {  	s29 =	simm.s32 $0x9;
	_ =	strace $0x80000048  }
0xb2: {  	_ =	swait.ge [sflag:s29], $0x1  }
0xb3: {  	[sflag:s29] =	ssyncadd.s32 $0xFFFFFFFF  }
0xb4: {  	_ =	strace $0x90000048  }
0xb5: {  	_ =	sfence  }
0xb6: {  	s30 =	sld [smem:$0x0];
	_ =	sdelay $0x2  }
0xb7: {  	s31 =	sshll.u32 s1, $0xD;
	s1 =	sshrl.u32 s1, $0x2  }
0xb8: {  	s3 =	sand.u32 $0x4000, s31;
	s1 =	sadd.s32 s1, s30  }
0xb9: {  	s0 =	sor.u32 s3, s0;
	s1 =	sshll.u32 s1, $0x11  }
0xba: {  	s0 =	sor.u32 s1, s0  }
0xbb: {  	s0 =	sadd.s32 $0x8F2B, s0  }
0xbc: {  	[sflag:s0] =	ssyncadd.remote.s32 $0x1  }
0xbd: {  	_ =	sfence.sel $0xFFFF  }
0xbe: {  	[dreg:$0x0] =	wrdreg $0xFFFFFFFF;
	(pc) =	sbr.abs _section_cstart, $3  }
0xbf: {  	[dreg:$0x1] =	wrdreg $0xFFFFFFFF  }
0xc0: {  	_ =	task.clear_ibuf [dreg:s6], $0x2FFFF;
	_ =	strace $0x9FFFFFFF  }
0xc1: {  	(tm) =	ssettm $0x7FFFFFFF  }
tec
execute0_lowered:
.L_overlay_start_1:
0x0: {  	(tag) =	ssettag $0x1  }
0x1: {  	s0 =	srdreg.scid;
	s2 =	stileid.u32  }
0x2: {  	s1 =	rddreg [dreg:$0x0];
	s19 =	simm.s32 $0x80;
	s29 =	simm.s32 $0x40  }
0x3: {  	s31 =	simm.s32 $0x4;
	s9 =	simm.s32 $0x9;
	s10 =	simm.s32 $0x6  }
0x4: {  	s11 =	simm.s32 $0xA;
	s12 =	simm.s32 $0x7;
	s13 =	simm.s32 $0xB  }
0x5: {  	s14 =	simm.s32 $0x8;
	s0 =	sand.u32 $0x1, s0;
	s3 =	sshll.u32 s2, $0x8  }
0x6: {  	s2 =	simm.s32 $0x0;
	s6 =	sadd.s32 $0x800, s1;
	s4 =	sshll.u32 s0, $0x7  }
0x7: {  	[smem:$0x7FF] =	sst s2;
	s0 =	ssub.s32 $0x2, s0;
	s4 =	sor.u32 s4, s3  }
0x8: {  	_ =	strace $0x80000047;
	s20 =	sshrl.u32 s0, $0x1;
	s5 =	smul.u32 $0x19, s4  }
0x9: {  	[dreg:$0x2] =	wrdreg s6;
	s4 =	smul.u32 $0x6400, s4;
	s0 =	ssub.s32 s0, s20  }
0xa: {  	s6 =	sadd.s32 $0xDD600, s1;
	s0 =	smax.u32 s0, $0x1;
	s5 =	sadd.s32 s5, s1  }
0xb: {  	s7 =	sshrl.u32 s4, $0x3;
	[dreg:$0xc] =	wrdreg s0;
	s21 =	sadd.s32 $0x1000, s5  }
0xc: {  	s15 =	simm.s32 $0xC;
	s22 =	sadd.s32 s6, s7;
	[dreg:$0x3] =	wrdreg s21  }
0xd: {  	s16 =	simm.s32 $0xD;
	s23 =	sadd.s32 $0x10, s22;
	[dreg:$0x4] =	wrdreg s22  }
0xe: {  	s8 =	simm.s32 $0xE;
	s24 =	sadd.s32 $0x20, s22;
	[dreg:$0x5] =	wrdreg s23  }
0xf: {  	s17 =	simm.s32 $0xF;
	s25 =	sadd.s32 $0x30, s22;
	[dreg:$0x6] =	wrdreg s24  }
0x10: {  	v0 =	vlaneseq.u32;
	s3 =	sadd.s32 $0x1A000, s1;
	s26 =	sadd.s32 $0xC40, s22;
	[dreg:$0x7] =	wrdreg s25  }
0x11: {  	v0 =	vmul.u32 $0xC8, v0;
	s20 =	simm.s32 $0x6400;
	s28 =	sadd.s32 $0xC50, s22;
	[dreg:$0x8] =	wrdreg s26  }
0x12: {  	s7 =	simm.s32 $0x5;
	s30 =	sadd.s32 $0xC60, s22;
	[dreg:$0x9] =	wrdreg s28  }
0x13: {  	v1 =	vadd.s32 $0xC80, v0;
	s1 =	sadd.s32 $0xC70, s22;
	s22 =	simm.s32 $0x6500;
	[dreg:$0xa] =	wrdreg s30  }
0x14: {  	v2 =	vadd.s32 $0x1900, v0;
	v3 =	vadd.s32 $0x2580, v0;
	v4 =	vadd.s32 $0x3200, v0;
	[dreg:$0xb] =	wrdreg s1;
	s25 =	simm.s32 $0x11A00;
	s24 =	simm.s32 $0x17A00  }
0x15: {  	v5 =	vadd.s32 $0x3E80, v0;
	v6 =	vadd.s32 $0x4B00, v0;
	v7 =	vadd.s32 $0x5780, v0;
	s26 =	simm.s32 $0x19A00;
	s23 =	simm.s32 $0x10;
	s1 =	simm.s32 $0x0  }
.LBB2_1:
0x16: {  	[dreg:$0xd] =	wrdreg s1  }
0x17: {  	s0 =	rddreg [dreg:$0x3];
	s1 =	simm.s32 $0x3;
	s5 =	simm.s32 $0x11  }
0x18: {  	[tilespmem:s2], [sflag:$0x11] =	stream.linear.gather [hbm4b:s0+s2], $0x6400, $0x38;
	[tilespmem:$0x1FA00] =	vst v63  }
0x19: {  	s18 =	simm.s32 $0x1;
	v8 =	vmov s1;
	_ =	swait.ge [sflag:s5], $0x6400  }
0x1a: {  	s21 =	simm.s32 $0x2;
	v9 =	vmov s18;
	v14 =	vand.u32 $0xFF, v8;
	[sflag:s5] =	ssyncset.done $0x0  }
0x1b: {  	s30 =	simm.s32 $0xC800;
	v16 =	vand.u32 $0xFD, v9;
	v8 =	vmov s21;
	v9 =	vadd.s32 v0, v14;
	s28 =	rddreg [dreg:$0x2];
	[sflag:s5] =	ssyncadd.s32 $0xFFFF9C00  }
0x1c: {  	v10 =	vadd.s32 v0, v16;
	v17 =	vand.u32 $0xFE, v8;
	[tilespmem:s30], [sflag:$0x11] =	stream.linear.gather [hbm4b:s28+s2], $0x3200, $0x38;
	[tilespmem:$0x1FA00] =	vst v63  }
0x1d: {  	v8 =	vmov s2;
	v11 =	vadd.s32 v0, v17;
	_ =	swait.ge [sflag:s5], $0x3200  }
0x1e: {  	v13 =	vand.u32 $0xFC, v8;
	[sflag:s5] =	ssyncset.done $0x0  }
0x1f: {  	v8 =	vadd.s32 v0, v13;
	[sflag:s5] =	ssyncadd.s32 $0xFFFFCE00  }
0x20: {  	v9 =	vld.idx.msk [tilespmem:v9+s2+$0x0], $0xffff  }
0x21: {  	v12 =	vadd.s32 v1, v14;
	v10 =	vld.idx.msk [tilespmem:v10+s2+$0x0], $0xffff  }
0x22: {  	v15 =	vadd.s32 v1, v16;
	v11 =	vld.idx.msk [tilespmem:v11+s2+$0x0], $0xffff  }
0x23: {  	v18 =	vadd.s32 v1, v17  }
0x24: {  	v8 =	vld.idx.msk [tilespmem:v8+s2+$0x0], $0xffff  }
0x25: {  	v19 =	vadd.s32 v1, v13;
	[tilespmem:s22+$0x80] =	vst v9  }
0x26: {  	[tilespmem:s22+$0xFFFFFF80] =	vst v10;
	v9 =	vld.idx.msk [tilespmem:v12+s2+$0x0], $0xffff  }
0x27: {  	[tilespmem:s22+$0x0] =	vst v11;
	v11 =	vadd.s32 v2, v14;
	v10 =	vld.idx.msk [tilespmem:v15+s2+$0x0], $0xffff  }
0x28: {  	v12 =	vld.idx.msk [tilespmem:v18+s2+$0x0], $0xffff;
	v15 =	vadd.s32 v2, v16  }
0x29: {  	[tilespmem:s22+$0xFFFFFF00] =	vst v8;
	v8 =	vadd.s32 v2, v17  }
0x2a: {  	v18 =	vld.idx.msk [tilespmem:v19+s2+$0x0], $0xffff  }
0x2b: {  	v19 =	vadd.s32 v2, v13;
	[tilespmem:s22+$0x90] =	vst v9  }
0x2c: {  	[tilespmem:s22+$0xFFFFFF90] =	vst v10;
	v10 =	vld.idx.msk [tilespmem:v11+s2+$0x0], $0xffff  }
0x2d: {  	s5 =	simm.s32 $0x4;
	[tilespmem:s22+$0x10] =	vst v12;
	v12 =	vadd.s32 v3, v14;
	v11 =	vld.idx.msk [tilespmem:v15+s2+$0x0], $0xffff  }
0x2e: {  	v20 =	vadd.s32 v3, v16;
	v9 =	vmov s5;
	v15 =	vld.idx.msk [tilespmem:v8+s2+$0x0], $0xffff  }
0x2f: {  	s18 =	simm.s32 $0x5;
	v8 =	vand.u32 $0xFC, v9;
	[tilespmem:s22+$0xFFFFFF10] =	vst v18;
	v18 =	vadd.s32 v3, v17  }
0x30: {  	v9 =	vmov s18;
	v21 =	vadd.s32 v0, v8;
	v19 =	vld.idx.msk [tilespmem:v19+s2+$0x0], $0xffff  }
0x31: {  	v22 =	vadd.s32 v3, v13;
	v9 =	vand.u32 $0xFD, v9;
	[tilespmem:s22+$0xA0] =	vst v10  }
0x32: {  	v10 =	vadd.s32 v0, v9;
	[tilespmem:s22+$0xFFFFFFA0] =	vst v11;
	v11 =	vld.idx.msk [tilespmem:v12+s2+$0x0], $0xffff  }
0x33: {  	s21 =	simm.s32 $0x7;
	[tilespmem:s22+$0x20] =	vst v15;
	v15 =	vadd.s32 v4, v14;
	v20 =	vld.idx.msk [tilespmem:v20+s2+$0x0], $0xffff  }
0x34: {  	v23 =	vadd.s32 v4, v16;
	v18 =	vld.idx.msk [tilespmem:v18+s2+$0x0], $0xffff;
	v12 =	vmov s21  }
0x35: {  	s28 =	simm.s32 $0x6;
	v21 =	vld.idx.msk [tilespmem:v21+s2+$0x0], $0xffff;
	[tilespmem:s22+$0xFFFFFF20] =	vst v19;
	v19 =	vadd.s32 v4, v17;
	v12 =	vand.u32 $0xFF, v12  }
0x36: {  	v24 =	vmov s28;
	v22 =	vld.idx.msk [tilespmem:v22+s2+$0x0], $0xffff;
	v25 =	vadd.s32 v0, v12  }
0x37: {  	v26 =	vld.idx.msk [tilespmem:v10+s2+$0x0], $0xffff;
	v10 =	vand.u32 $0xFE, v24;
	v24 =	vadd.s32 v4, v13;
	[tilespmem:s22+$0xB0] =	vst v11  }
0x38: {  	[tilespmem:s22+$0xFFFFFFB0] =	vst v20;
	v20 =	vadd.s32 v0, v10;
	v15 =	vld.idx.msk [tilespmem:v15+s2+$0x0], $0xffff  }
0x39: {  	s5 =	simm.s32 $0x8;
	[tilespmem:s22+$0x30] =	vst v18;
	v18 =	vadd.s32 v5, v14;
	v23 =	vld.idx.msk [tilespmem:v23+s2+$0x0], $0xffff  }
0x3a: {  	v27 =	vadd.s32 v5, v16;
	v11 =	vmov s5;
	v19 =	vld.idx.msk [tilespmem:v19+s2+$0x0], $0xffff  }
0x3b: {  	[tilespmem:s22+$0xFFFFFF30] =	vst v22;
	v11 =	vand.u32 $0xFC, v11;
	v22 =	vld.idx.msk [tilespmem:v25+s2+$0x0], $0xffff;
	v25 =	vadd.s32 v5, v17  }
0x3c: {  	v28 =	vadd.s32 v0, v11;
	v24 =	vld.idx.msk [tilespmem:v24+s2+$0x0], $0xffff  }
0x3d: {  	v29 =	vadd.s32 v1, v12;
	v20 =	vld.idx.msk [tilespmem:v20+s2+$0x0], $0xffff;
	[tilespmem:s22+$0xC0] =	vst v15  }
0x3e: {  	v30 =	vadd.s32 v1, v9;
	[tilespmem:s22+$0xFFFFFFC0] =	vst v23;
	v18 =	vld.idx.msk [tilespmem:v18+s2+$0x0], $0xffff  }
0x3f: {  	s1 =	simm.s32 $0x6700;
	[tilespmem:s22+$0x40] =	vst v19;
	v27 =	vld.idx.msk [tilespmem:v27+s2+$0x0], $0xffff  }
0x40: {  	[tilespmem:s1+$0xFFFFFF80] =	vst v26;
	v26 =	vadd.s32 v5, v13;
	v19 =	vld.idx.msk [tilespmem:v25+s2+$0x0], $0xffff  }
0x41: {  	v23 =	vadd.s32 v1, v10;
	v15 =	vld.idx.msk [tilespmem:v28+s2+$0x0], $0xffff;
	[tilespmem:s1+$0x80] =	vst v22  }
0x42: {  	v28 =	vadd.s32 v1, v8;
	v22 =	vld.idx.msk [tilespmem:v29+s2+$0x0], $0xffff  }
0x43: {  	[tilespmem:s1+$0xFFFFFF00] =	vst v21;
	v25 =	vadd.s32 v6, v14;
	v29 =	vld.idx.msk [tilespmem:v30+s2+$0x0], $0xffff  }
0x44: {  	v21 =	vadd.s32 v2, v9;
	[tilespmem:s22+$0xFFFFFF40] =	vst v24  }
0x45: {  	[tilespmem:s1+$0x0] =	vst v20;
	v20 =	vadd.s32 v6, v16;
	v24 =	vld.idx.msk [tilespmem:v26+s2+$0x0], $0xffff  }
0x46: {  	v61 =	vadd.s32 v2, v12;
	v23 =	vld.idx.msk [tilespmem:v23+s2+$0x0], $0xffff;
	[tilespmem:s22+$0xD0] =	vst v18  }
0x47: {  	v31 =	vadd.s32 v2, v10;
	v28 =	vld.idx.msk [tilespmem:v28+s2+$0x0], $0xffff;
	[tilespmem:s22+$0xFFFFFFD0] =	vst v27  }
0x48: {  	v26 =	vadd.s32 v2, v8;
	v25 =	vld.idx.msk [tilespmem:v25+s2+$0x0], $0xffff;
	[tilespmem:s1+$0xFFFFFF90] =	vst v29  }
0x49: {  	v14 =	vadd.s32 v7, v14;
	[tilespmem:s22+$0x50] =	vst v19;
	v27 =	vld.idx.msk [tilespmem:v21+s2+$0x0], $0xffff  }
0x4a: {  	[tilespmem:s1+$0x90] =	vst v22;
	v22 =	vadd.s32 v6, v17;
	v18 =	vld.idx.msk [tilespmem:v20+s2+$0x0], $0xffff  }
0x4b: {  	v20 =	vld.idx.msk [tilespmem:v61+s2+$0x0], $0xffff;
	[tilespmem:s1+$0x10] =	vst v23;
	v23 =	vadd.s32 v6, v13  }
0x4c: {  	s30 =	simm.s32 $0x9;
	v62 =	vadd.s32 v3, v12;
	v29 =	vld.idx.msk [tilespmem:v31+s2+$0x0], $0xffff;
	[tilespmem:s1+$0xFFFFFF10] =	vst v28  }
0x4d: {  	v21 =	vmov s30;
	[tilespmem:s22+$0xE0] =	vst v25;
	v25 =	vadd.s32 v3, v9;
	v63 =	vld.idx.msk [tilespmem:v26+s2+$0x0], $0xffff  }
0x4e: {  	v32 =	vadd.s32 v3, v10;
	[tilespmem:s22+$0xFFFFFF50] =	vst v24;
	v28 =	vld.idx.msk [tilespmem:v14+s2+$0x0], $0xffff;
	v14 =	vand.u32 $0xFD, v21  }
0x4f: {  	v21 =	vld.idx.msk [tilespmem:v22+s2+$0x0], $0xffff;
	[tilespmem:s1+$0xFFFFFFA0] =	vst v27;
	v33 =	vadd.s32 v0, v14  }
0x50: {  	v27 =	vadd.s32 v3, v8;
	[tilespmem:s1+$0xA0] =	vst v20;
	v19 =	vld.idx.msk [tilespmem:v23+s2+$0x0], $0xffff  }
0x51: {  	v26 =	vadd.s32 v7, v16;
	v22 =	vld.idx.msk [tilespmem:v62+s2+$0x0], $0xffff  }
0x52: {  	v24 =	vadd.s32 v7, v17;
	[tilespmem:s1+$0x20] =	vst v29;
	v20 =	vld.idx.msk [tilespmem:v25+s2+$0x0], $0xffff  }
0x53: {  	v23 =	vadd.s32 v4, v12;
	v17 =	vld.idx.msk [tilespmem:v32+s2+$0x0], $0xffff;
	[tilespmem:s1+$0xFFFFFF20] =	vst v63  }
0x54: {  	s0 =	simm.s32 $0xB;
	s18 =	simm.s32 $0x6500;
	s21 =	simm.s32 $0xC;
	v25 =	vadd.s32 v4, v9;
	[tilespmem:s22+$0xF0] =	vst v28;
	v16 =	vld.idx.msk [tilespmem:v33+s2+$0x0], $0xffff  }
.LBB2_2:
0x55: {  	p0 =	slt.u32 s21, $0xC4;
	v28 =	vmov s0;
	v27 =	vld.idx.msk [tilespmem:v27+s2+$0x0], $0xffff;
	v29 =	vadd.s32 v4, v10;
	[tilespmem:s18+$0xFFFFFFE0] =	vst v18  }
0x56: {  	s0 =	sadd.s32 $0x2, s5;
	s5 =	smov.u32 s21;
	v18 =	vand.u32 $0xFF, v28;
	v28 =	vadd.s32 v7, v13;
	v26 =	vld.idx.msk [tilespmem:v26+s2+$0x0], $0xffff;
	[tilespmem:s18+$0x60] =	vst v21;
	v13 =	vmovc v8;
	v8 =	vmov v11  }
0x57: {  	v11 =	vmov s0;
	v21 =	vadd.s32 v0, v18;
	[tilespmem:s1+$0xB0] =	vst v22;
	v22 =	vld.idx.msk [tilespmem:v24+s2+$0x0], $0xffff  }
0x58: {  	v30 =	vand.u32 $0xFE, v11;
	v24 =	vadd.s32 v4, v13;
	[tilespmem:s1+$0xFFFFFFB0] =	vst v20;
	v20 =	vld.idx.msk [tilespmem:v23+s2+$0x0], $0xffff  }
0x59: {  	v23 =	vadd.s32 v0, v30;
	v25 =	vld.idx.msk [tilespmem:v25+s2+$0x0], $0xffff;
	[tilespmem:s1+$0x30] =	vst v17  }
0x5a: {  	v17 =	vld.idx.msk [tilespmem:v29+s2+$0x0], $0xffff;
	v29 =	vadd.s32 v5, v12;
	[tilespmem:s18+$0xFFFFFF60] =	vst v19  }
0x5b: {  	v11 =	vmov s21;
	v19 =	vadd.s32 v5, v9;
	[tilespmem:s1+$0xFFFFFF30] =	vst v27;
	v27 =	vld.idx.msk [tilespmem:v28+s2+$0x0], $0xffff  }
0x5c: {  	v11 =	vand.u32 $0xFC, v11;
	v28 =	vadd.s32 v5, v10;
	v21 =	vld.idx.msk [tilespmem:v21+s2+$0x0], $0xffff;
	[tilespmem:s18+$0xFFFFFFF0] =	vst v26  }
0x5d: {  	v26 =	vadd.s32 v0, v11;
	v24 =	vld.idx.msk [tilespmem:v24+s2+$0x0], $0xffff;
	[tilespmem:s18+$0x70] =	vst v22  }
0x5e: {  	v22 =	vld.idx.msk [tilespmem:v23+s2+$0x0], $0xffff;
	v23 =	vadd.s32 v1, v18;
	[tilespmem:s1+$0xC0] =	vst v20  }
0x5f: {  	v20 =	vadd.s32 v1, v14;
	[tilespmem:s1+$0xFFFFFFC0] =	vst v25;
	v25 =	vld.idx.msk [tilespmem:v29+s2+$0x0], $0xffff  }
0x60: {  	v29 =	vadd.s32 v1, v30;
	v19 =	vld.idx.msk [tilespmem:v19+s2+$0x0], $0xffff;
	[tilespmem:s1+$0x40] =	vst v17  }
0x61: {  	v17 =	vld.idx.msk [tilespmem:v28+s2+$0x0], $0xffff;
	v28 =	vadd.s32 v6, v12;
	[tilespmem:s18+$0xFFFFFF70] =	vst v27;
	s18 =	smov.u32 s1;
	s1 =	sadd.s32 $0x200, s1  }
0x62: {  	v27 =	vadd.s32 v1, v8;
	v26 =	vld.idx.msk [tilespmem:v26+s2+$0x0], $0xffff;
	[tilespmem:s1+$0x80] =	vst v21  }
0x63: {  	v21 =	vadd.s32 v5, v13;
	[tilespmem:s1+$0xFFFFFF80] =	vst v16;
	v16 =	vld.idx.msk [tilespmem:v23+s2+$0x0], $0xffff  }
0x64: {  	v20 =	vld.idx.msk [tilespmem:v20+s2+$0x0], $0xffff;
	[tilespmem:s1+$0x0] =	vst v22;
	v22 =	vadd.s32 v6, v9  }
0x65: {  	v23 =	vld.idx.msk [tilespmem:v29+s2+$0x0], $0xffff;
	v29 =	vadd.s32 v2, v18;
	[tilespmem:s18+$0xD0] =	vst v25  }
0x66: {  	v25 =	vadd.s32 v2, v14;
	[tilespmem:s1+$0xFFFFFF00] =	vst v15;
	v28 =	vld.idx.msk [tilespmem:v28+s2+$0x0], $0xffff  }
0x67: {  	v31 =	vadd.s32 v2, v30;
	v27 =	vld.idx.msk [tilespmem:v27+s2+$0x0], $0xffff;
	[tilespmem:s18+$0xFFFFFF40] =	vst v24  }
0x68: {  	v15 =	vmov v26;
	v21 =	vld.idx.msk [tilespmem:v21+s2+$0x0], $0xffff;
	[tilespmem:s18+$0xFFFFFFD0] =	vst v19;
	v19 =	vadd.s32 v7, v12;
	v12 =	vmov v18  }
0x69: {  	v24 =	vadd.s32 v2, v8;
	[tilespmem:s1+$0x90] =	vst v16;
	v18 =	vld.idx.msk [tilespmem:v22+s2+$0x0], $0xffff  }
0x6a: {  	[tilespmem:s1+$0xFFFFFF90] =	vst v20;
	v16 =	vld.idx.msk [tilespmem:v29+s2+$0x0], $0xffff;
	v20 =	vadd.s32 v6, v10  }
0x6b: {  	v22 =	vld.idx.msk [tilespmem:v25+s2+$0x0], $0xffff;
	[tilespmem:s1+$0x10] =	vst v23;
	v23 =	vadd.s32 v6, v13  }
0x6c: {  	s0 =	sadd.s32 $0x1, s21;
	v26 =	vadd.s32 v3, v12;
	v25 =	vld.idx.msk [tilespmem:v31+s2+$0x0], $0xffff;
	[tilespmem:s18+$0xE0] =	vst v28  }
0x6d: {  	v29 =	vadd.s32 v3, v14;
	v28 =	vmov s0;
	[tilespmem:s1+$0xFFFFFF10] =	vst v27;
	v31 =	vld.idx.msk [tilespmem:v19+s2+$0x0], $0xffff  }
0x6e: {  	v33 =	vadd.s32 v3, v30;
	v28 =	vand.u32 $0xFD, v28;
	v32 =	vld.idx.msk [tilespmem:v24+s2+$0x0], $0xffff;
	[tilespmem:s18+$0x50] =	vst v17  }
0x6f: {  	v34 =	vadd.s32 v0, v28;
	[tilespmem:s18+$0xFFFFFF50] =	vst v21;
	v21 =	vld.idx.msk [tilespmem:v20+s2+$0x0], $0xffff  }
.Ltmp0:
0x70: {  	v27 =	vadd.s32 v3, v8;
	[tilespmem:s1+$0xA0] =	vst v16;
	v19 =	vld.idx.msk [tilespmem:v23+s2+$0x0], $0xffff;
	(pc) =	sbr.rel @p0 .LBB2_2-.Ltmp0, $4  }
0x71: {  	[tilespmem:s1+$0xFFFFFFA0] =	vst v22;
	v22 =	vld.idx.msk [tilespmem:v26+s2+$0x0], $0xffff;
	v26 =	vadd.s32 v7, v9;
	v9 =	vmov v14;
	v14 =	vmov v28  }
0x72: {  	v24 =	vadd.s32 v7, v10;
	v10 =	vmov v30;
	v20 =	vld.idx.msk [tilespmem:v29+s2+$0x0], $0xffff;
	[tilespmem:s1+$0x20] =	vst v25  }
0x73: {  	v23 =	vadd.s32 v4, v12;
	v17 =	vld.idx.msk [tilespmem:v33+s2+$0x0], $0xffff;
	[tilespmem:s18+$0xF0] =	vst v31  }
0x74: {  	s21 =	sadd.s32 $0x4, s21;
	s0 =	sadd.s32 $0x3, s5;
	v25 =	vadd.s32 v4, v9;
	v16 =	vld.idx.msk [tilespmem:v34+s2+$0x0], $0xffff;
	[tilespmem:s1+$0xFFFFFF20] =	vst v32  }
0x75: {  	_ = 	snop  }
0x76: {  	[tilespmem:s18+$0xFFFFFFE0] =	vst v18  }
0x77: {  	[tilespmem:s18+$0x60] =	vst v21  }
0x78: {  	[tilespmem:s18+$0xFFFFFF60] =	vst v19  }
0x79: {  	v28 =	vmov s0;
	v35 =	vld.idx.msk [tilespmem:v27+s2+$0x0], $0xffff;
	v36 =	vadd.s32 v4, v10;
	s30 =	sadd.s32 $0x2, s5;
	s0 =	sadd.s32 $0x200, s1;
	[tilespmem:s1+$0xB0] =	vst v22  }
0x7a: {  	v13 =	vadd.s32 v7, v13;
	v28 =	vand.u32 $0xFF, v28;
	v37 =	vld.idx.msk [tilespmem:v26+s2+$0x0], $0xffff;
	v38 =	vmov s30;
	[tilespmem:s0+$0xFFFFFF00] =	vst v15  }
0x7b: {  	v39 =	vld.idx.msk [tilespmem:v24+s2+$0x0], $0xffff;
	v29 =	vadd.s32 v0, v28;
	v24 =	vand.u32 $0xFE, v38;
	[tilespmem:s1+$0xFFFFFFB0] =	vst v20  }
0x7c: {  	v40 =	vld.idx.msk [tilespmem:v23+s2+$0x0], $0xffff;
	v41 =	vadd.s32 v0, v24;
	[tilespmem:s1+$0x30] =	vst v17  }
0x7d: {  	v48 =	vadd.s32 v1, v14;
	v42 =	vld.idx.msk [tilespmem:v25+s2+$0x0], $0xffff;
	[tilespmem:s0+$0xFFFFFF80] =	vst v16  }
0x7e: {  	v50 =	vadd.s32 v1, v11;
	v43 =	vld.idx.msk [tilespmem:v36+s2+$0x0], $0xffff;
	[tilespmem:s1+$0xFFFFFF30] =	vst v35  }
0x7f: {  	v51 =	vadd.s32 v4, v8;
	v13 =	vld.idx.msk [tilespmem:v13+s2+$0x0], $0xffff;
	[tilespmem:s18+$0xFFFFFFF0] =	vst v37  }
0x80: {  	v44 =	vadd.s32 v5, v12;
	[tilespmem:s18+$0x70] =	vst v39;
	v45 =	vld.idx.msk [tilespmem:v29+s2+$0x0], $0xffff  }
0x81: {  	v46 =	vadd.s32 v1, v28;
	[tilespmem:s1+$0xC0] =	vst v40;
	v47 =	vld.idx.msk [tilespmem:v41+s2+$0x0], $0xffff  }
0x82: {  	v49 =	vadd.s32 v1, v24;
	v20 =	vld.idx.msk [tilespmem:v48+s2+$0x0], $0xffff;
	[tilespmem:s1+$0xFFFFFFC0] =	vst v42  }
0x83: {  	v52 =	vadd.s32 v5, v9;
	v56 =	vld.idx.msk [tilespmem:v50+s2+$0x0], $0xffff;
	[tilespmem:s1+$0x40] =	vst v43  }
0x84: {  	v55 =	vadd.s32 v2, v14;
	v58 =	vld.idx.msk [tilespmem:v51+s2+$0x0], $0xffff;
	[tilespmem:s18+$0xFFFFFF70] =	vst v13  }
0x85: {  	v62 =	vadd.s32 v5, v10;
	v18 =	vld.idx.msk [tilespmem:v44+s2+$0x0], $0xffff;
	[tilespmem:s0+$0x80] =	vst v45  }
0x86: {  	v59 =	vadd.s32 v2, v11;
	v53 =	vld.idx.msk [tilespmem:v46+s2+$0x0], $0xffff;
	[tilespmem:s0+$0x0] =	vst v47  }
0x87: {  	v54 =	vadd.s32 v2, v28;
	[tilespmem:s0+$0xFFFFFF90] =	vst v20;
	v17 =	vld.idx.msk [tilespmem:v49+s2+$0x0], $0xffff  }
0x88: {  	v57 =	vadd.s32 v2, v24;
	v60 =	vld.idx.msk [tilespmem:v52+s2+$0x0], $0xffff;
	[tilespmem:s0+$0xFFFFFF10] =	vst v56  }
0x89: {  	v34 =	vadd.s32 v5, v8;
	v15 =	vld.idx.msk [tilespmem:v55+s2+$0x0], $0xffff;
	[tilespmem:s1+$0xFFFFFF40] =	vst v58  }
0x8a: {  	v61 =	vadd.s32 v6, v12;
	v16 =	vld.idx.msk [tilespmem:v62+s2+$0x0], $0xffff;
	[tilespmem:s1+$0xD0] =	vst v18  }
0x8b: {  	v30 =	vadd.s32 v3, v14;
	v18 =	vld.idx.msk [tilespmem:v59+s2+$0x0], $0xffff;
	[tilespmem:s0+$0x90] =	vst v53  }
0x8c: {  	v33 =	vadd.s32 v3, v11;
	v63 =	vld.idx.msk [tilespmem:v54+s2+$0x0], $0xffff;
	[tilespmem:s0+$0x10] =	vst v17  }
0x8d: {  	v29 =	vadd.s32 v3, v28;
	[tilespmem:s1+$0xFFFFFFD0] =	vst v60;
	v19 =	vld.idx.msk [tilespmem:v57+s2+$0x0], $0xffff  }
0x8e: {  	v31 =	vadd.s32 v3, v24;
	v41 =	vld.idx.msk [tilespmem:v34+s2+$0x0], $0xffff;
	[tilespmem:s0+$0xFFFFFFA0] =	vst v15  }
0x8f: {  	v43 =	vadd.s32 v6, v9;
	v32 =	vld.idx.msk [tilespmem:v61+s2+$0x0], $0xffff;
	[tilespmem:s1+$0x50] =	vst v16  }
0x90: {  	v35 =	vadd.s32 v7, v12;
	v13 =	vld.idx.msk [tilespmem:v30+s2+$0x0], $0xffff;
	[tilespmem:s0+$0xFFFFFF20] =	vst v18  }
0x91: {  	v38 =	vadd.s32 v4, v14;
	v39 =	vld.idx.msk [tilespmem:v33+s2+$0x0], $0xffff;
	[tilespmem:s0+$0xA0] =	vst v63  }
0x92: {  	v42 =	vadd.s32 v4, v11;
	v36 =	vld.idx.msk [tilespmem:v29+s2+$0x0], $0xffff;
	[tilespmem:s0+$0x20] =	vst v19  }
0x93: {  	v37 =	vadd.s32 v4, v28;
	[tilespmem:s1+$0xFFFFFF50] =	vst v41;
	v19 =	vld.idx.msk [tilespmem:v31+s2+$0x0], $0xffff  }
0x94: {  	v40 =	vadd.s32 v4, v24;
	v50 =	vld.idx.msk [tilespmem:v43+s2+$0x0], $0xffff;
	[tilespmem:s1+$0xE0] =	vst v32  }
0x95: {  	v44 =	vadd.s32 v6, v10;
	v12 =	vld.idx.msk [tilespmem:v35+s2+$0x0], $0xffff;
	[tilespmem:s0+$0xFFFFFFB0] =	vst v13  }
0x96: {  	v9 =	vadd.s32 v7, v9;
	v46 =	vld.idx.msk [tilespmem:v38+s2+$0x0], $0xffff;
	[tilespmem:s0+$0xFFFFFF30] =	vst v39  }
0x97: {  	v48 =	vadd.s32 v5, v14;
	v16 =	vld.idx.msk [tilespmem:v42+s2+$0x0], $0xffff;
	[tilespmem:s0+$0xB0] =	vst v36  }
0x98: {  	v51 =	vadd.s32 v5, v11;
	v45 =	vld.idx.msk [tilespmem:v37+s2+$0x0], $0xffff;
	[tilespmem:s0+$0x30] =	vst v19  }
0x99: {  	v47 =	vadd.s32 v5, v28;
	[tilespmem:s1+$0xFFFFFFE0] =	vst v50;
	v19 =	vld.idx.msk [tilespmem:v40+s2+$0x0], $0xffff  }
0x9a: {  	v49 =	vadd.s32 v5, v24;
	v15 =	vld.idx.msk [tilespmem:v44+s2+$0x0], $0xffff;
	[tilespmem:s1+$0xF0] =	vst v12  }
0x9b: {  	v9 =	vld.idx.msk [tilespmem:v9+s2+$0x0], $0xffff;
	[tilespmem:s0+$0xFFFFFFC0] =	vst v46  }
0x9c: {  	v52 =	vadd.s32 v6, v8;
	v17 =	vld.idx.msk [tilespmem:v48+s2+$0x0], $0xffff;
	[tilespmem:s0+$0xFFFFFF40] =	vst v16  }
0x9d: {  	v54 =	vadd.s32 v6, v14;
	v12 =	vld.idx.msk [tilespmem:v51+s2+$0x0], $0xffff;
	[tilespmem:s0+$0xC0] =	vst v45  }
0x9e: {  	v57 =	vadd.s32 v6, v11;
	v13 =	vld.idx.msk [tilespmem:v47+s2+$0x0], $0xffff;
	[tilespmem:s0+$0x40] =	vst v19  }
0x9f: {  	v53 =	vadd.s32 v6, v28;
	[tilespmem:s1+$0x60] =	vst v15;
	v19 =	vld.idx.msk [tilespmem:v49+s2+$0x0], $0xffff  }
0xa0: {  	v55 =	vadd.s32 v6, v24;
	[tilespmem:s1+$0xFFFFFFF0] =	vst v9  }
0xa1: {  	v10 =	vadd.s32 v7, v10;
	v56 =	vld.idx.msk [tilespmem:v52+s2+$0x0], $0xffff;
	[tilespmem:s0+$0xFFFFFFD0] =	vst v17  }
0xa2: {  	v8 =	vadd.s32 v7, v8;
	v59 =	vld.idx.msk [tilespmem:v54+s2+$0x0], $0xffff;
	[tilespmem:s0+$0xFFFFFF50] =	vst v12  }
0xa3: {  	v61 =	vadd.s32 v7, v14;
	v15 =	vld.idx.msk [tilespmem:v57+s2+$0x0], $0xffff;
	[tilespmem:s0+$0xD0] =	vst v13  }
0xa4: {  	v9 =	vadd.s32 v7, v11;
	v13 =	vld.idx.msk [tilespmem:v53+s2+$0x0], $0xffff;
	[tilespmem:s0+$0x50] =	vst v19  }
0xa5: {  	v58 =	vadd.s32 v7, v28;
	v60 =	vld.idx.msk [tilespmem:v55+s2+$0x0], $0xffff  }
0xa6: {  	v62 =	vadd.s32 v7, v24;
	[tilespmem:s1+$0xFFFFFF60] =	vst v56;
	v10 =	vld.idx.msk [tilespmem:v10+s2+$0x0], $0xffff  }
0xa7: {  	v8 =	vld.idx.msk [tilespmem:v8+s2+$0x0], $0xffff;
	[tilespmem:s0+$0xFFFFFFE0] =	vst v59  }
0xa8: {  	v63 =	vld.idx.msk [tilespmem:v61+s2+$0x0], $0xffff;
	[tilespmem:s0+$0xFFFFFF60] =	vst v15  }
0xa9: {  	v9 =	vld.idx.msk [tilespmem:v9+s2+$0x0], $0xffff;
	[tilespmem:s0+$0xE0] =	vst v13  }
0xaa: {  	v11 =	vld.idx.msk [tilespmem:v58+s2+$0x0], $0xffff;
	[tilespmem:s0+$0x60] =	vst v60  }
0xab: {  	[tilespmem:s1+$0x70] =	vst v10;
	v12 =	vld.idx.msk [tilespmem:v62+s2+$0x0], $0xffff  }
0xac: {  	[tilespmem:s1+$0xFFFFFF70] =	vst v8  }
0xad: {  	[tilespmem:s0+$0xFFFFFFF0] =	vst v63  }
0xae: {  	[tilespmem:s0+$0xFFFFFF70] =	vst v9  }
0xaf: {  	[tilespmem:s0+$0xF0] =	vst v11  }
0xb0: {  	s1 =	simm.s32 $0xFA00;
	[tilespmem:s0+$0x70] =	vst v12  }
0xb1: {  	[tilespmem:s1], [sflag:$0x1] =	stream.indirect.gather [hbm4b:s3+s19], $0x40, s20, s19, $0xb8;
	[tilespmem:$0x1FA00] =	vst v63  }
0xb2: {  	s18 =	simm.s32 $0x6480  }
0xb3: {  	[tilespmem:s25], [sflag:$0x2] =	stream.indirect.gather [hbm4b:s3+s19], $0x40, s18, s19, $0xb8;
	[tilespmem:$0x1FA00] =	vst v63  }
0xb4: {  	s21 =	simm.s32 $0x13A00  }
0xb5: {  	[tilespmem:s21], [sflag:$0x3] =	stream.indirect.gather [hbm4b:s3+s19], $0x40, s22, s19, $0xb8;
	[tilespmem:$0x1FA00] =	vst v63  }
0xb6: {  	s28 =	simm.s32 $0x15A00;
	s30 =	simm.s32 $0x1;
	s22 =	simm.s32 $0x6580  }
0xb7: {  	[tilespmem:s28], [sflag:$0x4] =	stream.indirect.gather [hbm4b:s3+s19], $0x40, s22, s19, $0xb8;
	[tilespmem:$0x1FA00] =	vst v63  }
0xb8: {  	_ =	swait.ge [sflag:s30], $0x2000  }
0xb9: {  	[sflag:s30] =	ssyncset.done $0x0  }
0xba: {  	[sflag:s30] =	ssyncadd.s32 $0xFFFFE000  }
0xbb: {  	v8 =	vld [tilespmem:$0xC800]  }
0xbc: {  	v9 =	vld [tilespmem:$0xC830]  }
0xbd: {  	v11 =	vld [tilespmem:$0xC820]  }
0xbe: {  	v10 =	vld [tilespmem:$0xC810];
	_ =	sdelay $0x1  }
0xbf: {  	[tilespmem:s1+$0x0] =	vst.add.f32.msk $0xffff, v8  }
0xc0: {  	[tilespmem:s1+$0x1F0] =	vst.add.f32.msk $0xffff, v9  }
0xc1: {  	[tilespmem:s1+$0x1E0] =	vst.add.f32.msk $0xffff, v11  }
0xc2: {  	[tilespmem:s1+$0x1D0] =	vst.add.f32.msk $0xffff, v10  }
0xc3: {  	[tilespmem:s1+$0x1C0] =	vst.add.f32.msk $0xffff, v8  }
0xc4: {  	[tilespmem:s1+$0x1B0] =	vst.add.f32.msk $0xffff, v9  }
0xc5: {  	[tilespmem:s1+$0x1A0] =	vst.add.f32.msk $0xffff, v11  }
0xc6: {  	[tilespmem:s1+$0x190] =	vst.add.f32.msk $0xffff, v10  }
0xc7: {  	[tilespmem:s1+$0x180] =	vst.add.f32.msk $0xffff, v8  }
0xc8: {  	[tilespmem:s1+$0x170] =	vst.add.f32.msk $0xffff, v9  }
0xc9: {  	[tilespmem:s1+$0x160] =	vst.add.f32.msk $0xffff, v11  }
0xca: {  	[tilespmem:s1+$0x150] =	vst.add.f32.msk $0xffff, v10  }
0xcb: {  	[tilespmem:s1+$0x140] =	vst.add.f32.msk $0xffff, v8  }
0xcc: {  	[tilespmem:s1+$0x130] =	vst.add.f32.msk $0xffff, v9  }
0xcd: {  	[tilespmem:s1+$0x120] =	vst.add.f32.msk $0xffff, v11  }
0xce: {  	[tilespmem:s1+$0x110] =	vst.add.f32.msk $0xffff, v10  }
0xcf: {  	[tilespmem:s1+$0x100] =	vst.add.f32.msk $0xffff, v8  }
0xd0: {  	[tilespmem:s1+$0xF0] =	vst.add.f32.msk $0xffff, v9  }
0xd1: {  	[tilespmem:s1+$0xE0] =	vst.add.f32.msk $0xffff, v11  }
0xd2: {  	[tilespmem:s1+$0xD0] =	vst.add.f32.msk $0xffff, v10  }
0xd3: {  	[tilespmem:s1+$0xC0] =	vst.add.f32.msk $0xffff, v8  }
0xd4: {  	[tilespmem:s1+$0xB0] =	vst.add.f32.msk $0xffff, v9  }
0xd5: {  	[tilespmem:s1+$0xA0] =	vst.add.f32.msk $0xffff, v11  }
0xd6: {  	[tilespmem:s1+$0x90] =	vst.add.f32.msk $0xffff, v10  }
0xd7: {  	[tilespmem:s1+$0x80] =	vst.add.f32.msk $0xffff, v8  }
0xd8: {  	[tilespmem:s1+$0x70] =	vst.add.f32.msk $0xffff, v9  }
0xd9: {  	[tilespmem:s1+$0x60] =	vst.add.f32.msk $0xffff, v11  }
0xda: {  	[tilespmem:s1+$0x50] =	vst.add.f32.msk $0xffff, v10  }
0xdb: {  	[tilespmem:s1+$0x40] =	vst.add.f32.msk $0xffff, v8  }
0xdc: {  	[tilespmem:s1+$0x30] =	vst.add.f32.msk $0xffff, v9  }
0xdd: {  	s0 =	simm.s32 $0x0;
	[tilespmem:s1+$0x20] =	vst.add.f32.msk $0xffff, v11  }
.LBB2_4:
0xde: {  	s0 =	sadd.s32 $0x8, s0;
	[tilespmem:s1+$0x10] =	vst.add.f32.msk $0xffff, v10;
	s1 =	sadd.s32 $0x200, s1  }
0xdf: {  	[tilespmem:s1+$0x0] =	vst.add.f32.msk $0xffff, v8;
	p0 =	slt.u32 s0, $0x78  }
0xe0: {  	[tilespmem:s1+$0x1F0] =	vst.add.f32.msk $0xffff, v9  }
0xe1: {  	[tilespmem:s1+$0x1E0] =	vst.add.f32.msk $0xffff, v11  }
0xe2: {  	[tilespmem:s1+$0x1D0] =	vst.add.f32.msk $0xffff, v10  }
0xe3: {  	[tilespmem:s1+$0x1C0] =	vst.add.f32.msk $0xffff, v8  }
0xe4: {  	[tilespmem:s1+$0x1B0] =	vst.add.f32.msk $0xffff, v9  }
0xe5: {  	[tilespmem:s1+$0x1A0] =	vst.add.f32.msk $0xffff, v11  }
0xe6: {  	[tilespmem:s1+$0x190] =	vst.add.f32.msk $0xffff, v10  }
0xe7: {  	[tilespmem:s1+$0x180] =	vst.add.f32.msk $0xffff, v8  }
0xe8: {  	[tilespmem:s1+$0x170] =	vst.add.f32.msk $0xffff, v9  }
0xe9: {  	[tilespmem:s1+$0x160] =	vst.add.f32.msk $0xffff, v11  }
0xea: {  	[tilespmem:s1+$0x150] =	vst.add.f32.msk $0xffff, v10  }
0xeb: {  	[tilespmem:s1+$0x140] =	vst.add.f32.msk $0xffff, v8  }
0xec: {  	[tilespmem:s1+$0x130] =	vst.add.f32.msk $0xffff, v9  }
0xed: {  	[tilespmem:s1+$0x120] =	vst.add.f32.msk $0xffff, v11  }
0xee: {  	[tilespmem:s1+$0x110] =	vst.add.f32.msk $0xffff, v10  }
0xef: {  	[tilespmem:s1+$0x100] =	vst.add.f32.msk $0xffff, v8  }
0xf0: {  	[tilespmem:s1+$0xF0] =	vst.add.f32.msk $0xffff, v9  }
0xf1: {  	[tilespmem:s1+$0xE0] =	vst.add.f32.msk $0xffff, v11  }
0xf2: {  	[tilespmem:s1+$0xD0] =	vst.add.f32.msk $0xffff, v10  }
0xf3: {  	[tilespmem:s1+$0xC0] =	vst.add.f32.msk $0xffff, v8  }
0xf4: {  	[tilespmem:s1+$0xB0] =	vst.add.f32.msk $0xffff, v9  }
0xf5: {  	[tilespmem:s1+$0xA0] =	vst.add.f32.msk $0xffff, v11  }
0xf6: {  	[tilespmem:s1+$0x90] =	vst.add.f32.msk $0xffff, v10  }
0xf7: {  	[tilespmem:s1+$0x80] =	vst.add.f32.msk $0xffff, v8  }
0xf8: {  	[tilespmem:s1+$0x70] =	vst.add.f32.msk $0xffff, v9  }
.Ltmp1:
0xf9: {  	[tilespmem:s1+$0x60] =	vst.add.f32.msk $0xffff, v11;
	(pc) =	sbr.rel @p0 .LBB2_4-.Ltmp1, $4  }
0xfa: {  	[tilespmem:s1+$0x50] =	vst.add.f32.msk $0xffff, v10  }
0xfb: {  	[tilespmem:s1+$0x40] =	vst.add.f32.msk $0xffff, v8  }
0xfc: {  	[tilespmem:s1+$0x30] =	vst.add.f32.msk $0xffff, v9  }
0xfd: {  	[tilespmem:s1+$0x20] =	vst.add.f32.msk $0xffff, v11  }
0xfe: {  	[tilespmem:s1+$0x10] =	vst.add.f32.msk $0xffff, v10  }
0xff: {  	s22 =	simm.s32 $0xFA00;
	s0 =	rddreg [dreg:$0x4]  }
0x100: {  	[hbm4b:s0+s29] =	stream.strided.scatter [tilespmem:s22], [sflag:$0x9], $0x2000, s20, s29, $0x38;
	[tilespmem:$0x1FA00] =	vst v63  }
0x101: {  	s28 =	simm.s32 $0x6600;
	s30 =	simm.s32 $0x2  }
0x102: {  	[tilespmem:s24], [sflag:$0x5] =	stream.indirect.gather [hbm4b:s3+s19], $0x40, s28, s19, $0xb8;
	[tilespmem:$0x1FA00] =	vst v63  }
0x103: {  	_ =	swait.ge [sflag:s30], $0x2000  }
0x104: {  	[sflag:s30] =	ssyncset.done $0x0  }
0x105: {  	[sflag:s30] =	ssyncadd.s32 $0xFFFFE000  }
0x106: {  	v8 =	vld [tilespmem:$0xC840]  }
0x107: {  	v9 =	vld [tilespmem:$0xC870]  }
0x108: {  	v11 =	vld [tilespmem:$0xC860]  }
0x109: {  	v10 =	vld [tilespmem:$0xC850]  }
0x10a: {  	s0 =	simm.s32 $0x11A00  }
0x10b: {  	[tilespmem:s0+$0x0] =	vst.add.f32.msk $0xffff, v8  }
0x10c: {  	[tilespmem:s0+$0x1F0] =	vst.add.f32.msk $0xffff, v9  }
0x10d: {  	[tilespmem:s0+$0x1E0] =	vst.add.f32.msk $0xffff, v11  }
0x10e: {  	[tilespmem:s0+$0x1D0] =	vst.add.f32.msk $0xffff, v10  }
0x10f: {  	[tilespmem:s0+$0x1C0] =	vst.add.f32.msk $0xffff, v8  }
0x110: {  	[tilespmem:s0+$0x1B0] =	vst.add.f32.msk $0xffff, v9  }
0x111: {  	[tilespmem:s0+$0x1A0] =	vst.add.f32.msk $0xffff, v11  }
0x112: {  	[tilespmem:s0+$0x190] =	vst.add.f32.msk $0xffff, v10  }
0x113: {  	[tilespmem:s0+$0x180] =	vst.add.f32.msk $0xffff, v8  }
0x114: {  	[tilespmem:s0+$0x170] =	vst.add.f32.msk $0xffff, v9  }
0x115: {  	[tilespmem:s0+$0x160] =	vst.add.f32.msk $0xffff, v11  }
0x116: {  	[tilespmem:s0+$0x150] =	vst.add.f32.msk $0xffff, v10  }
0x117: {  	[tilespmem:s0+$0x140] =	vst.add.f32.msk $0xffff, v8  }
0x118: {  	[tilespmem:s0+$0x130] =	vst.add.f32.msk $0xffff, v9  }
0x119: {  	[tilespmem:s0+$0x120] =	vst.add.f32.msk $0xffff, v11  }
0x11a: {  	[tilespmem:s0+$0x110] =	vst.add.f32.msk $0xffff, v10  }
0x11b: {  	[tilespmem:s0+$0x100] =	vst.add.f32.msk $0xffff, v8  }
0x11c: {  	[tilespmem:s0+$0xF0] =	vst.add.f32.msk $0xffff, v9  }
0x11d: {  	[tilespmem:s0+$0xE0] =	vst.add.f32.msk $0xffff, v11  }
0x11e: {  	[tilespmem:s0+$0xD0] =	vst.add.f32.msk $0xffff, v10  }
0x11f: {  	[tilespmem:s0+$0xC0] =	vst.add.f32.msk $0xffff, v8  }
0x120: {  	[tilespmem:s0+$0xB0] =	vst.add.f32.msk $0xffff, v9  }
0x121: {  	[tilespmem:s0+$0xA0] =	vst.add.f32.msk $0xffff, v11  }
0x122: {  	[tilespmem:s0+$0x90] =	vst.add.f32.msk $0xffff, v10  }
0x123: {  	[tilespmem:s0+$0x80] =	vst.add.f32.msk $0xffff, v8  }
0x124: {  	[tilespmem:s0+$0x70] =	vst.add.f32.msk $0xffff, v9  }
0x125: {  	[tilespmem:s0+$0x60] =	vst.add.f32.msk $0xffff, v11  }
0x126: {  	[tilespmem:s0+$0x50] =	vst.add.f32.msk $0xffff, v10  }
0x127: {  	[tilespmem:s0+$0x40] =	vst.add.f32.msk $0xffff, v8  }
0x128: {  	[tilespmem:s0+$0x30] =	vst.add.f32.msk $0xffff, v9  }
0x129: {  	s1 =	simm.s32 $0x0;
	[tilespmem:s0+$0x20] =	vst.add.f32.msk $0xffff, v11  }
.LBB2_6:
0x12a: {  	s1 =	sadd.s32 $0x8, s1;
	[tilespmem:s0+$0x10] =	vst.add.f32.msk $0xffff, v10;
	s0 =	sadd.s32 $0x200, s0  }
0x12b: {  	[tilespmem:s0+$0x0] =	vst.add.f32.msk $0xffff, v8;
	p0 =	slt.u32 s1, $0x78  }
0x12c: {  	[tilespmem:s0+$0x1F0] =	vst.add.f32.msk $0xffff, v9  }
0x12d: {  	[tilespmem:s0+$0x1E0] =	vst.add.f32.msk $0xffff, v11  }
0x12e: {  	[tilespmem:s0+$0x1D0] =	vst.add.f32.msk $0xffff, v10  }
0x12f: {  	[tilespmem:s0+$0x1C0] =	vst.add.f32.msk $0xffff, v8  }
0x130: {  	[tilespmem:s0+$0x1B0] =	vst.add.f32.msk $0xffff, v9  }
0x131: {  	[tilespmem:s0+$0x1A0] =	vst.add.f32.msk $0xffff, v11  }
0x132: {  	[tilespmem:s0+$0x190] =	vst.add.f32.msk $0xffff, v10  }
0x133: {  	[tilespmem:s0+$0x180] =	vst.add.f32.msk $0xffff, v8  }
0x134: {  	[tilespmem:s0+$0x170] =	vst.add.f32.msk $0xffff, v9  }
0x135: {  	[tilespmem:s0+$0x160] =	vst.add.f32.msk $0xffff, v11  }
0x136: {  	[tilespmem:s0+$0x150] =	vst.add.f32.msk $0xffff, v10  }
0x137: {  	[tilespmem:s0+$0x140] =	vst.add.f32.msk $0xffff, v8  }
0x138: {  	[tilespmem:s0+$0x130] =	vst.add.f32.msk $0xffff, v9  }
0x139: {  	[tilespmem:s0+$0x120] =	vst.add.f32.msk $0xffff, v11  }
0x13a: {  	[tilespmem:s0+$0x110] =	vst.add.f32.msk $0xffff, v10  }
0x13b: {  	[tilespmem:s0+$0x100] =	vst.add.f32.msk $0xffff, v8  }
0x13c: {  	[tilespmem:s0+$0xF0] =	vst.add.f32.msk $0xffff, v9  }
0x13d: {  	[tilespmem:s0+$0xE0] =	vst.add.f32.msk $0xffff, v11  }
0x13e: {  	[tilespmem:s0+$0xD0] =	vst.add.f32.msk $0xffff, v10  }
0x13f: {  	[tilespmem:s0+$0xC0] =	vst.add.f32.msk $0xffff, v8  }
0x140: {  	[tilespmem:s0+$0xB0] =	vst.add.f32.msk $0xffff, v9  }
0x141: {  	[tilespmem:s0+$0xA0] =	vst.add.f32.msk $0xffff, v11  }
0x142: {  	[tilespmem:s0+$0x90] =	vst.add.f32.msk $0xffff, v10  }
0x143: {  	[tilespmem:s0+$0x80] =	vst.add.f32.msk $0xffff, v8  }
0x144: {  	[tilespmem:s0+$0x70] =	vst.add.f32.msk $0xffff, v9  }
.Ltmp2:
0x145: {  	[tilespmem:s0+$0x60] =	vst.add.f32.msk $0xffff, v11;
	(pc) =	sbr.rel @p0 .LBB2_6-.Ltmp2, $4  }
0x146: {  	[tilespmem:s0+$0x50] =	vst.add.f32.msk $0xffff, v10  }
0x147: {  	[tilespmem:s0+$0x40] =	vst.add.f32.msk $0xffff, v8  }
0x148: {  	[tilespmem:s0+$0x30] =	vst.add.f32.msk $0xffff, v9  }
0x149: {  	[tilespmem:s0+$0x20] =	vst.add.f32.msk $0xffff, v11  }
0x14a: {  	[tilespmem:s0+$0x10] =	vst.add.f32.msk $0xffff, v10  }
0x14b: {  	s0 =	rddreg [dreg:$0x5]  }
0x14c: {  	[hbm4b:s0+s29] =	stream.strided.scatter [tilespmem:s25], [sflag:$0xA], $0x2000, s20, s29, $0x38;
	[tilespmem:$0x1FA00] =	vst v63  }
0x14d: {  	s28 =	simm.s32 $0x6680;
	s30 =	simm.s32 $0x3  }
0x14e: {  	[tilespmem:s26], [sflag:$0x6] =	stream.indirect.gather [hbm4b:s3+s19], $0x40, s28, s19, $0xb8;
	[tilespmem:$0x1FA00] =	vst v63  }
0x14f: {  	_ =	swait.ge [sflag:s30], $0x2000  }
0x150: {  	[sflag:s30] =	ssyncset.done $0x0  }
0x151: {  	[sflag:s30] =	ssyncadd.s32 $0xFFFFE000  }
0x152: {  	v8 =	vld [tilespmem:$0xC880]  }
0x153: {  	v9 =	vld [tilespmem:$0xC8B0]  }
0x154: {  	v11 =	vld [tilespmem:$0xC8A0]  }
0x155: {  	v10 =	vld [tilespmem:$0xC890]  }
0x156: {  	s0 =	simm.s32 $0x13A00  }
0x157: {  	[tilespmem:s0+$0x0] =	vst.add.f32.msk $0xffff, v8  }
0x158: {  	[tilespmem:s0+$0x1F0] =	vst.add.f32.msk $0xffff, v9  }
0x159: {  	[tilespmem:s0+$0x1E0] =	vst.add.f32.msk $0xffff, v11  }
0x15a: {  	[tilespmem:s0+$0x1D0] =	vst.add.f32.msk $0xffff, v10  }
0x15b: {  	[tilespmem:s0+$0x1C0] =	vst.add.f32.msk $0xffff, v8  }
0x15c: {  	[tilespmem:s0+$0x1B0] =	vst.add.f32.msk $0xffff, v9  }
0x15d: {  	[tilespmem:s0+$0x1A0] =	vst.add.f32.msk $0xffff, v11  }
0x15e: {  	[tilespmem:s0+$0x190] =	vst.add.f32.msk $0xffff, v10  }
0x15f: {  	[tilespmem:s0+$0x180] =	vst.add.f32.msk $0xffff, v8  }
0x160: {  	[tilespmem:s0+$0x170] =	vst.add.f32.msk $0xffff, v9  }
0x161: {  	[tilespmem:s0+$0x160] =	vst.add.f32.msk $0xffff, v11  }
0x162: {  	[tilespmem:s0+$0x150] =	vst.add.f32.msk $0xffff, v10  }
0x163: {  	[tilespmem:s0+$0x140] =	vst.add.f32.msk $0xffff, v8  }
0x164: {  	[tilespmem:s0+$0x130] =	vst.add.f32.msk $0xffff, v9  }
0x165: {  	[tilespmem:s0+$0x120] =	vst.add.f32.msk $0xffff, v11  }
0x166: {  	[tilespmem:s0+$0x110] =	vst.add.f32.msk $0xffff, v10  }
0x167: {  	[tilespmem:s0+$0x100] =	vst.add.f32.msk $0xffff, v8  }
0x168: {  	[tilespmem:s0+$0xF0] =	vst.add.f32.msk $0xffff, v9  }
0x169: {  	[tilespmem:s0+$0xE0] =	vst.add.f32.msk $0xffff, v11  }
0x16a: {  	[tilespmem:s0+$0xD0] =	vst.add.f32.msk $0xffff, v10  }
0x16b: {  	[tilespmem:s0+$0xC0] =	vst.add.f32.msk $0xffff, v8  }
0x16c: {  	[tilespmem:s0+$0xB0] =	vst.add.f32.msk $0xffff, v9  }
0x16d: {  	[tilespmem:s0+$0xA0] =	vst.add.f32.msk $0xffff, v11  }
0x16e: {  	[tilespmem:s0+$0x90] =	vst.add.f32.msk $0xffff, v10  }
0x16f: {  	[tilespmem:s0+$0x80] =	vst.add.f32.msk $0xffff, v8  }
0x170: {  	[tilespmem:s0+$0x70] =	vst.add.f32.msk $0xffff, v9  }
0x171: {  	[tilespmem:s0+$0x60] =	vst.add.f32.msk $0xffff, v11  }
0x172: {  	[tilespmem:s0+$0x50] =	vst.add.f32.msk $0xffff, v10  }
0x173: {  	[tilespmem:s0+$0x40] =	vst.add.f32.msk $0xffff, v8  }
0x174: {  	[tilespmem:s0+$0x30] =	vst.add.f32.msk $0xffff, v9  }
0x175: {  	s1 =	simm.s32 $0x0;
	[tilespmem:s0+$0x20] =	vst.add.f32.msk $0xffff, v11  }
.LBB2_8:
0x176: {  	s1 =	sadd.s32 $0x8, s1;
	[tilespmem:s0+$0x10] =	vst.add.f32.msk $0xffff, v10;
	s0 =	sadd.s32 $0x200, s0  }
0x177: {  	[tilespmem:s0+$0x0] =	vst.add.f32.msk $0xffff, v8;
	p0 =	slt.u32 s1, $0x78  }
0x178: {  	[tilespmem:s0+$0x1F0] =	vst.add.f32.msk $0xffff, v9  }
0x179: {  	[tilespmem:s0+$0x1E0] =	vst.add.f32.msk $0xffff, v11  }
0x17a: {  	[tilespmem:s0+$0x1D0] =	vst.add.f32.msk $0xffff, v10  }
0x17b: {  	[tilespmem:s0+$0x1C0] =	vst.add.f32.msk $0xffff, v8  }
0x17c: {  	[tilespmem:s0+$0x1B0] =	vst.add.f32.msk $0xffff, v9  }
0x17d: {  	[tilespmem:s0+$0x1A0] =	vst.add.f32.msk $0xffff, v11  }
0x17e: {  	[tilespmem:s0+$0x190] =	vst.add.f32.msk $0xffff, v10  }
0x17f: {  	[tilespmem:s0+$0x180] =	vst.add.f32.msk $0xffff, v8  }
0x180: {  	[tilespmem:s0+$0x170] =	vst.add.f32.msk $0xffff, v9  }
0x181: {  	[tilespmem:s0+$0x160] =	vst.add.f32.msk $0xffff, v11  }
0x182: {  	[tilespmem:s0+$0x150] =	vst.add.f32.msk $0xffff, v10  }
0x183: {  	[tilespmem:s0+$0x140] =	vst.add.f32.msk $0xffff, v8  }
0x184: {  	[tilespmem:s0+$0x130] =	vst.add.f32.msk $0xffff, v9  }
0x185: {  	[tilespmem:s0+$0x120] =	vst.add.f32.msk $0xffff, v11  }
0x186: {  	[tilespmem:s0+$0x110] =	vst.add.f32.msk $0xffff, v10  }
0x187: {  	[tilespmem:s0+$0x100] =	vst.add.f32.msk $0xffff, v8  }
0x188: {  	[tilespmem:s0+$0xF0] =	vst.add.f32.msk $0xffff, v9  }
0x189: {  	[tilespmem:s0+$0xE0] =	vst.add.f32.msk $0xffff, v11  }
0x18a: {  	[tilespmem:s0+$0xD0] =	vst.add.f32.msk $0xffff, v10  }
0x18b: {  	[tilespmem:s0+$0xC0] =	vst.add.f32.msk $0xffff, v8  }
0x18c: {  	[tilespmem:s0+$0xB0] =	vst.add.f32.msk $0xffff, v9  }
0x18d: {  	[tilespmem:s0+$0xA0] =	vst.add.f32.msk $0xffff, v11  }
0x18e: {  	[tilespmem:s0+$0x90] =	vst.add.f32.msk $0xffff, v10  }
0x18f: {  	[tilespmem:s0+$0x80] =	vst.add.f32.msk $0xffff, v8  }
0x190: {  	[tilespmem:s0+$0x70] =	vst.add.f32.msk $0xffff, v9  }
.Ltmp3:
0x191: {  	[tilespmem:s0+$0x60] =	vst.add.f32.msk $0xffff, v11;
	(pc) =	sbr.rel @p0 .LBB2_8-.Ltmp3, $4  }
0x192: {  	[tilespmem:s0+$0x50] =	vst.add.f32.msk $0xffff, v10  }
0x193: {  	[tilespmem:s0+$0x40] =	vst.add.f32.msk $0xffff, v8  }
0x194: {  	[tilespmem:s0+$0x30] =	vst.add.f32.msk $0xffff, v9  }
0x195: {  	[tilespmem:s0+$0x20] =	vst.add.f32.msk $0xffff, v11  }
0x196: {  	[tilespmem:s0+$0x10] =	vst.add.f32.msk $0xffff, v10  }
0x197: {  	s1 =	simm.s32 $0x13A00;
	s0 =	rddreg [dreg:$0x6]  }
0x198: {  	[hbm4b:s0+s29] =	stream.strided.scatter [tilespmem:s1], [sflag:$0xB], $0x2000, s20, s29, $0x38;
	[tilespmem:$0x1FA00] =	vst v63  }
0x199: {  	s28 =	simm.s32 $0x6700;
	s30 =	simm.s32 $0x1BA00  }
0x19a: {  	[tilespmem:s30], [sflag:$0x7] =	stream.indirect.gather [hbm4b:s3+s19], $0x40, s28, s19, $0xb8;
	[tilespmem:$0x1FA00] =	vst v63  }
0x19b: {  	_ =	swait.ge [sflag:s31], $0x2000  }
0x19c: {  	[sflag:s31] =	ssyncset.done $0x0  }
0x19d: {  	[sflag:s31] =	ssyncadd.s32 $0xFFFFE000  }
0x19e: {  	v8 =	vld [tilespmem:$0xC8C0]  }
0x19f: {  	v9 =	vld [tilespmem:$0xC8F0]  }
0x1a0: {  	v11 =	vld [tilespmem:$0xC8E0]  }
0x1a1: {  	v10 =	vld [tilespmem:$0xC8D0]  }
0x1a2: {  	s0 =	simm.s32 $0x15A00  }
0x1a3: {  	[tilespmem:s0+$0x0] =	vst.add.f32.msk $0xffff, v8  }
0x1a4: {  	[tilespmem:s0+$0x1F0] =	vst.add.f32.msk $0xffff, v9  }
0x1a5: {  	[tilespmem:s0+$0x1E0] =	vst.add.f32.msk $0xffff, v11  }
0x1a6: {  	[tilespmem:s0+$0x1D0] =	vst.add.f32.msk $0xffff, v10  }
0x1a7: {  	[tilespmem:s0+$0x1C0] =	vst.add.f32.msk $0xffff, v8  }
0x1a8: {  	[tilespmem:s0+$0x1B0] =	vst.add.f32.msk $0xffff, v9  }
0x1a9: {  	[tilespmem:s0+$0x1A0] =	vst.add.f32.msk $0xffff, v11  }
0x1aa: {  	[tilespmem:s0+$0x190] =	vst.add.f32.msk $0xffff, v10  }
0x1ab: {  	[tilespmem:s0+$0x180] =	vst.add.f32.msk $0xffff, v8  }
0x1ac: {  	[tilespmem:s0+$0x170] =	vst.add.f32.msk $0xffff, v9  }
0x1ad: {  	[tilespmem:s0+$0x160] =	vst.add.f32.msk $0xffff, v11  }
0x1ae: {  	[tilespmem:s0+$0x150] =	vst.add.f32.msk $0xffff, v10  }
0x1af: {  	[tilespmem:s0+$0x140] =	vst.add.f32.msk $0xffff, v8  }
0x1b0: {  	[tilespmem:s0+$0x130] =	vst.add.f32.msk $0xffff, v9  }
0x1b1: {  	[tilespmem:s0+$0x120] =	vst.add.f32.msk $0xffff, v11  }
0x1b2: {  	[tilespmem:s0+$0x110] =	vst.add.f32.msk $0xffff, v10  }
0x1b3: {  	[tilespmem:s0+$0x100] =	vst.add.f32.msk $0xffff, v8  }
0x1b4: {  	[tilespmem:s0+$0xF0] =	vst.add.f32.msk $0xffff, v9  }
0x1b5: {  	[tilespmem:s0+$0xE0] =	vst.add.f32.msk $0xffff, v11  }
0x1b6: {  	[tilespmem:s0+$0xD0] =	vst.add.f32.msk $0xffff, v10  }
0x1b7: {  	[tilespmem:s0+$0xC0] =	vst.add.f32.msk $0xffff, v8  }
0x1b8: {  	[tilespmem:s0+$0xB0] =	vst.add.f32.msk $0xffff, v9  }
0x1b9: {  	[tilespmem:s0+$0xA0] =	vst.add.f32.msk $0xffff, v11  }
0x1ba: {  	[tilespmem:s0+$0x90] =	vst.add.f32.msk $0xffff, v10  }
0x1bb: {  	[tilespmem:s0+$0x80] =	vst.add.f32.msk $0xffff, v8  }
0x1bc: {  	[tilespmem:s0+$0x70] =	vst.add.f32.msk $0xffff, v9  }
0x1bd: {  	[tilespmem:s0+$0x60] =	vst.add.f32.msk $0xffff, v11  }
0x1be: {  	[tilespmem:s0+$0x50] =	vst.add.f32.msk $0xffff, v10  }
0x1bf: {  	[tilespmem:s0+$0x40] =	vst.add.f32.msk $0xffff, v8  }
0x1c0: {  	[tilespmem:s0+$0x30] =	vst.add.f32.msk $0xffff, v9  }
0x1c1: {  	s1 =	simm.s32 $0x0;
	[tilespmem:s0+$0x20] =	vst.add.f32.msk $0xffff, v11  }
.LBB2_10:
0x1c2: {  	s1 =	sadd.s32 $0x8, s1;
	[tilespmem:s0+$0x10] =	vst.add.f32.msk $0xffff, v10;
	s0 =	sadd.s32 $0x200, s0  }
0x1c3: {  	[tilespmem:s0+$0x0] =	vst.add.f32.msk $0xffff, v8;
	p0 =	slt.u32 s1, $0x78  }
0x1c4: {  	[tilespmem:s0+$0x1F0] =	vst.add.f32.msk $0xffff, v9  }
0x1c5: {  	[tilespmem:s0+$0x1E0] =	vst.add.f32.msk $0xffff, v11  }
0x1c6: {  	[tilespmem:s0+$0x1D0] =	vst.add.f32.msk $0xffff, v10  }
0x1c7: {  	[tilespmem:s0+$0x1C0] =	vst.add.f32.msk $0xffff, v8  }
0x1c8: {  	[tilespmem:s0+$0x1B0] =	vst.add.f32.msk $0xffff, v9  }
0x1c9: {  	[tilespmem:s0+$0x1A0] =	vst.add.f32.msk $0xffff, v11  }
0x1ca: {  	[tilespmem:s0+$0x190] =	vst.add.f32.msk $0xffff, v10  }
0x1cb: {  	[tilespmem:s0+$0x180] =	vst.add.f32.msk $0xffff, v8  }
0x1cc: {  	[tilespmem:s0+$0x170] =	vst.add.f32.msk $0xffff, v9  }
0x1cd: {  	[tilespmem:s0+$0x160] =	vst.add.f32.msk $0xffff, v11  }
0x1ce: {  	[tilespmem:s0+$0x150] =	vst.add.f32.msk $0xffff, v10  }
0x1cf: {  	[tilespmem:s0+$0x140] =	vst.add.f32.msk $0xffff, v8  }
0x1d0: {  	[tilespmem:s0+$0x130] =	vst.add.f32.msk $0xffff, v9  }
0x1d1: {  	[tilespmem:s0+$0x120] =	vst.add.f32.msk $0xffff, v11  }
0x1d2: {  	[tilespmem:s0+$0x110] =	vst.add.f32.msk $0xffff, v10  }
0x1d3: {  	[tilespmem:s0+$0x100] =	vst.add.f32.msk $0xffff, v8  }
0x1d4: {  	[tilespmem:s0+$0xF0] =	vst.add.f32.msk $0xffff, v9  }
0x1d5: {  	[tilespmem:s0+$0xE0] =	vst.add.f32.msk $0xffff, v11  }
0x1d6: {  	[tilespmem:s0+$0xD0] =	vst.add.f32.msk $0xffff, v10  }
0x1d7: {  	[tilespmem:s0+$0xC0] =	vst.add.f32.msk $0xffff, v8  }
0x1d8: {  	[tilespmem:s0+$0xB0] =	vst.add.f32.msk $0xffff, v9  }
0x1d9: {  	[tilespmem:s0+$0xA0] =	vst.add.f32.msk $0xffff, v11  }
0x1da: {  	[tilespmem:s0+$0x90] =	vst.add.f32.msk $0xffff, v10  }
0x1db: {  	[tilespmem:s0+$0x80] =	vst.add.f32.msk $0xffff, v8  }
0x1dc: {  	[tilespmem:s0+$0x70] =	vst.add.f32.msk $0xffff, v9  }
.Ltmp4:
0x1dd: {  	[tilespmem:s0+$0x60] =	vst.add.f32.msk $0xffff, v11;
	(pc) =	sbr.rel @p0 .LBB2_10-.Ltmp4, $4  }
0x1de: {  	[tilespmem:s0+$0x50] =	vst.add.f32.msk $0xffff, v10  }
0x1df: {  	[tilespmem:s0+$0x40] =	vst.add.f32.msk $0xffff, v8  }
0x1e0: {  	[tilespmem:s0+$0x30] =	vst.add.f32.msk $0xffff, v9  }
0x1e1: {  	[tilespmem:s0+$0x20] =	vst.add.f32.msk $0xffff, v11  }
0x1e2: {  	[tilespmem:s0+$0x10] =	vst.add.f32.msk $0xffff, v10  }
0x1e3: {  	s1 =	simm.s32 $0x15A00;
	s0 =	rddreg [dreg:$0x7]  }
0x1e4: {  	[hbm4b:s0+s29] =	stream.strided.scatter [tilespmem:s1], [sflag:$0xC], $0x2000, s20, s29, $0x38;
	[tilespmem:$0x1FA00] =	vst v63  }
0x1e5: {  	s22 =	simm.s32 $0x6780;
	s28 =	simm.s32 $0x1DA00;
	s30 =	simm.s32 $0x0  }
0x1e6: {  	[tilespmem:s28], [sflag:$0x8] =	stream.indirect.gather [hbm4b:s3+s19], $0x40, s22, s19, $0xb8;
	[tilespmem:$0x1FA00] =	vst v63  }
.LBB2_12:
0x1e7: {  	s22 =	sshll.u32 s30, $0x3  }
0x1e8: {  	_ =	swait.ge [sflag:s7], $0x2000;
	s1 =	sor.u32 $0x4, s22  }
0x1e9: {  	[sflag:s7] =	ssyncset.done $0x0;
	s0 =	sshll.u32 s1, $0x6  }
0x1ea: {  	[sflag:s7] =	ssyncadd.s32 $0xFFFFE000;
	s0 =	sand.u32 $0x3FFFFF00, s0  }
0x1eb: {  	v9 =	vld [tilespmem:s0+$0xC800]  }
0x1ec: {  	v10 =	vld [tilespmem:s0+$0xC830]  }
0x1ed: {  	v11 =	vld [tilespmem:s0+$0xC820]  }
0x1ee: {  	v8 =	vld [tilespmem:s0+$0xC810]  }
0x1ef: {  	s5 =	simm.s32 $0x17A00  }
0x1f0: {  	[tilespmem:s5+$0x0] =	vst.add.f32.msk $0xffff, v9  }
0x1f1: {  	[tilespmem:s5+$0x1F0] =	vst.add.f32.msk $0xffff, v10  }
0x1f2: {  	[tilespmem:s5+$0x1E0] =	vst.add.f32.msk $0xffff, v11  }
0x1f3: {  	[tilespmem:s5+$0x1D0] =	vst.add.f32.msk $0xffff, v8  }
0x1f4: {  	[tilespmem:s5+$0x1C0] =	vst.add.f32.msk $0xffff, v9  }
0x1f5: {  	[tilespmem:s5+$0x1B0] =	vst.add.f32.msk $0xffff, v10  }
0x1f6: {  	[tilespmem:s5+$0x1A0] =	vst.add.f32.msk $0xffff, v11  }
0x1f7: {  	[tilespmem:s5+$0x190] =	vst.add.f32.msk $0xffff, v8  }
0x1f8: {  	[tilespmem:s5+$0x180] =	vst.add.f32.msk $0xffff, v9  }
0x1f9: {  	[tilespmem:s5+$0x170] =	vst.add.f32.msk $0xffff, v10  }
0x1fa: {  	[tilespmem:s5+$0x160] =	vst.add.f32.msk $0xffff, v11  }
0x1fb: {  	[tilespmem:s5+$0x150] =	vst.add.f32.msk $0xffff, v8  }
0x1fc: {  	[tilespmem:s5+$0x140] =	vst.add.f32.msk $0xffff, v9  }
0x1fd: {  	[tilespmem:s5+$0x130] =	vst.add.f32.msk $0xffff, v10  }
0x1fe: {  	[tilespmem:s5+$0x120] =	vst.add.f32.msk $0xffff, v11  }
0x1ff: {  	[tilespmem:s5+$0x110] =	vst.add.f32.msk $0xffff, v8  }
0x200: {  	[tilespmem:s5+$0x100] =	vst.add.f32.msk $0xffff, v9  }
0x201: {  	[tilespmem:s5+$0xF0] =	vst.add.f32.msk $0xffff, v10  }
0x202: {  	[tilespmem:s5+$0xE0] =	vst.add.f32.msk $0xffff, v11  }
0x203: {  	[tilespmem:s5+$0xD0] =	vst.add.f32.msk $0xffff, v8  }
0x204: {  	[tilespmem:s5+$0xC0] =	vst.add.f32.msk $0xffff, v9  }
0x205: {  	[tilespmem:s5+$0xB0] =	vst.add.f32.msk $0xffff, v10  }
0x206: {  	[tilespmem:s5+$0xA0] =	vst.add.f32.msk $0xffff, v11  }
0x207: {  	[tilespmem:s5+$0x90] =	vst.add.f32.msk $0xffff, v8  }
0x208: {  	[tilespmem:s5+$0x80] =	vst.add.f32.msk $0xffff, v9  }
0x209: {  	[tilespmem:s5+$0x70] =	vst.add.f32.msk $0xffff, v10  }
0x20a: {  	[tilespmem:s5+$0x60] =	vst.add.f32.msk $0xffff, v11  }
0x20b: {  	[tilespmem:s5+$0x50] =	vst.add.f32.msk $0xffff, v8  }
0x20c: {  	[tilespmem:s5+$0x40] =	vst.add.f32.msk $0xffff, v9  }
0x20d: {  	[tilespmem:s5+$0x30] =	vst.add.f32.msk $0xffff, v10  }
0x20e: {  	s0 =	simm.s32 $0x0;
	[tilespmem:s5+$0x20] =	vst.add.f32.msk $0xffff, v11  }
.LBB2_13:
0x20f: {  	s0 =	sadd.s32 $0x8, s0;
	[tilespmem:s5+$0x10] =	vst.add.f32.msk $0xffff, v8;
	s5 =	sadd.s32 $0x200, s5  }
0x210: {  	[tilespmem:s5+$0x0] =	vst.add.f32.msk $0xffff, v9;
	p0 =	slt.u32 s0, $0x78  }
0x211: {  	[tilespmem:s5+$0x1F0] =	vst.add.f32.msk $0xffff, v10  }
0x212: {  	[tilespmem:s5+$0x1E0] =	vst.add.f32.msk $0xffff, v11  }
0x213: {  	[tilespmem:s5+$0x1D0] =	vst.add.f32.msk $0xffff, v8  }
0x214: {  	[tilespmem:s5+$0x1C0] =	vst.add.f32.msk $0xffff, v9  }
0x215: {  	[tilespmem:s5+$0x1B0] =	vst.add.f32.msk $0xffff, v10  }
0x216: {  	[tilespmem:s5+$0x1A0] =	vst.add.f32.msk $0xffff, v11  }
0x217: {  	[tilespmem:s5+$0x190] =	vst.add.f32.msk $0xffff, v8  }
0x218: {  	[tilespmem:s5+$0x180] =	vst.add.f32.msk $0xffff, v9  }
0x219: {  	[tilespmem:s5+$0x170] =	vst.add.f32.msk $0xffff, v10  }
0x21a: {  	[tilespmem:s5+$0x160] =	vst.add.f32.msk $0xffff, v11  }
0x21b: {  	[tilespmem:s5+$0x150] =	vst.add.f32.msk $0xffff, v8  }
0x21c: {  	[tilespmem:s5+$0x140] =	vst.add.f32.msk $0xffff, v9  }
0x21d: {  	[tilespmem:s5+$0x130] =	vst.add.f32.msk $0xffff, v10  }
0x21e: {  	[tilespmem:s5+$0x120] =	vst.add.f32.msk $0xffff, v11  }
0x21f: {  	[tilespmem:s5+$0x110] =	vst.add.f32.msk $0xffff, v8  }
0x220: {  	[tilespmem:s5+$0x100] =	vst.add.f32.msk $0xffff, v9  }
0x221: {  	[tilespmem:s5+$0xF0] =	vst.add.f32.msk $0xffff, v10  }
0x222: {  	[tilespmem:s5+$0xE0] =	vst.add.f32.msk $0xffff, v11  }
0x223: {  	[tilespmem:s5+$0xD0] =	vst.add.f32.msk $0xffff, v8  }
0x224: {  	[tilespmem:s5+$0xC0] =	vst.add.f32.msk $0xffff, v9  }
0x225: {  	[tilespmem:s5+$0xB0] =	vst.add.f32.msk $0xffff, v10  }
0x226: {  	[tilespmem:s5+$0xA0] =	vst.add.f32.msk $0xffff, v11  }
0x227: {  	[tilespmem:s5+$0x90] =	vst.add.f32.msk $0xffff, v8  }
0x228: {  	[tilespmem:s5+$0x80] =	vst.add.f32.msk $0xffff, v9  }
0x229: {  	[tilespmem:s5+$0x70] =	vst.add.f32.msk $0xffff, v10  }
.Ltmp5:
0x22a: {  	[tilespmem:s5+$0x60] =	vst.add.f32.msk $0xffff, v11;
	(pc) =	sbr.rel @p0 .LBB2_13-.Ltmp5, $4  }
0x22b: {  	[tilespmem:s5+$0x50] =	vst.add.f32.msk $0xffff, v8  }
0x22c: {  	[tilespmem:s5+$0x40] =	vst.add.f32.msk $0xffff, v9  }
0x22d: {  	[tilespmem:s5+$0x30] =	vst.add.f32.msk $0xffff, v10  }
0x22e: {  	[tilespmem:s5+$0x20] =	vst.add.f32.msk $0xffff, v11  }
0x22f: {  	s0 =	sshll.u32 s1, $0x7  }
0x230: {  	s0 =	sadd.s32 s4, s0  }
0x231: {  	s0 =	sshrl.u32 s0, $0x3  }
0x232: {  	[tilespmem:s5+$0x10] =	vst.add.f32.msk $0xffff, v8;
	s0 =	sadd.s32 s6, s0  }
0x233: {  	[hbm4b:s0+s29] =	stream.strided.scatter [tilespmem:s24], [sflag:$0xD], $0x2000, s20, s29, $0x38;
	[tilespmem:$0x1FA00] =	vst v63  }
0x234: {  	s21 =	sadd.s32 $0x8, s22;
	_ =	swait.ge [sflag:s9], $0x2000  }
0x235: {  	s24 =	sshll.u32 s21, $0x7;
	[sflag:s9] =	ssyncset.done $0x0  }
0x236: {  	s18 =	simm.s32 $0xFA00;
	s5 =	sadd.s32 $0x6400, s24;
	[sflag:s9] =	ssyncadd.s32 $0xFFFFE000  }
0x237: {  	[tilespmem:s18], [sflag:$0x1] =	stream.indirect.gather [hbm4b:s3+s19], $0x40, s5, s19, $0xb8;
	[tilespmem:$0x1FA00] =	vst v63  }
0x238: {  	s1 =	sor.u32 $0x5, s22;
	_ =	swait.ge [sflag:s10], $0x2000  }
0x239: {  	s28 =	sshll.u32 s1, $0x6;
	[sflag:s10] =	ssyncset.done $0x0  }
0x23a: {  	s0 =	sand.u32 $0x3FFFFFC0, s28;
	[sflag:s10] =	ssyncadd.s32 $0xFFFFE000  }
0x23b: {  	v9 =	vld [tilespmem:s0+$0xC800]  }
0x23c: {  	v10 =	vld [tilespmem:s0+$0xC830]  }
0x23d: {  	v11 =	vld [tilespmem:s0+$0xC820]  }
0x23e: {  	v8 =	vld [tilespmem:s0+$0xC810]  }
0x23f: {  	s5 =	simm.s32 $0x19A00  }
0x240: {  	[tilespmem:s5+$0x0] =	vst.add.f32.msk $0xffff, v9  }
0x241: {  	[tilespmem:s5+$0x1F0] =	vst.add.f32.msk $0xffff, v10  }
0x242: {  	[tilespmem:s5+$0x1E0] =	vst.add.f32.msk $0xffff, v11  }
0x243: {  	[tilespmem:s5+$0x1D0] =	vst.add.f32.msk $0xffff, v8  }
0x244: {  	[tilespmem:s5+$0x1C0] =	vst.add.f32.msk $0xffff, v9  }
0x245: {  	[tilespmem:s5+$0x1B0] =	vst.add.f32.msk $0xffff, v10  }
0x246: {  	[tilespmem:s5+$0x1A0] =	vst.add.f32.msk $0xffff, v11  }
0x247: {  	[tilespmem:s5+$0x190] =	vst.add.f32.msk $0xffff, v8  }
0x248: {  	[tilespmem:s5+$0x180] =	vst.add.f32.msk $0xffff, v9  }
0x249: {  	[tilespmem:s5+$0x170] =	vst.add.f32.msk $0xffff, v10  }
0x24a: {  	[tilespmem:s5+$0x160] =	vst.add.f32.msk $0xffff, v11  }
0x24b: {  	[tilespmem:s5+$0x150] =	vst.add.f32.msk $0xffff, v8  }
0x24c: {  	[tilespmem:s5+$0x140] =	vst.add.f32.msk $0xffff, v9  }
0x24d: {  	[tilespmem:s5+$0x130] =	vst.add.f32.msk $0xffff, v10  }
0x24e: {  	[tilespmem:s5+$0x120] =	vst.add.f32.msk $0xffff, v11  }
0x24f: {  	[tilespmem:s5+$0x110] =	vst.add.f32.msk $0xffff, v8  }
0x250: {  	[tilespmem:s5+$0x100] =	vst.add.f32.msk $0xffff, v9  }
0x251: {  	[tilespmem:s5+$0xF0] =	vst.add.f32.msk $0xffff, v10  }
0x252: {  	[tilespmem:s5+$0xE0] =	vst.add.f32.msk $0xffff, v11  }
0x253: {  	[tilespmem:s5+$0xD0] =	vst.add.f32.msk $0xffff, v8  }
0x254: {  	[tilespmem:s5+$0xC0] =	vst.add.f32.msk $0xffff, v9  }
0x255: {  	[tilespmem:s5+$0xB0] =	vst.add.f32.msk $0xffff, v10  }
0x256: {  	[tilespmem:s5+$0xA0] =	vst.add.f32.msk $0xffff, v11  }
0x257: {  	[tilespmem:s5+$0x90] =	vst.add.f32.msk $0xffff, v8  }
0x258: {  	[tilespmem:s5+$0x80] =	vst.add.f32.msk $0xffff, v9  }
0x259: {  	[tilespmem:s5+$0x70] =	vst.add.f32.msk $0xffff, v10  }
0x25a: {  	[tilespmem:s5+$0x60] =	vst.add.f32.msk $0xffff, v11  }
0x25b: {  	[tilespmem:s5+$0x50] =	vst.add.f32.msk $0xffff, v8  }
0x25c: {  	[tilespmem:s5+$0x40] =	vst.add.f32.msk $0xffff, v9  }
0x25d: {  	[tilespmem:s5+$0x30] =	vst.add.f32.msk $0xffff, v10  }
0x25e: {  	s0 =	simm.s32 $0x0;
	[tilespmem:s5+$0x20] =	vst.add.f32.msk $0xffff, v11  }
.LBB2_15:
0x25f: {  	s0 =	sadd.s32 $0x8, s0;
	[tilespmem:s5+$0x10] =	vst.add.f32.msk $0xffff, v8;
	s5 =	sadd.s32 $0x200, s5  }
0x260: {  	[tilespmem:s5+$0x0] =	vst.add.f32.msk $0xffff, v9;
	p0 =	slt.u32 s0, $0x78  }
0x261: {  	[tilespmem:s5+$0x1F0] =	vst.add.f32.msk $0xffff, v10  }
0x262: {  	[tilespmem:s5+$0x1E0] =	vst.add.f32.msk $0xffff, v11  }
0x263: {  	[tilespmem:s5+$0x1D0] =	vst.add.f32.msk $0xffff, v8  }
0x264: {  	[tilespmem:s5+$0x1C0] =	vst.add.f32.msk $0xffff, v9  }
0x265: {  	[tilespmem:s5+$0x1B0] =	vst.add.f32.msk $0xffff, v10  }
0x266: {  	[tilespmem:s5+$0x1A0] =	vst.add.f32.msk $0xffff, v11  }
0x267: {  	[tilespmem:s5+$0x190] =	vst.add.f32.msk $0xffff, v8  }
0x268: {  	[tilespmem:s5+$0x180] =	vst.add.f32.msk $0xffff, v9  }
0x269: {  	[tilespmem:s5+$0x170] =	vst.add.f32.msk $0xffff, v10  }
0x26a: {  	[tilespmem:s5+$0x160] =	vst.add.f32.msk $0xffff, v11  }
0x26b: {  	[tilespmem:s5+$0x150] =	vst.add.f32.msk $0xffff, v8  }
0x26c: {  	[tilespmem:s5+$0x140] =	vst.add.f32.msk $0xffff, v9  }
0x26d: {  	[tilespmem:s5+$0x130] =	vst.add.f32.msk $0xffff, v10  }
0x26e: {  	[tilespmem:s5+$0x120] =	vst.add.f32.msk $0xffff, v11  }
0x26f: {  	[tilespmem:s5+$0x110] =	vst.add.f32.msk $0xffff, v8  }
0x270: {  	[tilespmem:s5+$0x100] =	vst.add.f32.msk $0xffff, v9  }
0x271: {  	[tilespmem:s5+$0xF0] =	vst.add.f32.msk $0xffff, v10  }
0x272: {  	[tilespmem:s5+$0xE0] =	vst.add.f32.msk $0xffff, v11  }
0x273: {  	[tilespmem:s5+$0xD0] =	vst.add.f32.msk $0xffff, v8  }
0x274: {  	[tilespmem:s5+$0xC0] =	vst.add.f32.msk $0xffff, v9  }
0x275: {  	[tilespmem:s5+$0xB0] =	vst.add.f32.msk $0xffff, v10  }
0x276: {  	[tilespmem:s5+$0xA0] =	vst.add.f32.msk $0xffff, v11  }
0x277: {  	[tilespmem:s5+$0x90] =	vst.add.f32.msk $0xffff, v8  }
0x278: {  	[tilespmem:s5+$0x80] =	vst.add.f32.msk $0xffff, v9  }
0x279: {  	[tilespmem:s5+$0x70] =	vst.add.f32.msk $0xffff, v10  }
.Ltmp6:
0x27a: {  	[tilespmem:s5+$0x60] =	vst.add.f32.msk $0xffff, v11;
	(pc) =	sbr.rel @p0 .LBB2_15-.Ltmp6, $4  }
0x27b: {  	[tilespmem:s5+$0x50] =	vst.add.f32.msk $0xffff, v8  }
0x27c: {  	[tilespmem:s5+$0x40] =	vst.add.f32.msk $0xffff, v9  }
0x27d: {  	[tilespmem:s5+$0x30] =	vst.add.f32.msk $0xffff, v10  }
0x27e: {  	[tilespmem:s5+$0x20] =	vst.add.f32.msk $0xffff, v11  }
0x27f: {  	s0 =	sshll.u32 s1, $0x7  }
0x280: {  	s0 =	sadd.s32 s4, s0  }
0x281: {  	s0 =	sshrl.u32 s0, $0x3  }
0x282: {  	[tilespmem:s5+$0x10] =	vst.add.f32.msk $0xffff, v8;
	s0 =	sadd.s32 s6, s0  }
0x283: {  	[hbm4b:s0+s29] =	stream.strided.scatter [tilespmem:s26], [sflag:$0xE], $0x2000, s20, s29, $0x38;
	[tilespmem:$0x1FA00] =	vst v63  }
0x284: {  	s18 =	sadd.s32 $0x9, s22;
	_ =	swait.ge [sflag:s11], $0x2000  }
0x285: {  	s26 =	sshll.u32 s18, $0x7;
	[sflag:s11] =	ssyncset.done $0x0  }
0x286: {  	s5 =	sadd.s32 $0x6400, s26;
	[sflag:s11] =	ssyncadd.s32 $0xFFFFE000  }
0x287: {  	[tilespmem:s25], [sflag:$0x2] =	stream.indirect.gather [hbm4b:s3+s19], $0x40, s5, s19, $0xb8;
	[tilespmem:$0x1FA00] =	vst v63  }
0x288: {  	s1 =	sor.u32 $0x6, s22;
	_ =	swait.ge [sflag:s12], $0x2000  }
0x289: {  	s28 =	sshll.u32 s1, $0x6;
	[sflag:s12] =	ssyncset.done $0x0  }
0x28a: {  	s0 =	sand.u32 $0x3FFFFFC0, s28;
	[sflag:s12] =	ssyncadd.s32 $0xFFFFE000  }
0x28b: {  	v9 =	vld [tilespmem:s0+$0xC800]  }
0x28c: {  	v10 =	vld [tilespmem:s0+$0xC830]  }
0x28d: {  	v11 =	vld [tilespmem:s0+$0xC820]  }
0x28e: {  	v8 =	vld [tilespmem:s0+$0xC810]  }
0x28f: {  	s5 =	simm.s32 $0x1BA00  }
0x290: {  	[tilespmem:s5+$0x0] =	vst.add.f32.msk $0xffff, v9  }
0x291: {  	[tilespmem:s5+$0x1F0] =	vst.add.f32.msk $0xffff, v10  }
0x292: {  	[tilespmem:s5+$0x1E0] =	vst.add.f32.msk $0xffff, v11  }
0x293: {  	[tilespmem:s5+$0x1D0] =	vst.add.f32.msk $0xffff, v8  }
0x294: {  	[tilespmem:s5+$0x1C0] =	vst.add.f32.msk $0xffff, v9  }
0x295: {  	[tilespmem:s5+$0x1B0] =	vst.add.f32.msk $0xffff, v10  }
0x296: {  	[tilespmem:s5+$0x1A0] =	vst.add.f32.msk $0xffff, v11  }
0x297: {  	[tilespmem:s5+$0x190] =	vst.add.f32.msk $0xffff, v8  }
0x298: {  	[tilespmem:s5+$0x180] =	vst.add.f32.msk $0xffff, v9  }
0x299: {  	[tilespmem:s5+$0x170] =	vst.add.f32.msk $0xffff, v10  }
0x29a: {  	[tilespmem:s5+$0x160] =	vst.add.f32.msk $0xffff, v11  }
0x29b: {  	[tilespmem:s5+$0x150] =	vst.add.f32.msk $0xffff, v8  }
0x29c: {  	[tilespmem:s5+$0x140] =	vst.add.f32.msk $0xffff, v9  }
0x29d: {  	[tilespmem:s5+$0x130] =	vst.add.f32.msk $0xffff, v10  }
0x29e: {  	[tilespmem:s5+$0x120] =	vst.add.f32.msk $0xffff, v11  }
0x29f: {  	[tilespmem:s5+$0x110] =	vst.add.f32.msk $0xffff, v8  }
0x2a0: {  	[tilespmem:s5+$0x100] =	vst.add.f32.msk $0xffff, v9  }
0x2a1: {  	[tilespmem:s5+$0xF0] =	vst.add.f32.msk $0xffff, v10  }
0x2a2: {  	[tilespmem:s5+$0xE0] =	vst.add.f32.msk $0xffff, v11  }
0x2a3: {  	[tilespmem:s5+$0xD0] =	vst.add.f32.msk $0xffff, v8  }
0x2a4: {  	[tilespmem:s5+$0xC0] =	vst.add.f32.msk $0xffff, v9  }
0x2a5: {  	[tilespmem:s5+$0xB0] =	vst.add.f32.msk $0xffff, v10  }
0x2a6: {  	[tilespmem:s5+$0xA0] =	vst.add.f32.msk $0xffff, v11  }
0x2a7: {  	[tilespmem:s5+$0x90] =	vst.add.f32.msk $0xffff, v8  }
0x2a8: {  	[tilespmem:s5+$0x80] =	vst.add.f32.msk $0xffff, v9  }
0x2a9: {  	[tilespmem:s5+$0x70] =	vst.add.f32.msk $0xffff, v10  }
0x2aa: {  	[tilespmem:s5+$0x60] =	vst.add.f32.msk $0xffff, v11  }
0x2ab: {  	[tilespmem:s5+$0x50] =	vst.add.f32.msk $0xffff, v8  }
0x2ac: {  	[tilespmem:s5+$0x40] =	vst.add.f32.msk $0xffff, v9  }
0x2ad: {  	[tilespmem:s5+$0x30] =	vst.add.f32.msk $0xffff, v10  }
0x2ae: {  	s0 =	simm.s32 $0x0;
	[tilespmem:s5+$0x20] =	vst.add.f32.msk $0xffff, v11  }
.LBB2_17:
0x2af: {  	s0 =	sadd.s32 $0x8, s0;
	[tilespmem:s5+$0x10] =	vst.add.f32.msk $0xffff, v8;
	s5 =	sadd.s32 $0x200, s5  }
0x2b0: {  	[tilespmem:s5+$0x0] =	vst.add.f32.msk $0xffff, v9;
	p0 =	slt.u32 s0, $0x78  }
0x2b1: {  	[tilespmem:s5+$0x1F0] =	vst.add.f32.msk $0xffff, v10  }
0x2b2: {  	[tilespmem:s5+$0x1E0] =	vst.add.f32.msk $0xffff, v11  }
0x2b3: {  	[tilespmem:s5+$0x1D0] =	vst.add.f32.msk $0xffff, v8  }
0x2b4: {  	[tilespmem:s5+$0x1C0] =	vst.add.f32.msk $0xffff, v9  }
0x2b5: {  	[tilespmem:s5+$0x1B0] =	vst.add.f32.msk $0xffff, v10  }
0x2b6: {  	[tilespmem:s5+$0x1A0] =	vst.add.f32.msk $0xffff, v11  }
0x2b7: {  	[tilespmem:s5+$0x190] =	vst.add.f32.msk $0xffff, v8  }
0x2b8: {  	[tilespmem:s5+$0x180] =	vst.add.f32.msk $0xffff, v9  }
0x2b9: {  	[tilespmem:s5+$0x170] =	vst.add.f32.msk $0xffff, v10  }
0x2ba: {  	[tilespmem:s5+$0x160] =	vst.add.f32.msk $0xffff, v11  }
0x2bb: {  	[tilespmem:s5+$0x150] =	vst.add.f32.msk $0xffff, v8  }
0x2bc: {  	[tilespmem:s5+$0x140] =	vst.add.f32.msk $0xffff, v9  }
0x2bd: {  	[tilespmem:s5+$0x130] =	vst.add.f32.msk $0xffff, v10  }
0x2be: {  	[tilespmem:s5+$0x120] =	vst.add.f32.msk $0xffff, v11  }
0x2bf: {  	[tilespmem:s5+$0x110] =	vst.add.f32.msk $0xffff, v8  }
0x2c0: {  	[tilespmem:s5+$0x100] =	vst.add.f32.msk $0xffff, v9  }
0x2c1: {  	[tilespmem:s5+$0xF0] =	vst.add.f32.msk $0xffff, v10  }
0x2c2: {  	[tilespmem:s5+$0xE0] =	vst.add.f32.msk $0xffff, v11  }
0x2c3: {  	[tilespmem:s5+$0xD0] =	vst.add.f32.msk $0xffff, v8  }
0x2c4: {  	[tilespmem:s5+$0xC0] =	vst.add.f32.msk $0xffff, v9  }
0x2c5: {  	[tilespmem:s5+$0xB0] =	vst.add.f32.msk $0xffff, v10  }
0x2c6: {  	[tilespmem:s5+$0xA0] =	vst.add.f32.msk $0xffff, v11  }
0x2c7: {  	[tilespmem:s5+$0x90] =	vst.add.f32.msk $0xffff, v8  }
0x2c8: {  	[tilespmem:s5+$0x80] =	vst.add.f32.msk $0xffff, v9  }
0x2c9: {  	[tilespmem:s5+$0x70] =	vst.add.f32.msk $0xffff, v10  }
.Ltmp7:
0x2ca: {  	[tilespmem:s5+$0x60] =	vst.add.f32.msk $0xffff, v11;
	(pc) =	sbr.rel @p0 .LBB2_17-.Ltmp7, $4  }
0x2cb: {  	[tilespmem:s5+$0x50] =	vst.add.f32.msk $0xffff, v8  }
0x2cc: {  	[tilespmem:s5+$0x40] =	vst.add.f32.msk $0xffff, v9  }
0x2cd: {  	[tilespmem:s5+$0x30] =	vst.add.f32.msk $0xffff, v10  }
0x2ce: {  	[tilespmem:s5+$0x20] =	vst.add.f32.msk $0xffff, v11  }
0x2cf: {  	s0 =	sshll.u32 s1, $0x7  }
0x2d0: {  	s0 =	sadd.s32 s4, s0  }
0x2d1: {  	s0 =	sshrl.u32 s0, $0x3  }
0x2d2: {  	[tilespmem:s5+$0x10] =	vst.add.f32.msk $0xffff, v8;
	s5 =	simm.s32 $0x1BA00;
	s0 =	sadd.s32 s6, s0  }
0x2d3: {  	[hbm4b:s0+s29] =	stream.strided.scatter [tilespmem:s5], [sflag:$0xF], $0x2000, s20, s29, $0x38;
	[tilespmem:$0x1FA00] =	vst v63  }
0x2d4: {  	s5 =	sadd.s32 $0xA, s22;
	_ =	swait.ge [sflag:s13], $0x2000  }
0x2d5: {  	s1 =	sshll.u32 s5, $0x7;
	[sflag:s13] =	ssyncset.done $0x0  }
0x2d6: {  	s25 =	simm.s32 $0x13A00;
	s0 =	sadd.s32 $0x6400, s1;
	[sflag:s13] =	ssyncadd.s32 $0xFFFFE000  }
0x2d7: {  	[tilespmem:s25], [sflag:$0x3] =	stream.indirect.gather [hbm4b:s3+s19], $0x40, s0, s19, $0xb8;
	[tilespmem:$0x1FA00] =	vst v63  }
0x2d8: {  	s28 =	sor.u32 $0x7, s22;
	_ =	swait.ge [sflag:s14], $0x2000  }
0x2d9: {  	s25 =	sshll.u32 s28, $0x6;
	[sflag:s14] =	ssyncset.done $0x0  }
0x2da: {  	s0 =	sand.u32 $0x3FFFFFC0, s25;
	[sflag:s14] =	ssyncadd.s32 $0xFFFFE000  }
0x2db: {  	v9 =	vld [tilespmem:s0+$0xC800]  }
0x2dc: {  	v10 =	vld [tilespmem:s0+$0xC830]  }
0x2dd: {  	v11 =	vld [tilespmem:s0+$0xC820]  }
0x2de: {  	v8 =	vld [tilespmem:s0+$0xC810]  }
0x2df: {  	s0 =	simm.s32 $0x1DA00  }
0x2e0: {  	[tilespmem:s0+$0x0] =	vst.add.f32.msk $0xffff, v9  }
0x2e1: {  	[tilespmem:s0+$0x1F0] =	vst.add.f32.msk $0xffff, v10  }
0x2e2: {  	[tilespmem:s0+$0x1E0] =	vst.add.f32.msk $0xffff, v11  }
0x2e3: {  	[tilespmem:s0+$0x1D0] =	vst.add.f32.msk $0xffff, v8  }
0x2e4: {  	[tilespmem:s0+$0x1C0] =	vst.add.f32.msk $0xffff, v9  }
0x2e5: {  	[tilespmem:s0+$0x1B0] =	vst.add.f32.msk $0xffff, v10  }
0x2e6: {  	[tilespmem:s0+$0x1A0] =	vst.add.f32.msk $0xffff, v11  }
0x2e7: {  	[tilespmem:s0+$0x190] =	vst.add.f32.msk $0xffff, v8  }
0x2e8: {  	[tilespmem:s0+$0x180] =	vst.add.f32.msk $0xffff, v9  }
0x2e9: {  	[tilespmem:s0+$0x170] =	vst.add.f32.msk $0xffff, v10  }
0x2ea: {  	[tilespmem:s0+$0x160] =	vst.add.f32.msk $0xffff, v11  }
0x2eb: {  	[tilespmem:s0+$0x150] =	vst.add.f32.msk $0xffff, v8  }
0x2ec: {  	[tilespmem:s0+$0x140] =	vst.add.f32.msk $0xffff, v9  }
0x2ed: {  	[tilespmem:s0+$0x130] =	vst.add.f32.msk $0xffff, v10  }
0x2ee: {  	[tilespmem:s0+$0x120] =	vst.add.f32.msk $0xffff, v11  }
0x2ef: {  	[tilespmem:s0+$0x110] =	vst.add.f32.msk $0xffff, v8  }
0x2f0: {  	[tilespmem:s0+$0x100] =	vst.add.f32.msk $0xffff, v9  }
0x2f1: {  	[tilespmem:s0+$0xF0] =	vst.add.f32.msk $0xffff, v10  }
0x2f2: {  	[tilespmem:s0+$0xE0] =	vst.add.f32.msk $0xffff, v11  }
0x2f3: {  	[tilespmem:s0+$0xD0] =	vst.add.f32.msk $0xffff, v8  }
0x2f4: {  	[tilespmem:s0+$0xC0] =	vst.add.f32.msk $0xffff, v9  }
0x2f5: {  	[tilespmem:s0+$0xB0] =	vst.add.f32.msk $0xffff, v10  }
0x2f6: {  	[tilespmem:s0+$0xA0] =	vst.add.f32.msk $0xffff, v11  }
0x2f7: {  	[tilespmem:s0+$0x90] =	vst.add.f32.msk $0xffff, v8  }
0x2f8: {  	[tilespmem:s0+$0x80] =	vst.add.f32.msk $0xffff, v9  }
0x2f9: {  	[tilespmem:s0+$0x70] =	vst.add.f32.msk $0xffff, v10  }
0x2fa: {  	[tilespmem:s0+$0x60] =	vst.add.f32.msk $0xffff, v11  }
0x2fb: {  	[tilespmem:s0+$0x50] =	vst.add.f32.msk $0xffff, v8  }
0x2fc: {  	[tilespmem:s0+$0x40] =	vst.add.f32.msk $0xffff, v9  }
0x2fd: {  	[tilespmem:s0+$0x30] =	vst.add.f32.msk $0xffff, v10  }
0x2fe: {  	s25 =	simm.s32 $0x0;
	[tilespmem:s0+$0x20] =	vst.add.f32.msk $0xffff, v11  }
.LBB2_19:
0x2ff: {  	s25 =	sadd.s32 $0x8, s25;
	[tilespmem:s0+$0x10] =	vst.add.f32.msk $0xffff, v8;
	s0 =	sadd.s32 $0x200, s0  }
0x300: {  	[tilespmem:s0+$0x0] =	vst.add.f32.msk $0xffff, v9;
	p0 =	slt.u32 s25, $0x78  }
0x301: {  	[tilespmem:s0+$0x1F0] =	vst.add.f32.msk $0xffff, v10  }
0x302: {  	[tilespmem:s0+$0x1E0] =	vst.add.f32.msk $0xffff, v11  }
0x303: {  	[tilespmem:s0+$0x1D0] =	vst.add.f32.msk $0xffff, v8  }
0x304: {  	[tilespmem:s0+$0x1C0] =	vst.add.f32.msk $0xffff, v9  }
0x305: {  	[tilespmem:s0+$0x1B0] =	vst.add.f32.msk $0xffff, v10  }
0x306: {  	[tilespmem:s0+$0x1A0] =	vst.add.f32.msk $0xffff, v11  }
0x307: {  	[tilespmem:s0+$0x190] =	vst.add.f32.msk $0xffff, v8  }
0x308: {  	[tilespmem:s0+$0x180] =	vst.add.f32.msk $0xffff, v9  }
0x309: {  	[tilespmem:s0+$0x170] =	vst.add.f32.msk $0xffff, v10  }
0x30a: {  	[tilespmem:s0+$0x160] =	vst.add.f32.msk $0xffff, v11  }
0x30b: {  	[tilespmem:s0+$0x150] =	vst.add.f32.msk $0xffff, v8  }
0x30c: {  	[tilespmem:s0+$0x140] =	vst.add.f32.msk $0xffff, v9  }
0x30d: {  	[tilespmem:s0+$0x130] =	vst.add.f32.msk $0xffff, v10  }
0x30e: {  	[tilespmem:s0+$0x120] =	vst.add.f32.msk $0xffff, v11  }
0x30f: {  	[tilespmem:s0+$0x110] =	vst.add.f32.msk $0xffff, v8  }
0x310: {  	[tilespmem:s0+$0x100] =	vst.add.f32.msk $0xffff, v9  }
0x311: {  	[tilespmem:s0+$0xF0] =	vst.add.f32.msk $0xffff, v10  }
0x312: {  	[tilespmem:s0+$0xE0] =	vst.add.f32.msk $0xffff, v11  }
0x313: {  	[tilespmem:s0+$0xD0] =	vst.add.f32.msk $0xffff, v8  }
0x314: {  	[tilespmem:s0+$0xC0] =	vst.add.f32.msk $0xffff, v9  }
0x315: {  	[tilespmem:s0+$0xB0] =	vst.add.f32.msk $0xffff, v10  }
0x316: {  	[tilespmem:s0+$0xA0] =	vst.add.f32.msk $0xffff, v11  }
0x317: {  	[tilespmem:s0+$0x90] =	vst.add.f32.msk $0xffff, v8  }
0x318: {  	[tilespmem:s0+$0x80] =	vst.add.f32.msk $0xffff, v9  }
0x319: {  	[tilespmem:s0+$0x70] =	vst.add.f32.msk $0xffff, v10  }
.Ltmp8:
0x31a: {  	[tilespmem:s0+$0x60] =	vst.add.f32.msk $0xffff, v11;
	(pc) =	sbr.rel @p0 .LBB2_19-.Ltmp8, $4  }
0x31b: {  	[tilespmem:s0+$0x50] =	vst.add.f32.msk $0xffff, v8  }
0x31c: {  	[tilespmem:s0+$0x40] =	vst.add.f32.msk $0xffff, v9  }
0x31d: {  	[tilespmem:s0+$0x30] =	vst.add.f32.msk $0xffff, v10  }
0x31e: {  	[tilespmem:s0+$0x20] =	vst.add.f32.msk $0xffff, v11  }
0x31f: {  	s25 =	sshll.u32 s28, $0x7  }
0x320: {  	s25 =	sadd.s32 s4, s25  }
0x321: {  	s25 =	sshrl.u32 s25, $0x3  }
0x322: {  	[tilespmem:s0+$0x10] =	vst.add.f32.msk $0xffff, v8;
	s0 =	sadd.s32 s6, s25;
	s25 =	simm.s32 $0x1DA00  }
0x323: {  	[hbm4b:s0+s29] =	stream.strided.scatter [tilespmem:s25], [sflag:$0x10], $0x2000, s20, s29, $0x38;
	[tilespmem:$0x1FA00] =	vst v63  }
0x324: {  	s28 =	sadd.s32 $0xB, s22;
	_ =	swait.ge [sflag:s15], $0x2000  }
0x325: {  	s22 =	sshll.u32 s28, $0x7;
	[sflag:s15] =	ssyncset.done $0x0  }
0x326: {  	s0 =	sadd.s32 $0x6400, s22;
	s25 =	simm.s32 $0x15A00;
	[sflag:s15] =	ssyncadd.s32 $0xFFFFE000  }
0x327: {  	[tilespmem:s25], [sflag:$0x4] =	stream.indirect.gather [hbm4b:s3+s19], $0x40, s0, s19, $0xb8;
	[tilespmem:$0x1FA00] =	vst v63  }
0x328: {  	s0 =	simm.s32 $0x1  }
0x329: {  	_ =	swait.ge [sflag:s0], $0x2000  }
0x32a: {  	s21 =	sshll.u32 s21, $0x6;
	[sflag:s0] =	ssyncset.done $0x0  }
0x32b: {  	[sflag:s0] =	ssyncadd.s32 $0xFFFFE000;
	s0 =	sand.u32 $0x3FFFFFC0, s21  }
0x32c: {  	v9 =	vld [tilespmem:s0+$0xC800]  }
0x32d: {  	v10 =	vld [tilespmem:s0+$0xC830]  }
0x32e: {  	v11 =	vld [tilespmem:s0+$0xC820]  }
0x32f: {  	v8 =	vld [tilespmem:s0+$0xC810]  }
0x330: {  	s0 =	simm.s32 $0xFA00  }
0x331: {  	[tilespmem:s0+$0x0] =	vst.add.f32.msk $0xffff, v9  }
0x332: {  	[tilespmem:s0+$0x1F0] =	vst.add.f32.msk $0xffff, v10  }
0x333: {  	[tilespmem:s0+$0x1E0] =	vst.add.f32.msk $0xffff, v11  }
0x334: {  	[tilespmem:s0+$0x1D0] =	vst.add.f32.msk $0xffff, v8  }
0x335: {  	[tilespmem:s0+$0x1C0] =	vst.add.f32.msk $0xffff, v9  }
0x336: {  	[tilespmem:s0+$0x1B0] =	vst.add.f32.msk $0xffff, v10  }
0x337: {  	[tilespmem:s0+$0x1A0] =	vst.add.f32.msk $0xffff, v11  }
0x338: {  	[tilespmem:s0+$0x190] =	vst.add.f32.msk $0xffff, v8  }
0x339: {  	[tilespmem:s0+$0x180] =	vst.add.f32.msk $0xffff, v9  }
0x33a: {  	[tilespmem:s0+$0x170] =	vst.add.f32.msk $0xffff, v10  }
0x33b: {  	[tilespmem:s0+$0x160] =	vst.add.f32.msk $0xffff, v11  }
0x33c: {  	[tilespmem:s0+$0x150] =	vst.add.f32.msk $0xffff, v8  }
0x33d: {  	[tilespmem:s0+$0x140] =	vst.add.f32.msk $0xffff, v9  }
0x33e: {  	[tilespmem:s0+$0x130] =	vst.add.f32.msk $0xffff, v10  }
0x33f: {  	[tilespmem:s0+$0x120] =	vst.add.f32.msk $0xffff, v11  }
0x340: {  	[tilespmem:s0+$0x110] =	vst.add.f32.msk $0xffff, v8  }
0x341: {  	[tilespmem:s0+$0x100] =	vst.add.f32.msk $0xffff, v9  }
0x342: {  	[tilespmem:s0+$0xF0] =	vst.add.f32.msk $0xffff, v10  }
0x343: {  	[tilespmem:s0+$0xE0] =	vst.add.f32.msk $0xffff, v11  }
0x344: {  	[tilespmem:s0+$0xD0] =	vst.add.f32.msk $0xffff, v8  }
0x345: {  	[tilespmem:s0+$0xC0] =	vst.add.f32.msk $0xffff, v9  }
0x346: {  	[tilespmem:s0+$0xB0] =	vst.add.f32.msk $0xffff, v10  }
0x347: {  	[tilespmem:s0+$0xA0] =	vst.add.f32.msk $0xffff, v11  }
0x348: {  	[tilespmem:s0+$0x90] =	vst.add.f32.msk $0xffff, v8  }
0x349: {  	[tilespmem:s0+$0x80] =	vst.add.f32.msk $0xffff, v9  }
0x34a: {  	[tilespmem:s0+$0x70] =	vst.add.f32.msk $0xffff, v10  }
0x34b: {  	[tilespmem:s0+$0x60] =	vst.add.f32.msk $0xffff, v11  }
0x34c: {  	[tilespmem:s0+$0x50] =	vst.add.f32.msk $0xffff, v8  }
0x34d: {  	[tilespmem:s0+$0x40] =	vst.add.f32.msk $0xffff, v9  }
0x34e: {  	[tilespmem:s0+$0x30] =	vst.add.f32.msk $0xffff, v10  }
0x34f: {  	s21 =	simm.s32 $0x0;
	[tilespmem:s0+$0x20] =	vst.add.f32.msk $0xffff, v11  }
.LBB2_21:
0x350: {  	s21 =	sadd.s32 $0x8, s21;
	[tilespmem:s0+$0x10] =	vst.add.f32.msk $0xffff, v8;
	s0 =	sadd.s32 $0x200, s0  }
0x351: {  	[tilespmem:s0+$0x0] =	vst.add.f32.msk $0xffff, v9;
	p0 =	slt.u32 s21, $0x78  }
0x352: {  	[tilespmem:s0+$0x1F0] =	vst.add.f32.msk $0xffff, v10  }
0x353: {  	[tilespmem:s0+$0x1E0] =	vst.add.f32.msk $0xffff, v11  }
0x354: {  	[tilespmem:s0+$0x1D0] =	vst.add.f32.msk $0xffff, v8  }
0x355: {  	[tilespmem:s0+$0x1C0] =	vst.add.f32.msk $0xffff, v9  }
0x356: {  	[tilespmem:s0+$0x1B0] =	vst.add.f32.msk $0xffff, v10  }
0x357: {  	[tilespmem:s0+$0x1A0] =	vst.add.f32.msk $0xffff, v11  }
0x358: {  	[tilespmem:s0+$0x190] =	vst.add.f32.msk $0xffff, v8  }
0x359: {  	[tilespmem:s0+$0x180] =	vst.add.f32.msk $0xffff, v9  }
0x35a: {  	[tilespmem:s0+$0x170] =	vst.add.f32.msk $0xffff, v10  }
0x35b: {  	[tilespmem:s0+$0x160] =	vst.add.f32.msk $0xffff, v11  }
0x35c: {  	[tilespmem:s0+$0x150] =	vst.add.f32.msk $0xffff, v8  }
0x35d: {  	[tilespmem:s0+$0x140] =	vst.add.f32.msk $0xffff, v9  }
0x35e: {  	[tilespmem:s0+$0x130] =	vst.add.f32.msk $0xffff, v10  }
0x35f: {  	[tilespmem:s0+$0x120] =	vst.add.f32.msk $0xffff, v11  }
0x360: {  	[tilespmem:s0+$0x110] =	vst.add.f32.msk $0xffff, v8  }
0x361: {  	[tilespmem:s0+$0x100] =	vst.add.f32.msk $0xffff, v9  }
0x362: {  	[tilespmem:s0+$0xF0] =	vst.add.f32.msk $0xffff, v10  }
0x363: {  	[tilespmem:s0+$0xE0] =	vst.add.f32.msk $0xffff, v11  }
0x364: {  	[tilespmem:s0+$0xD0] =	vst.add.f32.msk $0xffff, v8  }
0x365: {  	[tilespmem:s0+$0xC0] =	vst.add.f32.msk $0xffff, v9  }
0x366: {  	[tilespmem:s0+$0xB0] =	vst.add.f32.msk $0xffff, v10  }
0x367: {  	[tilespmem:s0+$0xA0] =	vst.add.f32.msk $0xffff, v11  }
0x368: {  	[tilespmem:s0+$0x90] =	vst.add.f32.msk $0xffff, v8  }
0x369: {  	[tilespmem:s0+$0x80] =	vst.add.f32.msk $0xffff, v9  }
0x36a: {  	[tilespmem:s0+$0x70] =	vst.add.f32.msk $0xffff, v10  }
.Ltmp9:
0x36b: {  	[tilespmem:s0+$0x60] =	vst.add.f32.msk $0xffff, v11;
	(pc) =	sbr.rel @p0 .LBB2_21-.Ltmp9, $4  }
0x36c: {  	[tilespmem:s0+$0x50] =	vst.add.f32.msk $0xffff, v8  }
0x36d: {  	[tilespmem:s0+$0x40] =	vst.add.f32.msk $0xffff, v9  }
0x36e: {  	[tilespmem:s0+$0x30] =	vst.add.f32.msk $0xffff, v10  }
0x36f: {  	[tilespmem:s0+$0x20] =	vst.add.f32.msk $0xffff, v11  }
0x370: {  	s21 =	sor.u32 s4, s24  }
0x371: {  	s21 =	sshrl.u32 s21, $0x3  }
0x372: {  	[tilespmem:s0+$0x10] =	vst.add.f32.msk $0xffff, v8;
	s24 =	simm.s32 $0xFA00;
	s21 =	sadd.s32 s6, s21  }
0x373: {  	[hbm4b:s21+s29] =	stream.strided.scatter [tilespmem:s24], [sflag:$0x9], $0x2000, s20, s29, $0x38;
	[tilespmem:$0x1FA00] =	vst v63  }
0x374: {  	s25 =	sshll.u32 s30, $0xA;
	_ =	swait.ge [sflag:s16], $0x2000  }
0x375: {  	s21 =	sand.u32 $0x3FFFFC00, s25;
	s24 =	simm.s32 $0x17A00;
	[sflag:s16] =	ssyncset.done $0x0  }
0x376: {  	s25 =	simm.s32 $0x2;
	s0 =	sadd.s32 $0x6A00, s21;
	[sflag:s16] =	ssyncadd.s32 $0xFFFFE000  }
0x377: {  	[tilespmem:s24], [sflag:$0x5] =	stream.indirect.gather [hbm4b:s3+s19], $0x40, s0, s19, $0xb8;
	[tilespmem:$0x1FA00] =	vst v63  }
0x378: {  	_ =	swait.ge [sflag:s25], $0x2000  }
0x379: {  	s18 =	sshll.u32 s18, $0x6;
	[sflag:s25] =	ssyncset.done $0x0  }
0x37a: {  	s0 =	sand.u32 $0x3FFFFFC0, s18;
	[sflag:s25] =	ssyncadd.s32 $0xFFFFE000  }
0x37b: {  	v9 =	vld [tilespmem:s0+$0xC800]  }
0x37c: {  	v10 =	vld [tilespmem:s0+$0xC830]  }
0x37d: {  	v11 =	vld [tilespmem:s0+$0xC820]  }
0x37e: {  	v8 =	vld [tilespmem:s0+$0xC810]  }
0x37f: {  	s0 =	simm.s32 $0x11A00  }
0x380: {  	[tilespmem:s0+$0x0] =	vst.add.f32.msk $0xffff, v9  }
0x381: {  	[tilespmem:s0+$0x1F0] =	vst.add.f32.msk $0xffff, v10  }
0x382: {  	[tilespmem:s0+$0x1E0] =	vst.add.f32.msk $0xffff, v11  }
0x383: {  	[tilespmem:s0+$0x1D0] =	vst.add.f32.msk $0xffff, v8  }
0x384: {  	[tilespmem:s0+$0x1C0] =	vst.add.f32.msk $0xffff, v9  }
0x385: {  	[tilespmem:s0+$0x1B0] =	vst.add.f32.msk $0xffff, v10  }
0x386: {  	[tilespmem:s0+$0x1A0] =	vst.add.f32.msk $0xffff, v11  }
0x387: {  	[tilespmem:s0+$0x190] =	vst.add.f32.msk $0xffff, v8  }
0x388: {  	[tilespmem:s0+$0x180] =	vst.add.f32.msk $0xffff, v9  }
0x389: {  	[tilespmem:s0+$0x170] =	vst.add.f32.msk $0xffff, v10  }
0x38a: {  	[tilespmem:s0+$0x160] =	vst.add.f32.msk $0xffff, v11  }
0x38b: {  	[tilespmem:s0+$0x150] =	vst.add.f32.msk $0xffff, v8  }
0x38c: {  	[tilespmem:s0+$0x140] =	vst.add.f32.msk $0xffff, v9  }
0x38d: {  	[tilespmem:s0+$0x130] =	vst.add.f32.msk $0xffff, v10  }
0x38e: {  	[tilespmem:s0+$0x120] =	vst.add.f32.msk $0xffff, v11  }
0x38f: {  	[tilespmem:s0+$0x110] =	vst.add.f32.msk $0xffff, v8  }
0x390: {  	[tilespmem:s0+$0x100] =	vst.add.f32.msk $0xffff, v9  }
0x391: {  	[tilespmem:s0+$0xF0] =	vst.add.f32.msk $0xffff, v10  }
0x392: {  	[tilespmem:s0+$0xE0] =	vst.add.f32.msk $0xffff, v11  }
0x393: {  	[tilespmem:s0+$0xD0] =	vst.add.f32.msk $0xffff, v8  }
0x394: {  	[tilespmem:s0+$0xC0] =	vst.add.f32.msk $0xffff, v9  }
0x395: {  	[tilespmem:s0+$0xB0] =	vst.add.f32.msk $0xffff, v10  }
0x396: {  	[tilespmem:s0+$0xA0] =	vst.add.f32.msk $0xffff, v11  }
0x397: {  	[tilespmem:s0+$0x90] =	vst.add.f32.msk $0xffff, v8  }
0x398: {  	[tilespmem:s0+$0x80] =	vst.add.f32.msk $0xffff, v9  }
0x399: {  	[tilespmem:s0+$0x70] =	vst.add.f32.msk $0xffff, v10  }
0x39a: {  	[tilespmem:s0+$0x60] =	vst.add.f32.msk $0xffff, v11  }
0x39b: {  	[tilespmem:s0+$0x50] =	vst.add.f32.msk $0xffff, v8  }
0x39c: {  	[tilespmem:s0+$0x40] =	vst.add.f32.msk $0xffff, v9  }
0x39d: {  	[tilespmem:s0+$0x30] =	vst.add.f32.msk $0xffff, v10  }
0x39e: {  	s18 =	simm.s32 $0x0;
	s25 =	simm.s32 $0x11A00;
	[tilespmem:s0+$0x20] =	vst.add.f32.msk $0xffff, v11  }
.LBB2_23:
0x39f: {  	s18 =	sadd.s32 $0x8, s18;
	[tilespmem:s0+$0x10] =	vst.add.f32.msk $0xffff, v8;
	s0 =	sadd.s32 $0x200, s0  }
0x3a0: {  	[tilespmem:s0+$0x0] =	vst.add.f32.msk $0xffff, v9;
	p0 =	slt.u32 s18, $0x78  }
0x3a1: {  	[tilespmem:s0+$0x1F0] =	vst.add.f32.msk $0xffff, v10  }
0x3a2: {  	[tilespmem:s0+$0x1E0] =	vst.add.f32.msk $0xffff, v11  }
0x3a3: {  	[tilespmem:s0+$0x1D0] =	vst.add.f32.msk $0xffff, v8  }
0x3a4: {  	[tilespmem:s0+$0x1C0] =	vst.add.f32.msk $0xffff, v9  }
0x3a5: {  	[tilespmem:s0+$0x1B0] =	vst.add.f32.msk $0xffff, v10  }
0x3a6: {  	[tilespmem:s0+$0x1A0] =	vst.add.f32.msk $0xffff, v11  }
0x3a7: {  	[tilespmem:s0+$0x190] =	vst.add.f32.msk $0xffff, v8  }
0x3a8: {  	[tilespmem:s0+$0x180] =	vst.add.f32.msk $0xffff, v9  }
0x3a9: {  	[tilespmem:s0+$0x170] =	vst.add.f32.msk $0xffff, v10  }
0x3aa: {  	[tilespmem:s0+$0x160] =	vst.add.f32.msk $0xffff, v11  }
0x3ab: {  	[tilespmem:s0+$0x150] =	vst.add.f32.msk $0xffff, v8  }
0x3ac: {  	[tilespmem:s0+$0x140] =	vst.add.f32.msk $0xffff, v9  }
0x3ad: {  	[tilespmem:s0+$0x130] =	vst.add.f32.msk $0xffff, v10  }
0x3ae: {  	[tilespmem:s0+$0x120] =	vst.add.f32.msk $0xffff, v11  }
0x3af: {  	[tilespmem:s0+$0x110] =	vst.add.f32.msk $0xffff, v8  }
0x3b0: {  	[tilespmem:s0+$0x100] =	vst.add.f32.msk $0xffff, v9  }
0x3b1: {  	[tilespmem:s0+$0xF0] =	vst.add.f32.msk $0xffff, v10  }
0x3b2: {  	[tilespmem:s0+$0xE0] =	vst.add.f32.msk $0xffff, v11  }
0x3b3: {  	[tilespmem:s0+$0xD0] =	vst.add.f32.msk $0xffff, v8  }
0x3b4: {  	[tilespmem:s0+$0xC0] =	vst.add.f32.msk $0xffff, v9  }
0x3b5: {  	[tilespmem:s0+$0xB0] =	vst.add.f32.msk $0xffff, v10  }
0x3b6: {  	[tilespmem:s0+$0xA0] =	vst.add.f32.msk $0xffff, v11  }
0x3b7: {  	[tilespmem:s0+$0x90] =	vst.add.f32.msk $0xffff, v8  }
0x3b8: {  	[tilespmem:s0+$0x80] =	vst.add.f32.msk $0xffff, v9  }
0x3b9: {  	[tilespmem:s0+$0x70] =	vst.add.f32.msk $0xffff, v10  }
.Ltmp10:
0x3ba: {  	[tilespmem:s0+$0x60] =	vst.add.f32.msk $0xffff, v11;
	(pc) =	sbr.rel @p0 .LBB2_23-.Ltmp10, $4  }
0x3bb: {  	[tilespmem:s0+$0x50] =	vst.add.f32.msk $0xffff, v8  }
0x3bc: {  	[tilespmem:s0+$0x40] =	vst.add.f32.msk $0xffff, v9  }
0x3bd: {  	[tilespmem:s0+$0x30] =	vst.add.f32.msk $0xffff, v10  }
0x3be: {  	[tilespmem:s0+$0x20] =	vst.add.f32.msk $0xffff, v11  }
0x3bf: {  	s18 =	sor.u32 s4, s26  }
0x3c0: {  	s18 =	sshrl.u32 s18, $0x3  }
0x3c1: {  	[tilespmem:s0+$0x10] =	vst.add.f32.msk $0xffff, v8;
	s26 =	sadd.s32 s6, s18  }
0x3c2: {  	[hbm4b:s26+s29] =	stream.strided.scatter [tilespmem:s25], [sflag:$0xA], $0x2000, s20, s29, $0x38;
	[tilespmem:$0x1FA00] =	vst v63  }
0x3c3: {  	_ =	swait.ge [sflag:s8], $0x2000  }
0x3c4: {  	s0 =	simm.s32 $0x3;
	[sflag:s8] =	ssyncset.done $0x0  }
0x3c5: {  	s18 =	sadd.s32 $0x6A80, s21;
	s26 =	simm.s32 $0x19A00;
	[sflag:s8] =	ssyncadd.s32 $0xFFFFE000  }
0x3c6: {  	[tilespmem:s26], [sflag:$0x6] =	stream.indirect.gather [hbm4b:s3+s19], $0x40, s18, s19, $0xb8;
	[tilespmem:$0x1FA00] =	vst v63  }
0x3c7: {  	_ =	swait.ge [sflag:s0], $0x2000  }
0x3c8: {  	s5 =	sshll.u32 s5, $0x6;
	[sflag:s0] =	ssyncset.done $0x0  }
0x3c9: {  	[sflag:s0] =	ssyncadd.s32 $0xFFFFE000;
	s0 =	sand.u32 $0x3FFFFFC0, s5  }
0x3ca: {  	v9 =	vld [tilespmem:s0+$0xC800]  }
0x3cb: {  	v10 =	vld [tilespmem:s0+$0xC830]  }
0x3cc: {  	v11 =	vld [tilespmem:s0+$0xC820]  }
0x3cd: {  	v8 =	vld [tilespmem:s0+$0xC810]  }
0x3ce: {  	s0 =	simm.s32 $0x13A00  }
0x3cf: {  	[tilespmem:s0+$0x0] =	vst.add.f32.msk $0xffff, v9  }
0x3d0: {  	[tilespmem:s0+$0x1F0] =	vst.add.f32.msk $0xffff, v10  }
0x3d1: {  	[tilespmem:s0+$0x1E0] =	vst.add.f32.msk $0xffff, v11  }
0x3d2: {  	[tilespmem:s0+$0x1D0] =	vst.add.f32.msk $0xffff, v8  }
0x3d3: {  	[tilespmem:s0+$0x1C0] =	vst.add.f32.msk $0xffff, v9  }
0x3d4: {  	[tilespmem:s0+$0x1B0] =	vst.add.f32.msk $0xffff, v10  }
0x3d5: {  	[tilespmem:s0+$0x1A0] =	vst.add.f32.msk $0xffff, v11  }
0x3d6: {  	[tilespmem:s0+$0x190] =	vst.add.f32.msk $0xffff, v8  }
0x3d7: {  	[tilespmem:s0+$0x180] =	vst.add.f32.msk $0xffff, v9  }
0x3d8: {  	[tilespmem:s0+$0x170] =	vst.add.f32.msk $0xffff, v10  }
0x3d9: {  	[tilespmem:s0+$0x160] =	vst.add.f32.msk $0xffff, v11  }
0x3da: {  	[tilespmem:s0+$0x150] =	vst.add.f32.msk $0xffff, v8  }
0x3db: {  	[tilespmem:s0+$0x140] =	vst.add.f32.msk $0xffff, v9  }
0x3dc: {  	[tilespmem:s0+$0x130] =	vst.add.f32.msk $0xffff, v10  }
0x3dd: {  	[tilespmem:s0+$0x120] =	vst.add.f32.msk $0xffff, v11  }
0x3de: {  	[tilespmem:s0+$0x110] =	vst.add.f32.msk $0xffff, v8  }
0x3df: {  	[tilespmem:s0+$0x100] =	vst.add.f32.msk $0xffff, v9  }
0x3e0: {  	[tilespmem:s0+$0xF0] =	vst.add.f32.msk $0xffff, v10  }
0x3e1: {  	[tilespmem:s0+$0xE0] =	vst.add.f32.msk $0xffff, v11  }
0x3e2: {  	[tilespmem:s0+$0xD0] =	vst.add.f32.msk $0xffff, v8  }
0x3e3: {  	[tilespmem:s0+$0xC0] =	vst.add.f32.msk $0xffff, v9  }
0x3e4: {  	[tilespmem:s0+$0xB0] =	vst.add.f32.msk $0xffff, v10  }
0x3e5: {  	[tilespmem:s0+$0xA0] =	vst.add.f32.msk $0xffff, v11  }
0x3e6: {  	[tilespmem:s0+$0x90] =	vst.add.f32.msk $0xffff, v8  }
0x3e7: {  	[tilespmem:s0+$0x80] =	vst.add.f32.msk $0xffff, v9  }
0x3e8: {  	[tilespmem:s0+$0x70] =	vst.add.f32.msk $0xffff, v10  }
0x3e9: {  	[tilespmem:s0+$0x60] =	vst.add.f32.msk $0xffff, v11  }
0x3ea: {  	[tilespmem:s0+$0x50] =	vst.add.f32.msk $0xffff, v8  }
0x3eb: {  	[tilespmem:s0+$0x40] =	vst.add.f32.msk $0xffff, v9  }
0x3ec: {  	[tilespmem:s0+$0x30] =	vst.add.f32.msk $0xffff, v10  }
0x3ed: {  	s5 =	simm.s32 $0x0;
	[tilespmem:s0+$0x20] =	vst.add.f32.msk $0xffff, v11  }
.LBB2_25:
0x3ee: {  	s5 =	sadd.s32 $0x8, s5;
	[tilespmem:s0+$0x10] =	vst.add.f32.msk $0xffff, v8;
	s0 =	sadd.s32 $0x200, s0  }
0x3ef: {  	[tilespmem:s0+$0x0] =	vst.add.f32.msk $0xffff, v9;
	p0 =	slt.u32 s5, $0x78  }
0x3f0: {  	[tilespmem:s0+$0x1F0] =	vst.add.f32.msk $0xffff, v10  }
0x3f1: {  	[tilespmem:s0+$0x1E0] =	vst.add.f32.msk $0xffff, v11  }
0x3f2: {  	[tilespmem:s0+$0x1D0] =	vst.add.f32.msk $0xffff, v8  }
0x3f3: {  	[tilespmem:s0+$0x1C0] =	vst.add.f32.msk $0xffff, v9  }
0x3f4: {  	[tilespmem:s0+$0x1B0] =	vst.add.f32.msk $0xffff, v10  }
0x3f5: {  	[tilespmem:s0+$0x1A0] =	vst.add.f32.msk $0xffff, v11  }
0x3f6: {  	[tilespmem:s0+$0x190] =	vst.add.f32.msk $0xffff, v8  }
0x3f7: {  	[tilespmem:s0+$0x180] =	vst.add.f32.msk $0xffff, v9  }
0x3f8: {  	[tilespmem:s0+$0x170] =	vst.add.f32.msk $0xffff, v10  }
0x3f9: {  	[tilespmem:s0+$0x160] =	vst.add.f32.msk $0xffff, v11  }
0x3fa: {  	[tilespmem:s0+$0x150] =	vst.add.f32.msk $0xffff, v8  }
0x3fb: {  	[tilespmem:s0+$0x140] =	vst.add.f32.msk $0xffff, v9  }
0x3fc: {  	[tilespmem:s0+$0x130] =	vst.add.f32.msk $0xffff, v10  }
0x3fd: {  	[tilespmem:s0+$0x120] =	vst.add.f32.msk $0xffff, v11  }
0x3fe: {  	[tilespmem:s0+$0x110] =	vst.add.f32.msk $0xffff, v8  }
0x3ff: {  	[tilespmem:s0+$0x100] =	vst.add.f32.msk $0xffff, v9  }
0x400: {  	[tilespmem:s0+$0xF0] =	vst.add.f32.msk $0xffff, v10  }
0x401: {  	[tilespmem:s0+$0xE0] =	vst.add.f32.msk $0xffff, v11  }
0x402: {  	[tilespmem:s0+$0xD0] =	vst.add.f32.msk $0xffff, v8  }
0x403: {  	[tilespmem:s0+$0xC0] =	vst.add.f32.msk $0xffff, v9  }
0x404: {  	[tilespmem:s0+$0xB0] =	vst.add.f32.msk $0xffff, v10  }
0x405: {  	[tilespmem:s0+$0xA0] =	vst.add.f32.msk $0xffff, v11  }
0x406: {  	[tilespmem:s0+$0x90] =	vst.add.f32.msk $0xffff, v8  }
0x407: {  	[tilespmem:s0+$0x80] =	vst.add.f32.msk $0xffff, v9  }
0x408: {  	[tilespmem:s0+$0x70] =	vst.add.f32.msk $0xffff, v10  }
.Ltmp11:
0x409: {  	[tilespmem:s0+$0x60] =	vst.add.f32.msk $0xffff, v11;
	(pc) =	sbr.rel @p0 .LBB2_25-.Ltmp11, $4  }
0x40a: {  	[tilespmem:s0+$0x50] =	vst.add.f32.msk $0xffff, v8  }
0x40b: {  	[tilespmem:s0+$0x40] =	vst.add.f32.msk $0xffff, v9  }
0x40c: {  	[tilespmem:s0+$0x30] =	vst.add.f32.msk $0xffff, v10  }
0x40d: {  	[tilespmem:s0+$0x20] =	vst.add.f32.msk $0xffff, v11  }
0x40e: {  	s1 =	sor.u32 s4, s1  }
0x40f: {  	s1 =	sshrl.u32 s1, $0x3  }
0x410: {  	[tilespmem:s0+$0x10] =	vst.add.f32.msk $0xffff, v8;
	s18 =	simm.s32 $0x13A00;
	s5 =	sadd.s32 s6, s1  }
0x411: {  	[hbm4b:s5+s29] =	stream.strided.scatter [tilespmem:s18], [sflag:$0xB], $0x2000, s20, s29, $0x38;
	[tilespmem:$0x1FA00] =	vst v63  }
0x412: {  	_ =	swait.ge [sflag:s17], $0x2000  }
0x413: {  	[sflag:s17] =	ssyncset.done $0x0  }
0x414: {  	s5 =	sadd.s32 $0x6B00, s21;
	s18 =	simm.s32 $0x1BA00;
	[sflag:s17] =	ssyncadd.s32 $0xFFFFE000  }
0x415: {  	[tilespmem:s18], [sflag:$0x7] =	stream.indirect.gather [hbm4b:s3+s19], $0x40, s5, s19, $0xb8;
	[tilespmem:$0x1FA00] =	vst v63  }
0x416: {  	_ =	swait.ge [sflag:s31], $0x2000  }
0x417: {  	s28 =	sshll.u32 s28, $0x6;
	[sflag:s31] =	ssyncset.done $0x0  }
0x418: {  	s0 =	sand.u32 $0x3FFFFFC0, s28;
	[sflag:s31] =	ssyncadd.s32 $0xFFFFE000  }
0x419: {  	v9 =	vld [tilespmem:s0+$0xC800]  }
0x41a: {  	v10 =	vld [tilespmem:s0+$0xC830]  }
0x41b: {  	v11 =	vld [tilespmem:s0+$0xC820]  }
0x41c: {  	v8 =	vld [tilespmem:s0+$0xC810]  }
0x41d: {  	s0 =	simm.s32 $0x15A00  }
0x41e: {  	[tilespmem:s0+$0x0] =	vst.add.f32.msk $0xffff, v9  }
0x41f: {  	[tilespmem:s0+$0x1F0] =	vst.add.f32.msk $0xffff, v10  }
0x420: {  	[tilespmem:s0+$0x1E0] =	vst.add.f32.msk $0xffff, v11  }
0x421: {  	[tilespmem:s0+$0x1D0] =	vst.add.f32.msk $0xffff, v8  }
0x422: {  	[tilespmem:s0+$0x1C0] =	vst.add.f32.msk $0xffff, v9  }
0x423: {  	[tilespmem:s0+$0x1B0] =	vst.add.f32.msk $0xffff, v10  }
0x424: {  	[tilespmem:s0+$0x1A0] =	vst.add.f32.msk $0xffff, v11  }
0x425: {  	[tilespmem:s0+$0x190] =	vst.add.f32.msk $0xffff, v8  }
0x426: {  	[tilespmem:s0+$0x180] =	vst.add.f32.msk $0xffff, v9  }
0x427: {  	[tilespmem:s0+$0x170] =	vst.add.f32.msk $0xffff, v10  }
0x428: {  	[tilespmem:s0+$0x160] =	vst.add.f32.msk $0xffff, v11  }
0x429: {  	[tilespmem:s0+$0x150] =	vst.add.f32.msk $0xffff, v8  }
0x42a: {  	[tilespmem:s0+$0x140] =	vst.add.f32.msk $0xffff, v9  }
0x42b: {  	[tilespmem:s0+$0x130] =	vst.add.f32.msk $0xffff, v10  }
0x42c: {  	[tilespmem:s0+$0x120] =	vst.add.f32.msk $0xffff, v11  }
0x42d: {  	[tilespmem:s0+$0x110] =	vst.add.f32.msk $0xffff, v8  }
0x42e: {  	[tilespmem:s0+$0x100] =	vst.add.f32.msk $0xffff, v9  }
0x42f: {  	[tilespmem:s0+$0xF0] =	vst.add.f32.msk $0xffff, v10  }
0x430: {  	[tilespmem:s0+$0xE0] =	vst.add.f32.msk $0xffff, v11  }
0x431: {  	[tilespmem:s0+$0xD0] =	vst.add.f32.msk $0xffff, v8  }
0x432: {  	[tilespmem:s0+$0xC0] =	vst.add.f32.msk $0xffff, v9  }
0x433: {  	[tilespmem:s0+$0xB0] =	vst.add.f32.msk $0xffff, v10  }
0x434: {  	[tilespmem:s0+$0xA0] =	vst.add.f32.msk $0xffff, v11  }
0x435: {  	[tilespmem:s0+$0x90] =	vst.add.f32.msk $0xffff, v8  }
0x436: {  	[tilespmem:s0+$0x80] =	vst.add.f32.msk $0xffff, v9  }
0x437: {  	[tilespmem:s0+$0x70] =	vst.add.f32.msk $0xffff, v10  }
0x438: {  	[tilespmem:s0+$0x60] =	vst.add.f32.msk $0xffff, v11  }
0x439: {  	[tilespmem:s0+$0x50] =	vst.add.f32.msk $0xffff, v8  }
0x43a: {  	[tilespmem:s0+$0x40] =	vst.add.f32.msk $0xffff, v9  }
0x43b: {  	[tilespmem:s0+$0x30] =	vst.add.f32.msk $0xffff, v10  }
0x43c: {  	s1 =	simm.s32 $0x0;
	[tilespmem:s0+$0x20] =	vst.add.f32.msk $0xffff, v11  }
.LBB2_27:
0x43d: {  	s1 =	sadd.s32 $0x8, s1;
	[tilespmem:s0+$0x10] =	vst.add.f32.msk $0xffff, v8;
	s0 =	sadd.s32 $0x200, s0  }
0x43e: {  	[tilespmem:s0+$0x0] =	vst.add.f32.msk $0xffff, v9;
	p0 =	slt.u32 s1, $0x78  }
0x43f: {  	[tilespmem:s0+$0x1F0] =	vst.add.f32.msk $0xffff, v10  }
0x440: {  	[tilespmem:s0+$0x1E0] =	vst.add.f32.msk $0xffff, v11  }
0x441: {  	[tilespmem:s0+$0x1D0] =	vst.add.f32.msk $0xffff, v8  }
0x442: {  	[tilespmem:s0+$0x1C0] =	vst.add.f32.msk $0xffff, v9  }
0x443: {  	[tilespmem:s0+$0x1B0] =	vst.add.f32.msk $0xffff, v10  }
0x444: {  	[tilespmem:s0+$0x1A0] =	vst.add.f32.msk $0xffff, v11  }
0x445: {  	[tilespmem:s0+$0x190] =	vst.add.f32.msk $0xffff, v8  }
0x446: {  	[tilespmem:s0+$0x180] =	vst.add.f32.msk $0xffff, v9  }
0x447: {  	[tilespmem:s0+$0x170] =	vst.add.f32.msk $0xffff, v10  }
0x448: {  	[tilespmem:s0+$0x160] =	vst.add.f32.msk $0xffff, v11  }
0x449: {  	[tilespmem:s0+$0x150] =	vst.add.f32.msk $0xffff, v8  }
0x44a: {  	[tilespmem:s0+$0x140] =	vst.add.f32.msk $0xffff, v9  }
0x44b: {  	[tilespmem:s0+$0x130] =	vst.add.f32.msk $0xffff, v10  }
0x44c: {  	[tilespmem:s0+$0x120] =	vst.add.f32.msk $0xffff, v11  }
0x44d: {  	[tilespmem:s0+$0x110] =	vst.add.f32.msk $0xffff, v8  }
0x44e: {  	[tilespmem:s0+$0x100] =	vst.add.f32.msk $0xffff, v9  }
0x44f: {  	[tilespmem:s0+$0xF0] =	vst.add.f32.msk $0xffff, v10  }
0x450: {  	[tilespmem:s0+$0xE0] =	vst.add.f32.msk $0xffff, v11  }
0x451: {  	[tilespmem:s0+$0xD0] =	vst.add.f32.msk $0xffff, v8  }
0x452: {  	[tilespmem:s0+$0xC0] =	vst.add.f32.msk $0xffff, v9  }
0x453: {  	[tilespmem:s0+$0xB0] =	vst.add.f32.msk $0xffff, v10  }
0x454: {  	[tilespmem:s0+$0xA0] =	vst.add.f32.msk $0xffff, v11  }
0x455: {  	[tilespmem:s0+$0x90] =	vst.add.f32.msk $0xffff, v8  }
0x456: {  	[tilespmem:s0+$0x80] =	vst.add.f32.msk $0xffff, v9  }
0x457: {  	[tilespmem:s0+$0x70] =	vst.add.f32.msk $0xffff, v10  }
.Ltmp12:
0x458: {  	[tilespmem:s0+$0x60] =	vst.add.f32.msk $0xffff, v11;
	(pc) =	sbr.rel @p0 .LBB2_27-.Ltmp12, $4  }
0x459: {  	[tilespmem:s0+$0x50] =	vst.add.f32.msk $0xffff, v8  }
0x45a: {  	[tilespmem:s0+$0x40] =	vst.add.f32.msk $0xffff, v9  }
0x45b: {  	[tilespmem:s0+$0x30] =	vst.add.f32.msk $0xffff, v10  }
0x45c: {  	[tilespmem:s0+$0x20] =	vst.add.f32.msk $0xffff, v11  }
0x45d: {  	s1 =	sor.u32 s4, s22  }
0x45e: {  	s30 =	sadd.s32 $0x1, s30;
	s1 =	sshrl.u32 s1, $0x3  }
0x45f: {  	[tilespmem:s0+$0x10] =	vst.add.f32.msk $0xffff, v8;
	s18 =	simm.s32 $0x15A00;
	p0 =	sne.s32 s30, $0x18;
	s5 =	sadd.s32 s6, s1  }
0x460: {  	[hbm4b:s5+s29] =	stream.strided.scatter [tilespmem:s18], [sflag:$0xC], $0x2000, s20, s29, $0x38;
	[tilespmem:$0x1FA00] =	vst v63  }
.Ltmp13:
0x461: {  	_ = 	snop;
	(pc) =	sbr.rel @p0 .LBB2_12-.Ltmp13, $4  }
0x462: {  	_ =	swait.ge [sflag:s23], $0x2000  }
0x463: {  	[sflag:s23] =	ssyncset.done $0x0  }
0x464: {  	s22 =	sadd.s32 $0x6B80, s21;
	s28 =	simm.s32 $0x1DA00;
	[sflag:s23] =	ssyncadd.s32 $0xFFFFE000  }
0x465: {  	[tilespmem:s28], [sflag:$0x8] =	stream.indirect.gather [hbm4b:s3+s19], $0x40, s22, s19, $0xb8;
	[tilespmem:$0x1FA00] =	vst v63  }
0x466: {  	_ =	swait.ge [sflag:s7], $0x2000  }
0x467: {  	[sflag:s7] =	ssyncset.done $0x0  }
0x468: {  	[sflag:s7] =	ssyncadd.s32 $0xFFFFE000  }
0x469: {  	v8 =	vld [tilespmem:$0xF900]  }
0x46a: {  	v9 =	vld [tilespmem:$0xF930]  }
0x46b: {  	v11 =	vld [tilespmem:$0xF920]  }
0x46c: {  	v10 =	vld [tilespmem:$0xF910]  }
0x46d: {  	s0 =	simm.s32 $0x17A00  }
0x46e: {  	[tilespmem:s0+$0x0] =	vst.add.f32.msk $0xffff, v8  }
0x46f: {  	[tilespmem:s0+$0x1F0] =	vst.add.f32.msk $0xffff, v9  }
0x470: {  	[tilespmem:s0+$0x1E0] =	vst.add.f32.msk $0xffff, v11  }
0x471: {  	[tilespmem:s0+$0x1D0] =	vst.add.f32.msk $0xffff, v10  }
0x472: {  	[tilespmem:s0+$0x1C0] =	vst.add.f32.msk $0xffff, v8  }
0x473: {  	[tilespmem:s0+$0x1B0] =	vst.add.f32.msk $0xffff, v9  }
0x474: {  	[tilespmem:s0+$0x1A0] =	vst.add.f32.msk $0xffff, v11  }
0x475: {  	[tilespmem:s0+$0x190] =	vst.add.f32.msk $0xffff, v10  }
0x476: {  	[tilespmem:s0+$0x180] =	vst.add.f32.msk $0xffff, v8  }
0x477: {  	[tilespmem:s0+$0x170] =	vst.add.f32.msk $0xffff, v9  }
0x478: {  	[tilespmem:s0+$0x160] =	vst.add.f32.msk $0xffff, v11  }
0x479: {  	[tilespmem:s0+$0x150] =	vst.add.f32.msk $0xffff, v10  }
0x47a: {  	[tilespmem:s0+$0x140] =	vst.add.f32.msk $0xffff, v8  }
0x47b: {  	[tilespmem:s0+$0x130] =	vst.add.f32.msk $0xffff, v9  }
0x47c: {  	[tilespmem:s0+$0x120] =	vst.add.f32.msk $0xffff, v11  }
0x47d: {  	[tilespmem:s0+$0x110] =	vst.add.f32.msk $0xffff, v10  }
0x47e: {  	[tilespmem:s0+$0x100] =	vst.add.f32.msk $0xffff, v8  }
0x47f: {  	[tilespmem:s0+$0xF0] =	vst.add.f32.msk $0xffff, v9  }
0x480: {  	[tilespmem:s0+$0xE0] =	vst.add.f32.msk $0xffff, v11  }
0x481: {  	[tilespmem:s0+$0xD0] =	vst.add.f32.msk $0xffff, v10  }
0x482: {  	[tilespmem:s0+$0xC0] =	vst.add.f32.msk $0xffff, v8  }
0x483: {  	[tilespmem:s0+$0xB0] =	vst.add.f32.msk $0xffff, v9  }
0x484: {  	[tilespmem:s0+$0xA0] =	vst.add.f32.msk $0xffff, v11  }
0x485: {  	[tilespmem:s0+$0x90] =	vst.add.f32.msk $0xffff, v10  }
0x486: {  	[tilespmem:s0+$0x80] =	vst.add.f32.msk $0xffff, v8  }
0x487: {  	[tilespmem:s0+$0x70] =	vst.add.f32.msk $0xffff, v9  }
0x488: {  	[tilespmem:s0+$0x60] =	vst.add.f32.msk $0xffff, v11  }
0x489: {  	[tilespmem:s0+$0x50] =	vst.add.f32.msk $0xffff, v10  }
0x48a: {  	[tilespmem:s0+$0x40] =	vst.add.f32.msk $0xffff, v8  }
0x48b: {  	[tilespmem:s0+$0x30] =	vst.add.f32.msk $0xffff, v9  }
0x48c: {  	s1 =	simm.s32 $0x0;
	[tilespmem:s0+$0x20] =	vst.add.f32.msk $0xffff, v11  }
.LBB2_30:
0x48d: {  	s1 =	sadd.s32 $0x8, s1;
	[tilespmem:s0+$0x10] =	vst.add.f32.msk $0xffff, v10;
	s0 =	sadd.s32 $0x200, s0  }
0x48e: {  	[tilespmem:s0+$0x0] =	vst.add.f32.msk $0xffff, v8;
	p0 =	slt.u32 s1, $0x78  }
0x48f: {  	[tilespmem:s0+$0x1F0] =	vst.add.f32.msk $0xffff, v9  }
0x490: {  	[tilespmem:s0+$0x1E0] =	vst.add.f32.msk $0xffff, v11  }
0x491: {  	[tilespmem:s0+$0x1D0] =	vst.add.f32.msk $0xffff, v10  }
0x492: {  	[tilespmem:s0+$0x1C0] =	vst.add.f32.msk $0xffff, v8  }
0x493: {  	[tilespmem:s0+$0x1B0] =	vst.add.f32.msk $0xffff, v9  }
0x494: {  	[tilespmem:s0+$0x1A0] =	vst.add.f32.msk $0xffff, v11  }
0x495: {  	[tilespmem:s0+$0x190] =	vst.add.f32.msk $0xffff, v10  }
0x496: {  	[tilespmem:s0+$0x180] =	vst.add.f32.msk $0xffff, v8  }
0x497: {  	[tilespmem:s0+$0x170] =	vst.add.f32.msk $0xffff, v9  }
0x498: {  	[tilespmem:s0+$0x160] =	vst.add.f32.msk $0xffff, v11  }
0x499: {  	[tilespmem:s0+$0x150] =	vst.add.f32.msk $0xffff, v10  }
0x49a: {  	[tilespmem:s0+$0x140] =	vst.add.f32.msk $0xffff, v8  }
0x49b: {  	[tilespmem:s0+$0x130] =	vst.add.f32.msk $0xffff, v9  }
0x49c: {  	[tilespmem:s0+$0x120] =	vst.add.f32.msk $0xffff, v11  }
0x49d: {  	[tilespmem:s0+$0x110] =	vst.add.f32.msk $0xffff, v10  }
0x49e: {  	[tilespmem:s0+$0x100] =	vst.add.f32.msk $0xffff, v8  }
0x49f: {  	[tilespmem:s0+$0xF0] =	vst.add.f32.msk $0xffff, v9  }
0x4a0: {  	[tilespmem:s0+$0xE0] =	vst.add.f32.msk $0xffff, v11  }
0x4a1: {  	[tilespmem:s0+$0xD0] =	vst.add.f32.msk $0xffff, v10  }
0x4a2: {  	[tilespmem:s0+$0xC0] =	vst.add.f32.msk $0xffff, v8  }
0x4a3: {  	[tilespmem:s0+$0xB0] =	vst.add.f32.msk $0xffff, v9  }
0x4a4: {  	[tilespmem:s0+$0xA0] =	vst.add.f32.msk $0xffff, v11  }
0x4a5: {  	[tilespmem:s0+$0x90] =	vst.add.f32.msk $0xffff, v10  }
0x4a6: {  	[tilespmem:s0+$0x80] =	vst.add.f32.msk $0xffff, v8  }
0x4a7: {  	[tilespmem:s0+$0x70] =	vst.add.f32.msk $0xffff, v9  }
.Ltmp14:
0x4a8: {  	[tilespmem:s0+$0x60] =	vst.add.f32.msk $0xffff, v11;
	(pc) =	sbr.rel @p0 .LBB2_30-.Ltmp14, $4  }
0x4a9: {  	[tilespmem:s0+$0x50] =	vst.add.f32.msk $0xffff, v10  }
0x4aa: {  	[tilespmem:s0+$0x40] =	vst.add.f32.msk $0xffff, v8  }
0x4ab: {  	[tilespmem:s0+$0x30] =	vst.add.f32.msk $0xffff, v9  }
0x4ac: {  	[tilespmem:s0+$0x20] =	vst.add.f32.msk $0xffff, v11  }
0x4ad: {  	[tilespmem:s0+$0x10] =	vst.add.f32.msk $0xffff, v10  }
0x4ae: {  	s0 =	rddreg [dreg:$0x8]  }
0x4af: {  	[hbm4b:s0+s29] =	stream.strided.scatter [tilespmem:s24], [sflag:$0xD], $0x2000, s20, s29, $0x38;
	[tilespmem:$0x1FA00] =	vst v63  }
0x4b0: {  	_ =	swait.ge [sflag:s9], $0x2000  }
0x4b1: {  	[sflag:s9] =	ssyncset.done $0x0  }
0x4b2: {  	[sflag:s9] =	ssyncadd.s32 $0xFFFFE000  }
0x4b3: {  	_ =	swait.ge [sflag:s10], $0x2000  }
0x4b4: {  	[sflag:s10] =	ssyncset.done $0x0  }
0x4b5: {  	[sflag:s10] =	ssyncadd.s32 $0xFFFFE000  }
0x4b6: {  	v8 =	vld [tilespmem:$0xF940]  }
0x4b7: {  	v9 =	vld [tilespmem:$0xF970]  }
0x4b8: {  	v11 =	vld [tilespmem:$0xF960]  }
0x4b9: {  	v10 =	vld [tilespmem:$0xF950]  }
0x4ba: {  	s0 =	simm.s32 $0x19A00  }
0x4bb: {  	[tilespmem:s0+$0x0] =	vst.add.f32.msk $0xffff, v8  }
0x4bc: {  	[tilespmem:s0+$0x1F0] =	vst.add.f32.msk $0xffff, v9  }
0x4bd: {  	[tilespmem:s0+$0x1E0] =	vst.add.f32.msk $0xffff, v11  }
0x4be: {  	[tilespmem:s0+$0x1D0] =	vst.add.f32.msk $0xffff, v10  }
0x4bf: {  	[tilespmem:s0+$0x1C0] =	vst.add.f32.msk $0xffff, v8  }
0x4c0: {  	[tilespmem:s0+$0x1B0] =	vst.add.f32.msk $0xffff, v9  }
0x4c1: {  	[tilespmem:s0+$0x1A0] =	vst.add.f32.msk $0xffff, v11  }
0x4c2: {  	[tilespmem:s0+$0x190] =	vst.add.f32.msk $0xffff, v10  }
0x4c3: {  	[tilespmem:s0+$0x180] =	vst.add.f32.msk $0xffff, v8  }
0x4c4: {  	[tilespmem:s0+$0x170] =	vst.add.f32.msk $0xffff, v9  }
0x4c5: {  	[tilespmem:s0+$0x160] =	vst.add.f32.msk $0xffff, v11  }
0x4c6: {  	[tilespmem:s0+$0x150] =	vst.add.f32.msk $0xffff, v10  }
0x4c7: {  	[tilespmem:s0+$0x140] =	vst.add.f32.msk $0xffff, v8  }
0x4c8: {  	[tilespmem:s0+$0x130] =	vst.add.f32.msk $0xffff, v9  }
0x4c9: {  	[tilespmem:s0+$0x120] =	vst.add.f32.msk $0xffff, v11  }
0x4ca: {  	[tilespmem:s0+$0x110] =	vst.add.f32.msk $0xffff, v10  }
0x4cb: {  	[tilespmem:s0+$0x100] =	vst.add.f32.msk $0xffff, v8  }
0x4cc: {  	[tilespmem:s0+$0xF0] =	vst.add.f32.msk $0xffff, v9  }
0x4cd: {  	[tilespmem:s0+$0xE0] =	vst.add.f32.msk $0xffff, v11  }
0x4ce: {  	[tilespmem:s0+$0xD0] =	vst.add.f32.msk $0xffff, v10  }
0x4cf: {  	[tilespmem:s0+$0xC0] =	vst.add.f32.msk $0xffff, v8  }
0x4d0: {  	[tilespmem:s0+$0xB0] =	vst.add.f32.msk $0xffff, v9  }
0x4d1: {  	[tilespmem:s0+$0xA0] =	vst.add.f32.msk $0xffff, v11  }
0x4d2: {  	[tilespmem:s0+$0x90] =	vst.add.f32.msk $0xffff, v10  }
0x4d3: {  	[tilespmem:s0+$0x80] =	vst.add.f32.msk $0xffff, v8  }
0x4d4: {  	[tilespmem:s0+$0x70] =	vst.add.f32.msk $0xffff, v9  }
0x4d5: {  	[tilespmem:s0+$0x60] =	vst.add.f32.msk $0xffff, v11  }
0x4d6: {  	[tilespmem:s0+$0x50] =	vst.add.f32.msk $0xffff, v10  }
0x4d7: {  	[tilespmem:s0+$0x40] =	vst.add.f32.msk $0xffff, v8  }
0x4d8: {  	[tilespmem:s0+$0x30] =	vst.add.f32.msk $0xffff, v9  }
0x4d9: {  	s1 =	simm.s32 $0x0;
	s22 =	simm.s32 $0x6500;
	[tilespmem:s0+$0x20] =	vst.add.f32.msk $0xffff, v11  }
.LBB2_32:
0x4da: {  	s1 =	sadd.s32 $0x8, s1;
	[tilespmem:s0+$0x10] =	vst.add.f32.msk $0xffff, v10;
	s0 =	sadd.s32 $0x200, s0  }
0x4db: {  	[tilespmem:s0+$0x0] =	vst.add.f32.msk $0xffff, v8;
	p0 =	slt.u32 s1, $0x78  }
0x4dc: {  	[tilespmem:s0+$0x1F0] =	vst.add.f32.msk $0xffff, v9  }
0x4dd: {  	[tilespmem:s0+$0x1E0] =	vst.add.f32.msk $0xffff, v11  }
0x4de: {  	[tilespmem:s0+$0x1D0] =	vst.add.f32.msk $0xffff, v10  }
0x4df: {  	[tilespmem:s0+$0x1C0] =	vst.add.f32.msk $0xffff, v8  }
0x4e0: {  	[tilespmem:s0+$0x1B0] =	vst.add.f32.msk $0xffff, v9  }
0x4e1: {  	[tilespmem:s0+$0x1A0] =	vst.add.f32.msk $0xffff, v11  }
0x4e2: {  	[tilespmem:s0+$0x190] =	vst.add.f32.msk $0xffff, v10  }
0x4e3: {  	[tilespmem:s0+$0x180] =	vst.add.f32.msk $0xffff, v8  }
0x4e4: {  	[tilespmem:s0+$0x170] =	vst.add.f32.msk $0xffff, v9  }
0x4e5: {  	[tilespmem:s0+$0x160] =	vst.add.f32.msk $0xffff, v11  }
0x4e6: {  	[tilespmem:s0+$0x150] =	vst.add.f32.msk $0xffff, v10  }
0x4e7: {  	[tilespmem:s0+$0x140] =	vst.add.f32.msk $0xffff, v8  }
0x4e8: {  	[tilespmem:s0+$0x130] =	vst.add.f32.msk $0xffff, v9  }
0x4e9: {  	[tilespmem:s0+$0x120] =	vst.add.f32.msk $0xffff, v11  }
0x4ea: {  	[tilespmem:s0+$0x110] =	vst.add.f32.msk $0xffff, v10  }
0x4eb: {  	[tilespmem:s0+$0x100] =	vst.add.f32.msk $0xffff, v8  }
0x4ec: {  	[tilespmem:s0+$0xF0] =	vst.add.f32.msk $0xffff, v9  }
0x4ed: {  	[tilespmem:s0+$0xE0] =	vst.add.f32.msk $0xffff, v11  }
0x4ee: {  	[tilespmem:s0+$0xD0] =	vst.add.f32.msk $0xffff, v10  }
0x4ef: {  	[tilespmem:s0+$0xC0] =	vst.add.f32.msk $0xffff, v8  }
0x4f0: {  	[tilespmem:s0+$0xB0] =	vst.add.f32.msk $0xffff, v9  }
0x4f1: {  	[tilespmem:s0+$0xA0] =	vst.add.f32.msk $0xffff, v11  }
0x4f2: {  	[tilespmem:s0+$0x90] =	vst.add.f32.msk $0xffff, v10  }
0x4f3: {  	[tilespmem:s0+$0x80] =	vst.add.f32.msk $0xffff, v8  }
0x4f4: {  	[tilespmem:s0+$0x70] =	vst.add.f32.msk $0xffff, v9  }
.Ltmp15:
0x4f5: {  	[tilespmem:s0+$0x60] =	vst.add.f32.msk $0xffff, v11;
	(pc) =	sbr.rel @p0 .LBB2_32-.Ltmp15, $4  }
0x4f6: {  	[tilespmem:s0+$0x50] =	vst.add.f32.msk $0xffff, v10  }
0x4f7: {  	[tilespmem:s0+$0x40] =	vst.add.f32.msk $0xffff, v8  }
0x4f8: {  	[tilespmem:s0+$0x30] =	vst.add.f32.msk $0xffff, v9  }
0x4f9: {  	[tilespmem:s0+$0x20] =	vst.add.f32.msk $0xffff, v11  }
0x4fa: {  	[tilespmem:s0+$0x10] =	vst.add.f32.msk $0xffff, v10  }
0x4fb: {  	s0 =	rddreg [dreg:$0x9]  }
0x4fc: {  	[hbm4b:s0+s29] =	stream.strided.scatter [tilespmem:s26], [sflag:$0xE], $0x2000, s20, s29, $0x38;
	[tilespmem:$0x1FA00] =	vst v63  }
0x4fd: {  	_ =	swait.ge [sflag:s11], $0x2000  }
0x4fe: {  	[sflag:s11] =	ssyncset.done $0x0  }
0x4ff: {  	[sflag:s11] =	ssyncadd.s32 $0xFFFFE000  }
0x500: {  	_ =	swait.ge [sflag:s12], $0x2000  }
0x501: {  	[sflag:s12] =	ssyncset.done $0x0  }
0x502: {  	[sflag:s12] =	ssyncadd.s32 $0xFFFFE000  }
0x503: {  	v8 =	vld [tilespmem:$0xF980]  }
0x504: {  	v9 =	vld [tilespmem:$0xF9B0]  }
0x505: {  	v11 =	vld [tilespmem:$0xF9A0]  }
0x506: {  	v10 =	vld [tilespmem:$0xF990]  }
0x507: {  	s0 =	simm.s32 $0x1BA00  }
0x508: {  	[tilespmem:s0+$0x0] =	vst.add.f32.msk $0xffff, v8  }
0x509: {  	[tilespmem:s0+$0x1F0] =	vst.add.f32.msk $0xffff, v9  }
0x50a: {  	[tilespmem:s0+$0x1E0] =	vst.add.f32.msk $0xffff, v11  }
0x50b: {  	[tilespmem:s0+$0x1D0] =	vst.add.f32.msk $0xffff, v10  }
0x50c: {  	[tilespmem:s0+$0x1C0] =	vst.add.f32.msk $0xffff, v8  }
0x50d: {  	[tilespmem:s0+$0x1B0] =	vst.add.f32.msk $0xffff, v9  }
0x50e: {  	[tilespmem:s0+$0x1A0] =	vst.add.f32.msk $0xffff, v11  }
0x50f: {  	[tilespmem:s0+$0x190] =	vst.add.f32.msk $0xffff, v10  }
0x510: {  	[tilespmem:s0+$0x180] =	vst.add.f32.msk $0xffff, v8  }
0x511: {  	[tilespmem:s0+$0x170] =	vst.add.f32.msk $0xffff, v9  }
0x512: {  	[tilespmem:s0+$0x160] =	vst.add.f32.msk $0xffff, v11  }
0x513: {  	[tilespmem:s0+$0x150] =	vst.add.f32.msk $0xffff, v10  }
0x514: {  	[tilespmem:s0+$0x140] =	vst.add.f32.msk $0xffff, v8  }
0x515: {  	[tilespmem:s0+$0x130] =	vst.add.f32.msk $0xffff, v9  }
0x516: {  	[tilespmem:s0+$0x120] =	vst.add.f32.msk $0xffff, v11  }
0x517: {  	[tilespmem:s0+$0x110] =	vst.add.f32.msk $0xffff, v10  }
0x518: {  	[tilespmem:s0+$0x100] =	vst.add.f32.msk $0xffff, v8  }
0x519: {  	[tilespmem:s0+$0xF0] =	vst.add.f32.msk $0xffff, v9  }
0x51a: {  	[tilespmem:s0+$0xE0] =	vst.add.f32.msk $0xffff, v11  }
0x51b: {  	[tilespmem:s0+$0xD0] =	vst.add.f32.msk $0xffff, v10  }
0x51c: {  	[tilespmem:s0+$0xC0] =	vst.add.f32.msk $0xffff, v8  }
0x51d: {  	[tilespmem:s0+$0xB0] =	vst.add.f32.msk $0xffff, v9  }
0x51e: {  	[tilespmem:s0+$0xA0] =	vst.add.f32.msk $0xffff, v11  }
0x51f: {  	[tilespmem:s0+$0x90] =	vst.add.f32.msk $0xffff, v10  }
0x520: {  	[tilespmem:s0+$0x80] =	vst.add.f32.msk $0xffff, v8  }
0x521: {  	[tilespmem:s0+$0x70] =	vst.add.f32.msk $0xffff, v9  }
0x522: {  	[tilespmem:s0+$0x60] =	vst.add.f32.msk $0xffff, v11  }
0x523: {  	[tilespmem:s0+$0x50] =	vst.add.f32.msk $0xffff, v10  }
0x524: {  	[tilespmem:s0+$0x40] =	vst.add.f32.msk $0xffff, v8  }
0x525: {  	[tilespmem:s0+$0x30] =	vst.add.f32.msk $0xffff, v9  }
0x526: {  	s1 =	simm.s32 $0x0;
	[tilespmem:s0+$0x20] =	vst.add.f32.msk $0xffff, v11  }
.LBB2_34:
0x527: {  	s1 =	sadd.s32 $0x8, s1;
	[tilespmem:s0+$0x10] =	vst.add.f32.msk $0xffff, v10;
	s0 =	sadd.s32 $0x200, s0  }
0x528: {  	[tilespmem:s0+$0x0] =	vst.add.f32.msk $0xffff, v8;
	p0 =	slt.u32 s1, $0x78  }
0x529: {  	[tilespmem:s0+$0x1F0] =	vst.add.f32.msk $0xffff, v9  }
0x52a: {  	[tilespmem:s0+$0x1E0] =	vst.add.f32.msk $0xffff, v11  }
0x52b: {  	[tilespmem:s0+$0x1D0] =	vst.add.f32.msk $0xffff, v10  }
0x52c: {  	[tilespmem:s0+$0x1C0] =	vst.add.f32.msk $0xffff, v8  }
0x52d: {  	[tilespmem:s0+$0x1B0] =	vst.add.f32.msk $0xffff, v9  }
0x52e: {  	[tilespmem:s0+$0x1A0] =	vst.add.f32.msk $0xffff, v11  }
0x52f: {  	[tilespmem:s0+$0x190] =	vst.add.f32.msk $0xffff, v10  }
0x530: {  	[tilespmem:s0+$0x180] =	vst.add.f32.msk $0xffff, v8  }
0x531: {  	[tilespmem:s0+$0x170] =	vst.add.f32.msk $0xffff, v9  }
0x532: {  	[tilespmem:s0+$0x160] =	vst.add.f32.msk $0xffff, v11  }
0x533: {  	[tilespmem:s0+$0x150] =	vst.add.f32.msk $0xffff, v10  }
0x534: {  	[tilespmem:s0+$0x140] =	vst.add.f32.msk $0xffff, v8  }
0x535: {  	[tilespmem:s0+$0x130] =	vst.add.f32.msk $0xffff, v9  }
0x536: {  	[tilespmem:s0+$0x120] =	vst.add.f32.msk $0xffff, v11  }
0x537: {  	[tilespmem:s0+$0x110] =	vst.add.f32.msk $0xffff, v10  }
0x538: {  	[tilespmem:s0+$0x100] =	vst.add.f32.msk $0xffff, v8  }
0x539: {  	[tilespmem:s0+$0xF0] =	vst.add.f32.msk $0xffff, v9  }
0x53a: {  	[tilespmem:s0+$0xE0] =	vst.add.f32.msk $0xffff, v11  }
0x53b: {  	[tilespmem:s0+$0xD0] =	vst.add.f32.msk $0xffff, v10  }
0x53c: {  	[tilespmem:s0+$0xC0] =	vst.add.f32.msk $0xffff, v8  }
0x53d: {  	[tilespmem:s0+$0xB0] =	vst.add.f32.msk $0xffff, v9  }
0x53e: {  	[tilespmem:s0+$0xA0] =	vst.add.f32.msk $0xffff, v11  }
0x53f: {  	[tilespmem:s0+$0x90] =	vst.add.f32.msk $0xffff, v10  }
0x540: {  	[tilespmem:s0+$0x80] =	vst.add.f32.msk $0xffff, v8  }
0x541: {  	[tilespmem:s0+$0x70] =	vst.add.f32.msk $0xffff, v9  }
.Ltmp16:
0x542: {  	[tilespmem:s0+$0x60] =	vst.add.f32.msk $0xffff, v11;
	(pc) =	sbr.rel @p0 .LBB2_34-.Ltmp16, $4  }
0x543: {  	[tilespmem:s0+$0x50] =	vst.add.f32.msk $0xffff, v10  }
0x544: {  	[tilespmem:s0+$0x40] =	vst.add.f32.msk $0xffff, v8  }
0x545: {  	[tilespmem:s0+$0x30] =	vst.add.f32.msk $0xffff, v9  }
0x546: {  	[tilespmem:s0+$0x20] =	vst.add.f32.msk $0xffff, v11  }
0x547: {  	[tilespmem:s0+$0x10] =	vst.add.f32.msk $0xffff, v10  }
0x548: {  	s1 =	simm.s32 $0x1BA00;
	s0 =	rddreg [dreg:$0xa]  }
0x549: {  	[hbm4b:s0+s29] =	stream.strided.scatter [tilespmem:s1], [sflag:$0xF], $0x2000, s20, s29, $0x38;
	[tilespmem:$0x1FA00] =	vst v63  }
0x54a: {  	_ =	swait.ge [sflag:s13], $0x2000  }
0x54b: {  	[sflag:s13] =	ssyncset.done $0x0  }
0x54c: {  	[sflag:s13] =	ssyncadd.s32 $0xFFFFE000  }
0x54d: {  	_ =	swait.ge [sflag:s14], $0x2000  }
0x54e: {  	[sflag:s14] =	ssyncset.done $0x0  }
0x54f: {  	[sflag:s14] =	ssyncadd.s32 $0xFFFFE000  }
0x550: {  	v8 =	vld [tilespmem:$0xF9C0]  }
0x551: {  	v9 =	vld [tilespmem:$0xF9F0]  }
0x552: {  	v11 =	vld [tilespmem:$0xF9E0]  }
0x553: {  	v10 =	vld [tilespmem:$0xF9D0]  }
0x554: {  	s0 =	simm.s32 $0x1DA00  }
0x555: {  	[tilespmem:s0+$0x0] =	vst.add.f32.msk $0xffff, v8  }
0x556: {  	[tilespmem:s0+$0x1F0] =	vst.add.f32.msk $0xffff, v9  }
0x557: {  	[tilespmem:s0+$0x1E0] =	vst.add.f32.msk $0xffff, v11  }
0x558: {  	[tilespmem:s0+$0x1D0] =	vst.add.f32.msk $0xffff, v10  }
0x559: {  	[tilespmem:s0+$0x1C0] =	vst.add.f32.msk $0xffff, v8  }
0x55a: {  	[tilespmem:s0+$0x1B0] =	vst.add.f32.msk $0xffff, v9  }
0x55b: {  	[tilespmem:s0+$0x1A0] =	vst.add.f32.msk $0xffff, v11  }
0x55c: {  	[tilespmem:s0+$0x190] =	vst.add.f32.msk $0xffff, v10  }
0x55d: {  	[tilespmem:s0+$0x180] =	vst.add.f32.msk $0xffff, v8  }
0x55e: {  	[tilespmem:s0+$0x170] =	vst.add.f32.msk $0xffff, v9  }
0x55f: {  	[tilespmem:s0+$0x160] =	vst.add.f32.msk $0xffff, v11  }
0x560: {  	[tilespmem:s0+$0x150] =	vst.add.f32.msk $0xffff, v10  }
0x561: {  	[tilespmem:s0+$0x140] =	vst.add.f32.msk $0xffff, v8  }
0x562: {  	[tilespmem:s0+$0x130] =	vst.add.f32.msk $0xffff, v9  }
0x563: {  	[tilespmem:s0+$0x120] =	vst.add.f32.msk $0xffff, v11  }
0x564: {  	[tilespmem:s0+$0x110] =	vst.add.f32.msk $0xffff, v10  }
0x565: {  	[tilespmem:s0+$0x100] =	vst.add.f32.msk $0xffff, v8  }
0x566: {  	[tilespmem:s0+$0xF0] =	vst.add.f32.msk $0xffff, v9  }
0x567: {  	[tilespmem:s0+$0xE0] =	vst.add.f32.msk $0xffff, v11  }
0x568: {  	[tilespmem:s0+$0xD0] =	vst.add.f32.msk $0xffff, v10  }
0x569: {  	[tilespmem:s0+$0xC0] =	vst.add.f32.msk $0xffff, v8  }
0x56a: {  	[tilespmem:s0+$0xB0] =	vst.add.f32.msk $0xffff, v9  }
0x56b: {  	[tilespmem:s0+$0xA0] =	vst.add.f32.msk $0xffff, v11  }
0x56c: {  	[tilespmem:s0+$0x90] =	vst.add.f32.msk $0xffff, v10  }
0x56d: {  	[tilespmem:s0+$0x80] =	vst.add.f32.msk $0xffff, v8  }
0x56e: {  	[tilespmem:s0+$0x70] =	vst.add.f32.msk $0xffff, v9  }
0x56f: {  	[tilespmem:s0+$0x60] =	vst.add.f32.msk $0xffff, v11  }
0x570: {  	[tilespmem:s0+$0x50] =	vst.add.f32.msk $0xffff, v10  }
0x571: {  	[tilespmem:s0+$0x40] =	vst.add.f32.msk $0xffff, v8  }
0x572: {  	[tilespmem:s0+$0x30] =	vst.add.f32.msk $0xffff, v9  }
0x573: {  	s1 =	simm.s32 $0x0;
	[tilespmem:s0+$0x20] =	vst.add.f32.msk $0xffff, v11  }
.LBB2_36:
0x574: {  	s1 =	sadd.s32 $0x8, s1;
	[tilespmem:s0+$0x10] =	vst.add.f32.msk $0xffff, v10;
	s0 =	sadd.s32 $0x200, s0  }
0x575: {  	[tilespmem:s0+$0x0] =	vst.add.f32.msk $0xffff, v8;
	p0 =	slt.u32 s1, $0x78  }
0x576: {  	[tilespmem:s0+$0x1F0] =	vst.add.f32.msk $0xffff, v9  }
0x577: {  	[tilespmem:s0+$0x1E0] =	vst.add.f32.msk $0xffff, v11  }
0x578: {  	[tilespmem:s0+$0x1D0] =	vst.add.f32.msk $0xffff, v10  }
0x579: {  	[tilespmem:s0+$0x1C0] =	vst.add.f32.msk $0xffff, v8  }
0x57a: {  	[tilespmem:s0+$0x1B0] =	vst.add.f32.msk $0xffff, v9  }
0x57b: {  	[tilespmem:s0+$0x1A0] =	vst.add.f32.msk $0xffff, v11  }
0x57c: {  	[tilespmem:s0+$0x190] =	vst.add.f32.msk $0xffff, v10  }
0x57d: {  	[tilespmem:s0+$0x180] =	vst.add.f32.msk $0xffff, v8  }
0x57e: {  	[tilespmem:s0+$0x170] =	vst.add.f32.msk $0xffff, v9  }
0x57f: {  	[tilespmem:s0+$0x160] =	vst.add.f32.msk $0xffff, v11  }
0x580: {  	[tilespmem:s0+$0x150] =	vst.add.f32.msk $0xffff, v10  }
0x581: {  	[tilespmem:s0+$0x140] =	vst.add.f32.msk $0xffff, v8  }
0x582: {  	[tilespmem:s0+$0x130] =	vst.add.f32.msk $0xffff, v9  }
0x583: {  	[tilespmem:s0+$0x120] =	vst.add.f32.msk $0xffff, v11  }
0x584: {  	[tilespmem:s0+$0x110] =	vst.add.f32.msk $0xffff, v10  }
0x585: {  	[tilespmem:s0+$0x100] =	vst.add.f32.msk $0xffff, v8  }
0x586: {  	[tilespmem:s0+$0xF0] =	vst.add.f32.msk $0xffff, v9  }
0x587: {  	[tilespmem:s0+$0xE0] =	vst.add.f32.msk $0xffff, v11  }
0x588: {  	[tilespmem:s0+$0xD0] =	vst.add.f32.msk $0xffff, v10  }
0x589: {  	[tilespmem:s0+$0xC0] =	vst.add.f32.msk $0xffff, v8  }
0x58a: {  	[tilespmem:s0+$0xB0] =	vst.add.f32.msk $0xffff, v9  }
0x58b: {  	[tilespmem:s0+$0xA0] =	vst.add.f32.msk $0xffff, v11  }
0x58c: {  	[tilespmem:s0+$0x90] =	vst.add.f32.msk $0xffff, v10  }
0x58d: {  	[tilespmem:s0+$0x80] =	vst.add.f32.msk $0xffff, v8  }
0x58e: {  	[tilespmem:s0+$0x70] =	vst.add.f32.msk $0xffff, v9  }
.Ltmp17:
0x58f: {  	[tilespmem:s0+$0x60] =	vst.add.f32.msk $0xffff, v11;
	(pc) =	sbr.rel @p0 .LBB2_36-.Ltmp17, $4  }
0x590: {  	[tilespmem:s0+$0x50] =	vst.add.f32.msk $0xffff, v10  }
0x591: {  	[tilespmem:s0+$0x40] =	vst.add.f32.msk $0xffff, v8  }
0x592: {  	[tilespmem:s0+$0x30] =	vst.add.f32.msk $0xffff, v9  }
0x593: {  	[tilespmem:s0+$0x20] =	vst.add.f32.msk $0xffff, v11  }
0x594: {  	[tilespmem:s0+$0x10] =	vst.add.f32.msk $0xffff, v10  }
0x595: {  	s1 =	simm.s32 $0x1DA00;
	s0 =	rddreg [dreg:$0xb]  }
0x596: {  	[hbm4b:s0+s29] =	stream.strided.scatter [tilespmem:s1], [sflag:$0x10], $0x2000, s20, s29, $0x38;
	[tilespmem:$0x1FA00] =	vst v63  }
0x597: {  	_ =	swait.ge [sflag:s15], $0x2000  }
0x598: {  	[sflag:s15] =	ssyncset.done $0x0  }
0x599: {  	[sflag:s15] =	ssyncadd.s32 $0xFFFFE000  }
0x59a: {  	_ =	swait.ge [sflag:s16], $0x2000  }
0x59b: {  	[sflag:s16] =	ssyncset.done $0x0  }
0x59c: {  	[sflag:s16] =	ssyncadd.s32 $0xFFFFE000  }
0x59d: {  	_ =	swait.ge [sflag:s8], $0x2000  }
0x59e: {  	[sflag:s8] =	ssyncset.done $0x0  }
0x59f: {  	[sflag:s8] =	ssyncadd.s32 $0xFFFFE000  }
0x5a0: {  	_ =	swait.ge [sflag:s17], $0x2000  }
0x5a1: {  	[sflag:s17] =	ssyncset.done $0x0  }
0x5a2: {  	[sflag:s17] =	ssyncadd.s32 $0xFFFFE000  }
0x5a3: {  	_ =	swait.ge [sflag:s23], $0x2000  }
0x5a4: {  	s28 =	rddreg [dreg:$0xd]  }
0x5a5: {  	s30 =	rddreg [dreg:$0xc];
	s1 =	sadd.s32 $0x1, s28  }
0x5a6: {  	p0 =	sne.s32 s1, s30  }
.Ltmp18:
0x5a7: {  	_ = 	snop;
	(pc) =	sbr.rel @p0 .LBB2_1-.Ltmp18, $3  }
0x5a8: {  	_ =	sdelay $0x1  }
0x5a9: {  	[sflag:s23] =	ssyncset.done $0x0  }
0x5aa: {  	[sflag:s23] =	ssyncadd.s32 $0xFFFFE000  }
0x5ab: {  	_ =	sfence.sel $0x180000  }
0x5ac: {  	[bflag:$0x0] =	sbarrier.arrive $0xFFFF  }
0x5ad: {  	_ =	strace $0x90000047  }
0x5ae: {  	s0 =	stileid.u32;
	[bflag:$0x2] =	sbarrier.arrive $0xFFFF  }
0x5af: {  	p0 =	sne.s32 s0, $0x0;
	s0 =	rddreg [dreg:$0x1]  }
0x5b0: {  	s0 =	sadd.s32 @!p0 $0x100000, s0  }
0x5b1: {  	[sflag:s0] =	ssyncadd.tile.s32 @!p0 $0x1;
	_ =	shalt  }
.Lfunc_end2:
_tile_overlayer_lowered:
.L_overlay_start_2:
0x5b2: {  	(tag) =	ssettag $0x2  }
0x5b3: {  	s0 =	rddreg [dreg:$0x0];
	s2 =	stileid.u32  }
0x5b4: {  	s1 =	rddreg [dreg:$0x1];
	p0 =	sne.s32 s2, $0x0  }
0x5b5: {  	s3 =	rddreg [dreg:$0x2];
	[bflag:$0x3] =	sbarrier.arrive $0xFFFF;
	s2 =	simm.s32 @!p0 $0x1C11  }
0x5b6: {  	[timem:s3], [sflag:s2] =	dma.local @!p0 [hbm:s0], s1  }
0x5b7: {  	s0 =	simm.s32 @!p0 $0x11  }
0x5b8: {  	_ =	swait.ge @!p0 [sflag:s0], s1  }
0x5b9: {  	s1 =	ssub.s32 @!p0 $0x0, s1;
	[sflag:s0] =	ssyncset.done @!p0 $0x0  }
0x5ba: {  	[sflag:s0] =	ssyncadd.s32 @!p0 s1  }
0x5bb: {  	[bflag:$0x3] =	sbarrier.arrive $0xFFFF  }
0x5bc: {  	_ =	shalt  }

// kernel: sparse-core-data-format-call.cloned.1.call-start
scs
called_computation_lowered:
.L_overlay_start_0:
0x0: {  	s2 =	sld [smem:$0x3FD9]  }
0x1: {  	s3 =	sld [smem:$0x3FFE];
	_ =	sdelay $0x1  }
0x2: {  	s1 =	srdreg.scid  }
0x3: {  	s0 =	sand.u32 $0x1, s1  }
0x4: {  	s18 =	sshll.u32 s0, $0xA;
	s2 =	sadd.s32 s3, s2  }
0x5: {  	s2 =	sadd.s32 s2, s18  }
0x6: {  	[smem:$0x3FC5] =	sst s2  }
0x7: {  	_ = 	snop  }
0x8: {  	s2 =	sld [smem:$0x3FD0];
	(tm) =	ssettm $0x1  }
0x9: {  	s19 =	sld [smem:$0x3FFB];
	_ =	sdelay $0x3  }
0xa: {  	_ =	strace s19  }
0xb: {  	s3 =	sld [smem:$0x3FFC];
	_ =	sdelay $0x3  }
0xc: {  	_ =	strace s3  }
0xd: {  	s3 =	sld [smem:$0x3FFD];
	_ =	sdelay $0x3  }
0xe: {  	_ =	strace s3  }
0xf: {  	_ =	strace $0x8FFFFFFF  }
0x10: {  	s20 =	sld [smem:$0x3FDB];
	_ =	sdelay $0x1  }
0x11: {  	s4 =	simm.s32 $_scs_section_size  }
0x12: {  	s5 =	simm.s32 $_size__tile_overlayer_lowered;
	s6 =	simm.s32 $_tile_overlayer_lowered  }
0x13: {  	s23 =	simm.s32 $0x1BFF;
	s22 =	sshll.u32 s6, $0x1;
	s3 =	sadd.s32 s4, s20  }
0x14: {  	s7 =	simm.s32 $0x0;
	s21 =	sshll.u32 s5, $0x1;
	s5 =	sadd.s32 s22, s3  }
0x15: {  	[timem:s7], [sflag:s23] =	dma.local [hbm:s5], s21  }
0x16: {  	_ =	swait.ge [sflag:s23], s21  }
0x17: {  	s4 =	ssub.s32 $0x0, s21;
	[sflag:s23] =	ssyncset.done $0x0  }
0x18: {  	[sflag:s23] =	ssyncadd.s32 s4;
	_ =	sdelay $0x1  }
0x19: {  	s24 =	simm.s32 $0x1B8B  }
0x1a: {  	_ =	swait.ge [sflag:s24], $0x1  }
0x1b: {  	[sflag:s24] =	ssyncset.done $0x0  }
0x1c: {  	s26 =	simm.s32 $0x1B8E;
	s25 =	sld [smem:$0x3FFE];
	[sflag:s24] =	ssyncadd.s32 $0xFFFFFFFF  }
0x1d: {  	s27 =	simm.s32 $execute0_lowered;
	[smem:$0x3FD2] =	sst s26  }
0x1e: {  	s5 =	sshll.u32 s27, $0x1;
	_ =	strace $0x80000049;
	[dreg:$0x1] =	wrdreg $0xFFFFFFFF  }
0x1f: {  	s28 =	simm.s32 $_size_execute0_lowered;
	s3 =	sadd.s32 s3, s5;
	[dreg:$0x0] =	wrdreg $0x0  }
0x20: {  	s5 =	sshll.u32 s28, $0x1;
	[dreg:$0x2] =	wrdreg s3  }
0x21: {  	[dreg:$0x3] =	wrdreg s5  }
0x22: {  	[dreg:$0x4] =	wrdreg $0xC0  }
0x23: {  	_ =	task [dreg:s7], $0x5FFFF  }
0x24: {  	[dreg:$0x1] =	wrdreg $0xFFFFFFFF  }
0x25: {  	[dreg:$0x0] =	wrdreg $0x60  }
0x26: {  	[dreg:$0x2] =	wrdreg s25  }
0x27: {  	[dreg:$0x3] =	wrdreg s2  }
0x28: {  	[dreg:$0x4] =	wrdreg $0x9  }
0x29: {  	_ =	task.clear_ibuf [dreg:s7], $0x5FFFF;
	_ =	strace $0x90000049  }
0x2a: {  	s29 =	simm.s32 $0x9;
	_ =	strace $0x8000004B  }
0x2b: {  	_ =	swait.ge [sflag:s29], $0x1  }
0x2c: {  	[sflag:s29] =	ssyncadd.s32 $0xFFFFFFFF  }
0x2d: {  	_ =	strace $0x9000004B  }
0x2e: {  	_ =	sfence  }
0x2f: {  	s30 =	sld [smem:$0x0];
	_ =	sdelay $0x2  }
0x30: {  	s31 =	sshll.u32 s1, $0xD;
	s1 =	sshrl.u32 s1, $0x2  }
0x31: {  	s3 =	sand.u32 $0x4000, s31;
	s1 =	sadd.s32 s1, s30  }
0x32: {  	s0 =	sor.u32 s3, s0;
	s1 =	sshll.u32 s1, $0x11  }
0x33: {  	s0 =	sor.u32 s1, s0  }
0x34: {  	s0 =	sadd.s32 $0x8F2B, s0  }
0x35: {  	[sflag:s0] =	ssyncadd.remote.s32 $0x1  }
0x36: {  	_ =	sfence.sel $0xFFFF  }
0x37: {  	[dreg:$0x0] =	wrdreg $0xFFFFFFFF;
	(pc) =	sbr.abs _section_cstart, $3  }
0x38: {  	[dreg:$0x1] =	wrdreg $0xFFFFFFFF  }
0x39: {  	_ =	task.clear_ibuf [dreg:s7], $0x2FFFF;
	_ =	strace $0x9FFFFFFF  }
0x3a: {  	(tm) =	ssettm $0x7FFFFFFF  }
0x3b: {  	_ =	shalt  }
tec
execute0_lowered:
.L_overlay_start_1:
0x0: {  	(tag) =	ssettag $0x1  }
0x1: {  	s0 =	srdreg.scid  }
0x2: {  	s1 =	sshll.u32 s0, $0x4  }
0x3: {  	s0 =	stileid.u32;
	s1 =	sand.u32 $0x10, s1  }
0x4: {  	s1 =	sor.u32 s0, s1  }
0x5: {  	s6 =	rddreg [dreg:$0x0];
	s4 =	simm.s32 $0x1;
	s2 =	sshll.u32 s1, $0x7  }
0x6: {  	s7 =	simm.s32 $0x2;
	s12 =	simm.s32 $0x0;
	s1 =	ssub.s32 $0x1000, s2  }
0x7: {  	s8 =	simm.s32 $0x8000;
	s13 =	simm.s32 $0x0;
	s3 =	sand.u32 $0xF80, s1  }
0x8: {  	s9 =	simm.s32 $0x0;
	s5 =	sshrl.u32 s1, $0xC;
	p0 =	sne.s32 s3, $0x0  }
.Ltmp0:
0x9: {  	s1 =	rddreg [dreg:$0x2];
	s4 =	simm.s32 @!p0 $0x0;
	(pc) =	sbr.rel .LBB1_1-.Ltmp0, $4  }
0xa: {  	s11 =	simm.s32 $0x0;
	s3 =	rddreg [dreg:$0x1];
	s5 =	sadd.s32 s4, s5  }
0xb: {  	_ =	strace $0x8000004A;
	s4 =	simm.s32 $0x1;
	s5 =	smul.u32 $0xC8, s5  }
0xc: {  	s6 =	sadd.s32 $0xDD600, s6;
	s10 =	smov.u32 s2;
	[sflag:s4] =	ssyncpa.u1 $0x0  }
0xd: {  	p0 =	por $0x0, $0x0;
	[sflag:s7] =	ssyncpa.u1 $0x0;
	s7 =	sor.u32 $0x1, s5  }
.LBB1_4:
0xe: {  	s16 =	sshll.u32 s13, $0x3;
	s17 =	sand.u32 $0x78, s13  }
0xf: {  	s30 =	sand.u32 $0x7E00, s13;
	s12 =	sshll.u32 s12, $0xF;
	s16 =	sand.u32 $0xC00, s16  }
0x10: {  	[tilespmem:s15+$0x810 ss:$0x81] =	vst.msk $0xffff, v2;
	s31 =	sand.u32 $0x7, s13;
	s16 =	sor.u32 s17, s16;
	s17 =	sadd.s32 s3, s30  }
0x11: {  	[tilespmem:s15+$0x1020 ss:$0x81] =	vst.msk $0xffff, v0;
	s13 =	sshll.u32 s31, $0x12;
	s12 =	sadd.s32 s12, s17;
	s16 =	sshrl.u32 s16, $0x3  }
0x12: {  	[tilespmem:s15+$0x0 ss:$0x81] =	vst.msk $0xffff, v1;
	s13 =	sor.u32 $0x400, s13;
	s12 =	sadd.s32 s16, s12  }
0x13: {  	[hbm4b:s12+s13] =	stream.strided.scatter [tilespmem:s14], [sflag:$0x2], $0x2000, s8, s13, $0x20;
	[tilespmem:$0x8080] =	vst v63  }
.LBB1_5:
0x14: {  	s14 =	sadd.s32 $0x1, s9  }
0x15: {  	s12 =	sadd.s32 $0x1000, s10;
	s16 =	smov.u32 s10;
	p2 =	sgt.s32 s14, $0xC7  }
0x16: {  	s16 =	smov.u32 @p2 s12  }
0x17: {  	s14 =	simm.s32 @p2 $0x0;
	p2 =	sgt.s32 s16, $0xFFF  }
0x18: {  	s16 =	smov.u32 @p2 s2;
	p2 =	sne.s32 s11, s7  }
.Ltmp1:
0x19: {  	p1 =	slt.u32 s11, $0x2;
	(pc) =	sbr.rel @!p2 .LBB1_6-.Ltmp1, $4  }
0x1a: {  	s15 =	simm.s32 @!p1 $0x2  }
0x1b: {  	s13 =	smov.u32 s10;
	p0 =	por !p0, !p0;
	_ =	swait.ge @!p1 [sflag:s15], $0x2000  }
0x1c: {  	s12 =	smov.u32 s9;
	[sflag:s15] =	ssyncset.done @!p1 $0x0;
	s9 =	smov.u32 s14  }
0x1d: {  	s11 =	sadd.s32 $0x1, s11;
	[sflag:s15] =	ssyncadd.s32 @!p1 $0xFFFFE000;
	s10 =	smov.u32 s16  }
.LBB1_1:
0x1e: {  	p1 =	sge.u32 s11, s5  }
0x1f: {  	s14 =	sand.u32 @!p1 $0x1FFFFFF, s9  }
0x20: {  	s15 =	smulhi.u32 @!p1 $0x147AE15, s14;
	_ =	sdelay $0x1  }
0x21: {  	s15 =	smul.u32 @!p1 $0xC8, s15  }
0x22: {  	s16 =	sxor.u32 @!p1 $0xFFFFFFFF, s11;
	s17 =	smul.u32 @!p1 $0xC80, s10  }
0x23: {  	s31 =	sadd.s32 $0xFFFFFFFF, s11;
	s16 =	sshll.u32 @!p1 s16, $0xD;
	s14 =	ssub.s32 @!p1 s14, s15  }
0x24: {  	s15 =	sand.u32 @!p1 $0x2000, s16;
	s16 =	sadd.s32 @!p1 s6, s17;
	s14 =	sshll.u32 @!p1 s14, $0x4  }
0x25: {  	s17 =	simm.s32 @!p1 $0x6400;
	s14 =	sadd.s32 @!p1 s14, s16;
	s16 =	simm.s32 @!p1 $0x40  }
0x26: {  	[tilespmem:s15], [sflag:$0x1] =	stream.strided.gather @!p1 [hbm4b:s14+s16], $0x2000, s17, s16, $0x38;
	[tilespmem:$0x8080] =	vst v63  }
0x27: {  	p1 =	sge.u32 s31, s5  }
.Ltmp2:
0x28: {  	_ = 	snop;
	(pc) =	sbr.rel @p1 .LBB1_5-.Ltmp2, $1  }
0x29: {  	_ =	sdelay $0x3  }
0x2a: {  	s14 =	simm.s32 $0x1  }
0x2b: {  	_ =	swait.ge [sflag:s4], $0x2000;
	s14 =	simm.s32 @!p0 $0x0  }
0x2c: {  	[sflag:s4] =	ssyncset.done $0x0;
	s15 =	sshll.u32 s14, $0xD  }
0x2d: {  	[sflag:s4] =	ssyncadd.s32 $0xFFFFE000;
	s18 =	sor.u32 $0x20, s15  }
0x2e: {  	s14 =	smul.u32 $0x8100, s14;
	v3 =	vld [tilespmem:s18+$0x10]  }
0x2f: {  	s30 =	sand.u32 $0x1, s11;
	v2 =	vld [tilespmem:s18+$0xFFFFFFF0]  }
0x30: {  	s15 =	smul.u32 $0x8100, s30;
	s14 =	sshrl.u32 s14, $0x2;
	v0 =	vld [tilespmem:s18+$0x0]  }
0x31: {  	v1 =	vld [tilespmem:s18+$0xFFFFFFE0];
	s16 =	sor.u32 $0x4000, s14  }
0x32: {  	s31 =	sshrl.u32 s15, $0x2;
	s15 =	sadd.s32 $0x0, s16  }
0x33: {  	s17 =	simm.s32 $0x4;
	s18 =	sadd.s32 $0x40, s18;
	s14 =	sor.u32 $0x4000, s31;
	[tilespmem:s15+$0x1830 ss:$0x81] =	vst.msk $0xffff, v3  }
.LBB1_3:
0x34: {  	v3 =	vld [tilespmem:s18+$0x10];
	p1 =	sne.s32 s17, $0x1FC;
	[tilespmem:s15+$0x810 ss:$0x81] =	vst.msk $0xffff, v2;
	s19 =	smov.u32 s17;
	s17 =	sadd.s32 $0x4, s17  }
.Ltmp3:
0x35: {  	v2 =	vld [tilespmem:s18+$0xFFFFFFF0];
	[tilespmem:s15+$0x1020 ss:$0x81] =	vst.msk $0xffff, v0;
	(pc) =	sbr.rel @p1 .LBB1_3-.Ltmp3, $4  }
0x36: {  	v0 =	vld [tilespmem:s18+$0x0];
	[tilespmem:s15+$0x0 ss:$0x81] =	vst.msk $0xffff, v1  }
0x37: {  	s15 =	sshra.s32 s19, $0x2;
	v1 =	vld [tilespmem:s18+$0xFFFFFFE0]  }
0x38: {  	s15 =	sadd.s32 s15, s16  }
0x39: {  	s18 =	sadd.s32 $0x40, s18;
	[tilespmem:s15+$0x1830 ss:$0x81] =	vst.msk $0xffff, v3  }
.Ltmp4:
0x3a: {  	_ = 	snop;
	(pc) =	sbr.rel .LBB1_4-.Ltmp4, $1  }
0x3b: {  	_ =	sdelay $0x3  }
.LBB1_6:
0x3c: {  	_ =	sfence.sel $0x180000  }
0x3d: {  	s2 =	simm.s32 $0x1;
	[bflag:$0x0] =	sbarrier.arrive $0xFFFF  }
0x3e: {  	s31 =	simm.s32 $0x2;
	[sflag:s2] =	ssyncpa.u1 $0x1  }
0x3f: {  	[sflag:s31] =	ssyncpa.u1 $0x1  }
0x40: {  	p0 =	sne.s32 s0, $0x0;
	_ =	strace $0x9000004A  }
0x41: {  	s0 =	sadd.s32 @!p0 $0x100000, s1;
	[bflag:$0x2] =	sbarrier.arrive $0xFFFF  }
0x42: {  	[sflag:s0] =	ssyncadd.tile.s32 @!p0 $0x1;
	_ =	shalt  }
.Lfunc_end1:
_tile_overlayer_lowered:
.L_overlay_start_2:
0x43: {  	(tag) =	ssettag $0x2  }
0x44: {  	s0 =	rddreg [dreg:$0x0];
	s2 =	stileid.u32  }
0x45: {  	s1 =	rddreg [dreg:$0x1];
	p0 =	sne.s32 s2, $0x0  }
0x46: {  	s3 =	rddreg [dreg:$0x2];
	[bflag:$0x3] =	sbarrier.arrive $0xFFFF;
	s2 =	simm.s32 @!p0 $0x1C01  }
0x47: {  	[timem:s3], [sflag:s2] =	dma.local @!p0 [hbm:s0], s1  }
0x48: {  	s0 =	simm.s32 @!p0 $0x1  }
0x49: {  	_ =	swait.ge @!p0 [sflag:s0], s1  }
0x4a: {  	s1 =	ssub.s32 @!p0 $0x0, s1;
	[sflag:s0] =	ssyncset.done @!p0 $0x0  }
0x4b: {  	[sflag:s0] =	ssyncadd.s32 @!p0 s1  }
0x4c: {  	[bflag:$0x3] =	sbarrier.arrive $0xFFFF  }
0x4d: {  	_ =	shalt  }

</sc_bundles>
